<compile_context>
chip_gen: v7x
topology: tpu7x:2x2x1
jax: 0.10.2.dev20260603
libtpu: 0.0.44.dev20260713+nightly
codegen_flags: <defaults>
</compile_context>

<pallas_src>
import functools

import jax
import jax.numpy as jnp
from jax import lax
from jax.experimental import pallas as pl
from jax.experimental.pallas import tpu as pltpu
from jax.experimental.pallas import tpu_sc as plsc

N_EDGES = 320000
N_NODES_C = 10000
D_FEAT = 128
N_GRAPHS = 64

NC, NS, L = 2, 16, 16
NW = NC * NS
ROWS_PER = N_GRAPHS // NS
K = 112
NRING = 3

C_TC = 2560
N_SC_CH = 63
SC_E = N_SC_CH * C_TC
TC_E = N_EDGES - SC_E
NSTEP = TC_E // C_TC
E_PER = SC_E // NW
NCH = E_PER // K
TCH = 2 * NCH
G_PER = TC_E // NW


def _gidx_body(ei0, ei1, batch1, g0_o, g1_o, recip_o,
               batch_v, dst_v, gq_v, rbuf):
    cid = lax.axis_index("c")
    sid = lax.axis_index("s")
    wid = sid * NC + cid
    base_e = pl.multiple_of(SC_E + wid * G_PER, 8)
    base_o = pl.multiple_of(wid * G_PER, 8)

    pltpu.sync_copy(batch1, batch_v)
    pltpu.sync_copy(ei0.at[pl.ds(base_e, G_PER)], dst_v.at[pl.ds(0, G_PER)])
    pltpu.sync_copy(ei1.at[pl.ds(base_e, G_PER)],
                    dst_v.at[pl.ds(G_PER, G_PER)])

    def gbody(i, carry):
        idx16 = dst_v[pl.ds(i * L, L)]
        gq_v[pl.ds(i * L, L)] = plsc.load_gather(batch_v, [idx16])
        return carry

    lax.fori_loop(0, 2 * G_PER // L, gbody, None)
    pltpu.sync_copy(gq_v.at[pl.ds(0, G_PER)], g0_o.at[pl.ds(base_o, G_PER)])
    pltpu.sync_copy(gq_v.at[pl.ds(G_PER, G_PER)],
                    g1_o.at[pl.ds(base_o, G_PER)])

    @pl.when(cid == 0)
    def _recip():
        lanes = lax.iota(jnp.int32, L)
        gq = sid * ROWS_PER + (lanes & 3) + jnp.where((lanes >> 2) == 1, 1, 0)
        lo = jnp.zeros((L,), jnp.int32)
        hi = jnp.full((L,), N_NODES_C, jnp.int32)
        for _ in range(14):
            active = lo < hi
            mid = (lo + hi) >> 1
            x = plsc.load_gather(batch_v, [jnp.minimum(mid, N_NODES_C - 1)])
            go_right = active & (x < gq)
            lo = jnp.where(go_right, mid + 1, lo)
            hi = jnp.where(active & (~go_right), mid, hi)
        for r in range(ROWS_PER):
            lb_a = jnp.sum(jnp.where(lanes == r, lo, 0))
            lb_b = jnp.sum(jnp.where(lanes == r + ROWS_PER, lo, 0))
            cntv = jnp.full((L,), lb_b - lb_a, jnp.int32)
            row = 1.0 / jnp.maximum(cntv.astype(jnp.float32), 1.0)
            for s8 in range(D_FEAT // L):
                rbuf[r, pl.ds(s8 * L, L)] = row
        pltpu.sync_copy(rbuf, recip_o.at[pl.ds(sid * ROWS_PER, ROWS_PER)])


_sc_gidx = functools.partial(
    pl.kernel,
    out_type=(jax.ShapeDtypeStruct((TC_E,), jnp.int32),
              jax.ShapeDtypeStruct((TC_E,), jnp.int32),
              jax.ShapeDtypeStruct((N_GRAPHS, D_FEAT), jnp.float32)),
    mesh=plsc.VectorSubcoreMesh(core_axis_name="c", subcore_axis_name="s",
                                num_cores=NC, num_subcores=NS),
    compiler_params=pltpu.CompilerParams(needs_layout_passes=False),
    scratch_types=[
        pltpu.VMEM((N_NODES_C,), jnp.int32),
        pltpu.VMEM((2 * G_PER,), jnp.int32),
        pltpu.VMEM((2 * G_PER,), jnp.int32),
        pltpu.VMEM((ROWS_PER, D_FEAT), jnp.float32),
    ],
)(_gidx_body)


def _sc_body(attr0, attr1, ei0, ei1, batch1, parts_o,
             batch_v, dst_v, gidx_v, abuf, zbuf, rbuf, accum_sh, dsem, ssem):
    cid = lax.axis_index("c")
    sid = lax.axis_index("s")
    wid = sid * NC + cid
    base_e = pl.multiple_of(wid * E_PER, 8)

    def edge_dma_start(cc, slot):
        @pl.when(cc < NCH)
        def _l0():
            pltpu.make_async_copy(attr0.at[pl.ds(base_e + cc * K, K)],
                                  abuf.at[slot], dsem.at[slot]).start()

        @pl.when(cc >= NCH)
        def _l1():
            pltpu.make_async_copy(attr1.at[pl.ds(base_e + (cc - NCH) * K, K)],
                                  abuf.at[slot], dsem.at[slot]).start()

    def edge_dma_wait(slot):
        pltpu.make_async_copy(attr0.at[pl.ds(0, K)], abuf.at[slot],
                              dsem.at[slot]).wait()

    for slot in range(NRING):
        edge_dma_start(slot, slot)

    pltpu.sync_copy(batch1, batch_v)
    pltpu.sync_copy(ei0.at[pl.ds(base_e, E_PER)], dst_v.at[pl.ds(0, E_PER)])
    pltpu.sync_copy(ei1.at[pl.ds(base_e, E_PER)],
                    dst_v.at[pl.ds(E_PER, E_PER)])

    bias = sid * N_GRAPHS
    zeros16 = jnp.zeros((L,), jnp.float32)

    def zbody(r, carry):
        for s8 in range(D_FEAT // L):
            zbuf[r, pl.ds(s8 * L, L)] = zeros16
        return carry

    lax.fori_loop(0, N_GRAPHS, zbody, None)
    pltpu.sync_copy(zbuf, accum_sh.at[pl.ds(bias, N_GRAPHS)])
    plsc.subcore_barrier()

    def scatter_wait():
        pltpu.make_async_copy(abuf.at[0], accum_sh.at[gidx_v.at[0]],
                              ssem).wait()

    def mbody(cc, carry):
        slot = lax.rem(cc, NRING)
        for s5 in range(K // L):
            idx16 = dst_v[pl.ds(cc * K + s5 * L, L)]
            g16 = plsc.load_gather(batch_v, [idx16])
            gidx_v[cc, pl.ds(s5 * L, L)] = g16 + bias

        @pl.when(cc > 0)
        def _retire():
            scatter_wait()

            @pl.when(cc - 1 + NRING < TCH)
            def _refill():
                edge_dma_start(cc - 1 + NRING, lax.rem(cc - 1, NRING))

        edge_dma_wait(slot)
        pltpu.make_async_copy(abuf.at[slot], accum_sh.at[gidx_v.at[cc]],
                              ssem).start(add=True)
        return carry

    lax.fori_loop(0, TCH, mbody, None)
    scatter_wait()

    plsc.subcore_barrier()

    def cpy(k, carry):
        pltpu.sync_copy(
            accum_sh.at[pl.ds(k * N_GRAPHS + sid * ROWS_PER, ROWS_PER)],
            rbuf.at[k])
        return carry

    lax.fori_loop(0, NS, cpy, None)

    def red(r, carry):
        for s8 in range(D_FEAT // L):
            acc = rbuf[0, r, pl.ds(s8 * L, L)]
            for k in range(1, NS):
                acc = acc + rbuf[k, r, pl.ds(s8 * L, L)]
            zbuf[r, pl.ds(s8 * L, L)] = acc
        return carry

    lax.fori_loop(0, ROWS_PER, red, None)
    pltpu.sync_copy(zbuf.at[pl.ds(0, ROWS_PER)],
                    parts_o.at[cid, pl.ds(sid * ROWS_PER, ROWS_PER)])


_sc_scatter = functools.partial(
    pl.kernel,
    out_type=jax.ShapeDtypeStruct((NC, N_GRAPHS, D_FEAT), jnp.float32),
    mesh=plsc.VectorSubcoreMesh(core_axis_name="c", subcore_axis_name="s",
                                num_cores=NC, num_subcores=NS),
    compiler_params=pltpu.CompilerParams(needs_layout_passes=False),
    scratch_types=[
        pltpu.VMEM((N_NODES_C,), jnp.int32),
        pltpu.VMEM((2 * E_PER,), jnp.int32),
        pltpu.VMEM((TCH, K), jnp.int32),
        pltpu.VMEM((NRING, K, D_FEAT), jnp.float32),
        pltpu.VMEM((N_GRAPHS, D_FEAT), jnp.float32),
        pltpu.VMEM((NS, ROWS_PER, D_FEAT), jnp.float32),
        pltpu.VMEM_SHARED((NS * N_GRAPHS, D_FEAT), jnp.float32),
        pltpu.SemaphoreType.DMA((NRING,)),
        pltpu.SemaphoreType.DMA,
    ],
)(_sc_body)


def _mm_body(a0_ref, a1_ref, g0_ref, g1_ref, out_ref):
    i = pl.program_id(0)

    @pl.when(i == 0)
    def _init():
        out_ref[...] = jnp.zeros((N_GRAPHS, D_FEAT), jnp.float32)

    gids = lax.broadcasted_iota(jnp.int32, (N_GRAPHS, C_TC), 0)
    oh0 = (gids == g0_ref[0, 0][None, :]).astype(jnp.float32)
    oh1 = (gids == g1_ref[0, 0][None, :]).astype(jnp.float32)
    dn = (((1,), (0,)), ((), ()))
    acc = lax.dot_general(oh0, a0_ref[...], dn,
                          preferred_element_type=jnp.float32)
    acc = acc + lax.dot_general(oh1, a1_ref[...], dn,
                                preferred_element_type=jnp.float32)
    out_ref[...] += acc


_tc_reduce = pl.pallas_call(
    _mm_body,
    grid=(NSTEP,),
    in_specs=[
        pl.BlockSpec((C_TC, D_FEAT), lambda i: (N_SC_CH + i, 0)),
        pl.BlockSpec((C_TC, D_FEAT), lambda i: (N_SC_CH + i, 0)),
        pl.BlockSpec((1, 1, C_TC), lambda i: (i, 0, 0)),
        pl.BlockSpec((1, 1, C_TC), lambda i: (i, 0, 0)),
    ],
    out_specs=pl.BlockSpec((N_GRAPHS, D_FEAT), lambda i: (0, 0)),
    out_shape=jax.ShapeDtypeStruct((N_GRAPHS, D_FEAT), jnp.float32),
)


def _combine_body(parts_ref, tc_ref, recip_ref, out_ref):
    out_ref[...] = (parts_ref[0] + parts_ref[1] + tc_ref[...]) * recip_ref[...]


_combine = pl.pallas_call(
    _combine_body,
    out_shape=jax.ShapeDtypeStruct((N_GRAPHS, D_FEAT), jnp.float32),
)


def kernel(edge_attr_0, edge_attr_1, edge_index_0, edge_index_1, num_nodes, batch):
    del num_nodes
    batch1 = batch.astype(jnp.int32)
    ei0f = edge_index_0.astype(jnp.int32).reshape(-1)
    ei1f = edge_index_1.astype(jnp.int32).reshape(-1)
    g0, g1, recip = _sc_gidx(ei0f, ei1f, batch1)
    parts = _sc_scatter(edge_attr_0, edge_attr_1, ei0f, ei1f, batch1)
    tcp = _tc_reduce(edge_attr_0, edge_attr_1,
                     g0.reshape(NSTEP, 1, C_TC), g1.reshape(NSTEP, 1, C_TC))
    return _combine(parts, tcp, recip)

# --- scband reference (transcript-rebuilt; emitter-appended) ---
"""Pipeline reference for scband-graph-level-pooling-18116172055374 (READ-ONLY COPY).

The authoritative reference and input builder live on the scoring server;
editing this copy changes nothing except your own understanding.
"""

import jax, jax.numpy as jnp
import numpy as np

N_NODES = 10000
N_EDGES = 320000
D_FEAT = 128
N_GRAPHS = 64


def setup_inputs(seed: int = 0) -> dict:
    key = jax.random.key(seed)
    k1, k2, k3, k4, k5 = jax.random.split(key, 5)
    edge_attr_0 = jax.random.normal(k1, (N_EDGES, D_FEAT), dtype=jnp.float32)
    edge_attr_1 = jax.random.normal(k2, (N_EDGES, D_FEAT), dtype=jnp.float32)
    edge_index_0 = jax.random.randint(k3, (2, N_EDGES), 0, N_NODES)
    edge_index_1 = jax.random.randint(k4, (2, N_EDGES), 0, N_NODES)
    batch = jnp.sort(jax.random.randint(k5, (N_NODES,), 0, N_GRAPHS))
    return {
        "edge_attr_0": edge_attr_0,
        "edge_attr_1": edge_attr_1,
        "edge_index_0": edge_index_0,
        "edge_index_1": edge_index_1,
        "num_nodes": N_NODES,
        "batch": batch,
    }


def reference(edge_attr_0, edge_attr_1, edge_index_0, edge_index_1, num_nodes, batch):
    num_segments = batch.shape[0]
    zero = num_nodes * 0
    # node_emb = sum over edge lists of scatter_sum(edge_attr[i], edge_index[i][0], dim_size=num_nodes)
    node_emb = jax.ops.segment_sum(edge_attr_0, edge_index_0[0] + zero, num_segments=num_segments)
    node_emb = node_emb + jax.ops.segment_sum(edge_attr_1, edge_index_1[0] + zero, num_segments=num_segments)
    # scatter mean over batch (graph ids)
    sums = jax.ops.segment_sum(node_emb, batch, num_segments=N_GRAPHS)
    counts = jax.ops.segment_sum(jnp.ones((node_emb.shape[0], 1), dtype=node_emb.dtype), batch, num_segments=N_GRAPHS)
    return sums / jnp.maximum(counts, 1.0)

if __name__ == "__main__":
    import jax
    _d = setup_inputs()
    print(jax.jit(kernel)(*tuple(_d.values())))

</pallas_src>

<mosaic_0001>
#map = affine_map<(d0, d1) -> (0)>
#map1 = affine_map<(d0, d1) -> (0, 0)>
module attributes {stable_mosaic.version = 14 : i64} {
  func.func @_gidx_body(%arg0: i32, %arg1: i32, %arg2: memref<640000xi32, #tpu.memory_space<hbm>>, %arg3: memref<640000xi32, #tpu.memory_space<hbm>>, %arg4: memref<10000xi32, #tpu.memory_space<hbm>>, %arg5: memref<158720xi32, #tpu.memory_space<hbm>>, %arg6: memref<158720xi32, #tpu.memory_space<hbm>>, %arg7: memref<64x128xf32, #tpu.memory_space<hbm>>, %arg8: memref<10000xi32, #tpu.memory_space<vmem>>, %arg9: memref<9920xi32, #tpu.memory_space<vmem>>, %arg10: memref<9920xi32, #tpu.memory_space<vmem>>, %arg11: memref<4x128xf32, #tpu.memory_space<vmem>>) attributes {dimension_semantics = [#tpu.dimension_semantics<core_parallel>, #tpu.dimension_semantics<subcore_parallel>], iteration_bounds = array<i64: 2, 16>, scalar_prefetch = 0 : i64, scratch_operands = 4 : i64, tpu.core_type = #tpu.core_type<sc_vector_subcore>, window_params = [{transform_indices = #map}, {transform_indices = #map}, {transform_indices = #map}, {transform_indices = #map}, {transform_indices = #map}, {transform_indices = #map1}]} {
    %mul3A = arith.constant 2 : i32
    %mul3A_0 = arith.muli %arg1, %mul3A : i32
    %add3A = arith.addi %mul3A_0, %arg0 : i32
    %mul3A_1 = arith.constant 4960 : i32
    %mul3A_2 = arith.muli %add3A, %mul3A_1 : i32
    %add3A_3 = arith.constant 161280 : i32
    %add3A_4 = arith.addi %add3A_3, %mul3A_2 : i32
    %multiple_of3A = tpu.assume_multiple %add3A_4, 8 : i32
    %mul3A_5 = arith.constant 4960 : i32
    %mul3A_6 = arith.muli %add3A, %mul3A_5 : i32
    %multiple_of3A_7 = tpu.assume_multiple %mul3A_6, 8 : i32
    "tpu.region"() ({
      %run_scoped3A = tpu.sem_alloc : memref<!tpu.dma_semaphore, #tpu.memory_space<semaphore_mem>>
      tpu.enqueue_dma source(%arg4 : memref<10000xi32, #tpu.memory_space<hbm>>) target(%arg8 : memref<10000xi32, #tpu.memory_space<vmem>>) target_semaphore(%run_scoped3A : memref<!tpu.dma_semaphore, #tpu.memory_space<semaphore_mem>>)
      tpu.wait_dma2 semaphore(%run_scoped3A : memref<!tpu.dma_semaphore, #tpu.memory_space<semaphore_mem>>) src(%arg4 : memref<10000xi32, #tpu.memory_space<hbm>>) dst(%arg8 : memref<10000xi32, #tpu.memory_space<vmem>>)
      tpu.yield
    }) : () -> ()
    "tpu.region"() ({
      %run_scoped3A = tpu.sem_alloc : memref<!tpu.dma_semaphore, #tpu.memory_space<semaphore_mem>>
      %dma_start3A = arith.constant 0 : i32
      %dma_start3A_14 = tpu.memref_slice %arg9[%dma_start3A] : memref<9920xi32, #tpu.memory_space<vmem>> -> memref<4960xi32, #tpu.memory_space<vmem>>
      %dma_start3A_15 = tpu.memref_slice %arg2[%multiple_of3A] : memref<640000xi32, #tpu.memory_space<hbm>> -> memref<4960xi32, #tpu.memory_space<hbm>>
      %dma_start3A_16 = arith.constant 0 : i32
      %dma_start3A_17 = tpu.memref_slice %arg9[%dma_start3A_16] : memref<9920xi32, #tpu.memory_space<vmem>> -> memref<4960xi32, #tpu.memory_space<vmem>>
      %dma_start3A_18 = tpu.memref_slice %arg2[%multiple_of3A] : memref<640000xi32, #tpu.memory_space<hbm>> -> memref<4960xi32, #tpu.memory_space<hbm>>
      tpu.enqueue_dma source(%dma_start3A_18 : memref<4960xi32, #tpu.memory_space<hbm>>) target(%dma_start3A_17 : memref<4960xi32, #tpu.memory_space<vmem>>) target_semaphore(%run_scoped3A : memref<!tpu.dma_semaphore, #tpu.memory_space<semaphore_mem>>)
      %dma_wait3A = arith.constant 0 : i32
      %dma_wait3A_19 = tpu.memref_slice %arg9[%dma_wait3A] : memref<9920xi32, #tpu.memory_space<vmem>> -> memref<4960xi32, #tpu.memory_space<vmem>>
      %dma_wait3A_20 = tpu.memref_slice %arg2[%multiple_of3A] : memref<640000xi32, #tpu.memory_space<hbm>> -> memref<4960xi32, #tpu.memory_space<hbm>>
      %dma_wait3A_21 = arith.constant 0 : i32
      %dma_wait3A_22 = tpu.memref_slice %arg9[%dma_wait3A_21] : memref<9920xi32, #tpu.memory_space<vmem>> -> memref<4960xi32, #tpu.memory_space<vmem>>
      %dma_wait3A_23 = tpu.memref_slice %arg2[%multiple_of3A] : memref<640000xi32, #tpu.memory_space<hbm>> -> memref<4960xi32, #tpu.memory_space<hbm>>
      tpu.wait_dma2 semaphore(%run_scoped3A : memref<!tpu.dma_semaphore, #tpu.memory_space<semaphore_mem>>) src(%dma_wait3A_23 : memref<4960xi32, #tpu.memory_space<hbm>>) dst(%dma_wait3A_22 : memref<4960xi32, #tpu.memory_space<vmem>>)
      tpu.yield
    }) : () -> ()
    "tpu.region"() ({
      %run_scoped3A = tpu.sem_alloc : memref<!tpu.dma_semaphore, #tpu.memory_space<semaphore_mem>>
      %dma_start3A = arith.constant 4960 : i32
      %dma_start3A_14 = tpu.memref_slice %arg9[%dma_start3A] : memref<9920xi32, #tpu.memory_space<vmem>> -> memref<4960xi32, #tpu.memory_space<vmem>>
      %dma_start3A_15 = tpu.memref_slice %arg3[%multiple_of3A] : memref<640000xi32, #tpu.memory_space<hbm>> -> memref<4960xi32, #tpu.memory_space<hbm>>
      %dma_start3A_16 = arith.constant 4960 : i32
      %dma_start3A_17 = tpu.memref_slice %arg9[%dma_start3A_16] : memref<9920xi32, #tpu.memory_space<vmem>> -> memref<4960xi32, #tpu.memory_space<vmem>>
      %dma_start3A_18 = tpu.memref_slice %arg3[%multiple_of3A] : memref<640000xi32, #tpu.memory_space<hbm>> -> memref<4960xi32, #tpu.memory_space<hbm>>
      tpu.enqueue_dma source(%dma_start3A_18 : memref<4960xi32, #tpu.memory_space<hbm>>) target(%dma_start3A_17 : memref<4960xi32, #tpu.memory_space<vmem>>) target_semaphore(%run_scoped3A : memref<!tpu.dma_semaphore, #tpu.memory_space<semaphore_mem>>)
      %dma_wait3A = arith.constant 4960 : i32
      %dma_wait3A_19 = tpu.memref_slice %arg9[%dma_wait3A] : memref<9920xi32, #tpu.memory_space<vmem>> -> memref<4960xi32, #tpu.memory_space<vmem>>
      %dma_wait3A_20 = tpu.memref_slice %arg3[%multiple_of3A] : memref<640000xi32, #tpu.memory_space<hbm>> -> memref<4960xi32, #tpu.memory_space<hbm>>
      %dma_wait3A_21 = arith.constant 4960 : i32
      %dma_wait3A_22 = tpu.memref_slice %arg9[%dma_wait3A_21] : memref<9920xi32, #tpu.memory_space<vmem>> -> memref<4960xi32, #tpu.memory_space<vmem>>
      %dma_wait3A_23 = tpu.memref_slice %arg3[%multiple_of3A] : memref<640000xi32, #tpu.memory_space<hbm>> -> memref<4960xi32, #tpu.memory_space<hbm>>
      tpu.wait_dma2 semaphore(%run_scoped3A : memref<!tpu.dma_semaphore, #tpu.memory_space<semaphore_mem>>) src(%dma_wait3A_23 : memref<4960xi32, #tpu.memory_space<hbm>>) dst(%dma_wait3A_22 : memref<4960xi32, #tpu.memory_space<vmem>>)
      tpu.yield
    }) : () -> ()
    %scan3A = arith.constant 0 : i32
    %scan3A_8 = arith.constant 620 : i32
    %scan3A_9 = arith.addi %scan3A, %scan3A_8 : i32
    %scan3A_10 = arith.constant 1 : i32
    scf.for %scan3A_14 = %scan3A to %scan3A_9 step %scan3A_10  : i32 {
      %mul3A_15 = arith.constant 16 : i32
      %mul3A_16 = arith.muli %scan3A_14, %mul3A_15 : i32
      %get3A = arith.index_cast %mul3A_16 : i32 to index
      %get3A_17 = tpu.vector_load %arg9[%get3A] {strides = array<i32>} : memref<9920xi32, #tpu.memory_space<vmem>>, vector<16xi32>,
      %gather3A = tpu.vector_load_idx %arg8[%get3A_17] : memref<10000xi32, #tpu.memory_space<vmem>>[vector<16xi32>], vector<16xi32>,
      %mul3A_18 = arith.constant 16 : i32
      %mul3A_19 = arith.muli %scan3A_14, %mul3A_18 : i32
      %swap3A = arith.index_cast %mul3A_19 : i32 to index
      %swap3A_20 = tpu.vector_load %arg10[%swap3A] {strides = array<i32>} : memref<9920xi32, #tpu.memory_space<vmem>>, vector<16xi32>,
      tpu.vector_store %arg10[%swap3A], %gather3A {strides = array<i32>} : memref<9920xi32, #tpu.memory_space<vmem>>, vector<16xi32>,
    }
    %scan3A_11 = arith.constant 620 : i32
    "tpu.region"() ({
      %run_scoped3A = tpu.sem_alloc : memref<!tpu.dma_semaphore, #tpu.memory_space<semaphore_mem>>
      %dma_start3A = arith.constant 0 : i32
      %dma_start3A_14 = tpu.memref_slice %arg10[%dma_start3A] : memref<9920xi32, #tpu.memory_space<vmem>> -> memref<4960xi32, #tpu.memory_space<vmem>>
      %dma_start3A_15 = tpu.memref_slice %arg5[%multiple_of3A_7] : memref<158720xi32, #tpu.memory_space<hbm>> -> memref<4960xi32, #tpu.memory_space<hbm>>
      %dma_start3A_16 = tpu.memref_slice %arg5[%multiple_of3A_7] : memref<158720xi32, #tpu.memory_space<hbm>> -> memref<4960xi32, #tpu.memory_space<hbm>>
      %dma_start3A_17 = arith.constant 0 : i32
      %dma_start3A_18 = tpu.memref_slice %arg10[%dma_start3A_17] : memref<9920xi32, #tpu.memory_space<vmem>> -> memref<4960xi32, #tpu.memory_space<vmem>>
      tpu.enqueue_dma source(%dma_start3A_18 : memref<4960xi32, #tpu.memory_space<vmem>>) target(%dma_start3A_16 : memref<4960xi32, #tpu.memory_space<hbm>>) target_semaphore(%run_scoped3A : memref<!tpu.dma_semaphore, #tpu.memory_space<semaphore_mem>>)
      %dma_wait3A = arith.constant 0 : i32
      %dma_wait3A_19 = tpu.memref_slice %arg10[%dma_wait3A] : memref<9920xi32, #tpu.memory_space<vmem>> -> memref<4960xi32, #tpu.memory_space<vmem>>
      %dma_wait3A_20 = tpu.memref_slice %arg5[%multiple_of3A_7] : memref<158720xi32, #tpu.memory_space<hbm>> -> memref<4960xi32, #tpu.memory_space<hbm>>
      %dma_wait3A_21 = tpu.memref_slice %arg5[%multiple_of3A_7] : memref<158720xi32, #tpu.memory_space<hbm>> -> memref<4960xi32, #tpu.memory_space<hbm>>
      %dma_wait3A_22 = arith.constant 0 : i32
      %dma_wait3A_23 = tpu.memref_slice %arg10[%dma_wait3A_22] : memref<9920xi32, #tpu.memory_space<vmem>> -> memref<4960xi32, #tpu.memory_space<vmem>>
      tpu.wait_dma2 semaphore(%run_scoped3A : memref<!tpu.dma_semaphore, #tpu.memory_space<semaphore_mem>>) src(%dma_wait3A_23 : memref<4960xi32, #tpu.memory_space<vmem>>) dst(%dma_wait3A_21 : memref<4960xi32, #tpu.memory_space<hbm>>)
      tpu.yield
    }) : () -> ()
    "tpu.region"() ({
      %run_scoped3A = tpu.sem_alloc : memref<!tpu.dma_semaphore, #tpu.memory_space<semaphore_mem>>
      %dma_start3A = arith.constant 4960 : i32
      %dma_start3A_14 = tpu.memref_slice %arg10[%dma_start3A] : memref<9920xi32, #tpu.memory_space<vmem>> -> memref<4960xi32, #tpu.memory_space<vmem>>
      %dma_start3A_15 = tpu.memref_slice %arg6[%multiple_of3A_7] : memref<158720xi32, #tpu.memory_space<hbm>> -> memref<4960xi32, #tpu.memory_space<hbm>>
      %dma_start3A_16 = tpu.memref_slice %arg6[%multiple_of3A_7] : memref<158720xi32, #tpu.memory_space<hbm>> -> memref<4960xi32, #tpu.memory_space<hbm>>
      %dma_start3A_17 = arith.constant 4960 : i32
      %dma_start3A_18 = tpu.memref_slice %arg10[%dma_start3A_17] : memref<9920xi32, #tpu.memory_space<vmem>> -> memref<4960xi32, #tpu.memory_space<vmem>>
      tpu.enqueue_dma source(%dma_start3A_18 : memref<4960xi32, #tpu.memory_space<vmem>>) target(%dma_start3A_16 : memref<4960xi32, #tpu.memory_space<hbm>>) target_semaphore(%run_scoped3A : memref<!tpu.dma_semaphore, #tpu.memory_space<semaphore_mem>>)
      %dma_wait3A = arith.constant 4960 : i32
      %dma_wait3A_19 = tpu.memref_slice %arg10[%dma_wait3A] : memref<9920xi32, #tpu.memory_space<vmem>> -> memref<4960xi32, #tpu.memory_space<vmem>>
      %dma_wait3A_20 = tpu.memref_slice %arg6[%multiple_of3A_7] : memref<158720xi32, #tpu.memory_space<hbm>> -> memref<4960xi32, #tpu.memory_space<hbm>>
      %dma_wait3A_21 = tpu.memref_slice %arg6[%multiple_of3A_7] : memref<158720xi32, #tpu.memory_space<hbm>> -> memref<4960xi32, #tpu.memory_space<hbm>>
      %dma_wait3A_22 = arith.constant 4960 : i32
      %dma_wait3A_23 = tpu.memref_slice %arg10[%dma_wait3A_22] : memref<9920xi32, #tpu.memory_space<vmem>> -> memref<4960xi32, #tpu.memory_space<vmem>>
      tpu.wait_dma2 semaphore(%run_scoped3A : memref<!tpu.dma_semaphore, #tpu.memory_space<semaphore_mem>>) src(%dma_wait3A_23 : memref<4960xi32, #tpu.memory_space<vmem>>) dst(%dma_wait3A_21 : memref<4960xi32, #tpu.memory_space<hbm>>)
      tpu.yield
    }) : () -> ()
    %eq3A = arith.constant 0 : i32
    %eq3A_12 = arith.cmpi eq, %arg0, %eq3A : i32
    %convert_element_type3A = arith.extui %eq3A_12 : i1 to i32
    %cond3A = arith.constant 0 : i32
    %cond3A_13 = arith.cmpi ne, %convert_element_type3A, %cond3A : i32
    scf.if %cond3A_13 {
      %iota3A = tpu.iota {dimensions = array<i32: 0>} : vector<16xi32>
      %mul3A_14 = arith.constant 4 : i32
      %mul3A_15 = arith.muli %arg1, %mul3A_14 : i32
      %and3A = arith.constant 3 : i32
      %and3A_16 = vector.broadcast %and3A : i32 to vector<16xi32>
      %and3A_17 = arith.andi %iota3A, %and3A_16 : vector<16xi32>
      %add3A_18 = vector.broadcast %mul3A_15 : i32 to vector<16xi32>
      %add3A_19 = arith.addi %add3A_18, %and3A_17 : vector<16xi32>
      %shift_right_arithmetic3A = arith.constant 2 : i32
      %shift_right_arithmetic3A_20 = vector.broadcast %shift_right_arithmetic3A : i32 to vector<16xi32>
      %shift_right_arithmetic3A_21 = arith.shrsi %iota3A, %shift_right_arithmetic3A_20 : vector<16xi32>
      %eq3A_22 = arith.constant 1 : i32
      %eq3A_23 = vector.broadcast %eq3A_22 : i32 to vector<16xi32>
      %eq3A_24 = arith.cmpi eq, %shift_right_arithmetic3A_21, %eq3A_23 : vector<16xi32>
      %jit3A = arith.constant 1 : i32
      %jit3A_25 = arith.constant 0 : i32
      %broadcast_in_dim3A = vector.broadcast %jit3A : i32 to vector<16xi32>
      %broadcast_in_dim3A_26 = vector.broadcast %jit3A_25 : i32 to vector<16xi32>
      %select_n3A = arith.select %eq3A_24, %broadcast_in_dim3A, %broadcast_in_dim3A_26 : vector<16xi1>, vector<16xi32>
      %add3A_27 = arith.addi %add3A_19, %select_n3A : vector<16xi32>
      %broadcast_in_dim3A_28 = arith.constant 0 : i32
      %broadcast_in_dim3A_29 = vector.broadcast %broadcast_in_dim3A_28 : i32 to vector<16xi32>
      %broadcast_in_dim3A_30 = arith.constant 10000 : i32
      %broadcast_in_dim3A_31 = vector.broadcast %broadcast_in_dim3A_30 : i32 to vector<16xi32>
      %lt3A = arith.cmpi slt, %broadcast_in_dim3A_29, %broadcast_in_dim3A_31 : vector<16xi32>
      %add3A_32 = arith.addi %broadcast_in_dim3A_29, %broadcast_in_dim3A_31 : vector<16xi32>
      %shift_right_arithmetic3A_33 = arith.constant 1 : i32
      %shift_right_arithmetic3A_34 = vector.broadcast %shift_right_arithmetic3A_33 : i32 to vector<16xi32>
      %shift_right_arithmetic3A_35 = arith.shrsi %add3A_32, %shift_right_arithmetic3A_34 : vector<16xi32>
      %min3A = arith.constant 9999 : i32
      %min3A_36 = vector.broadcast %min3A : i32 to vector<16xi32>
      %min3A_37 = arith.minsi %shift_right_arithmetic3A_35, %min3A_36 : vector<16xi32>
      %gather3A = tpu.vector_load_idx %arg8[%min3A_37] : memref<10000xi32, #tpu.memory_space<vmem>>[vector<16xi32>], vector<16xi32>,
      %lt3A_38 = arith.cmpi slt, %gather3A, %add3A_27 : vector<16xi32>
      %and3A_39 = arith.andi %lt3A, %lt3A_38 : vector<16xi1>
      %add3A_40 = arith.constant 1 : i32
      %add3A_41 = vector.broadcast %add3A_40 : i32 to vector<16xi32>
      %add3A_42 = arith.addi %shift_right_arithmetic3A_35, %add3A_41 : vector<16xi32>
      %select_n3A_43 = arith.select %and3A_39, %add3A_42, %broadcast_in_dim3A_29 : vector<16xi1>, vector<16xi32>
      %not3A = arith.constant dense<true> : vector<16xi1>
      %not3A_44 = arith.xori %and3A_39, %not3A : vector<16xi1>
      %and3A_45 = arith.andi %lt3A, %not3A_44 : vector<16xi1>
      %select_n3A_46 = arith.select %and3A_45, %shift_right_arithmetic3A_35, %broadcast_in_dim3A_31 : vector<16xi1>, vector<16xi32>
      %lt3A_47 = arith.cmpi slt, %select_n3A_43, %select_n3A_46 : vector<16xi32>
      %add3A_48 = arith.addi %select_n3A_43, %select_n3A_46 : vector<16xi32>
      %shift_right_arithmetic3A_49 = arith.constant 1 : i32
      %shift_right_arithmetic3A_50 = vector.broadcast %shift_right_arithmetic3A_49 : i32 to vector<16xi32>
      %shift_right_arithmetic3A_51 = arith.shrsi %add3A_48, %shift_right_arithmetic3A_50 : vector<16xi32>
      %min3A_52 = arith.constant 9999 : i32
      %min3A_53 = vector.broadcast %min3A_52 : i32 to vector<16xi32>
      %min3A_54 = arith.minsi %shift_right_arithmetic3A_51, %min3A_53 : vector<16xi32>
      %gather3A_55 = tpu.vector_load_idx %arg8[%min3A_54] : memref<10000xi32, #tpu.memory_space<vmem>>[vector<16xi32>], vector<16xi32>,
      %lt3A_56 = arith.cmpi slt, %gather3A_55, %add3A_27 : vector<16xi32>
      %and3A_57 = arith.andi %lt3A_47, %lt3A_56 : vector<16xi1>
      %add3A_58 = arith.constant 1 : i32
      %add3A_59 = vector.broadcast %add3A_58 : i32 to vector<16xi32>
      %add3A_60 = arith.addi %shift_right_arithmetic3A_51, %add3A_59 : vector<16xi32>
      %select_n3A_61 = arith.select %and3A_57, %add3A_60, %select_n3A_43 : vector<16xi1>, vector<16xi32>
      %not3A_62 = arith.constant dense<true> : vector<16xi1>
      %not3A_63 = arith.xori %and3A_57, %not3A_62 : vector<16xi1>
      %and3A_64 = arith.andi %lt3A_47, %not3A_63 : vector<16xi1>
      %select_n3A_65 = arith.select %and3A_64, %shift_right_arithmetic3A_51, %select_n3A_46 : vector<16xi1>, vector<16xi32>
      %lt3A_66 = arith.cmpi slt, %select_n3A_61, %select_n3A_65 : vector<16xi32>
      %add3A_67 = arith.addi %select_n3A_61, %select_n3A_65 : vector<16xi32>
      %shift_right_arithmetic3A_68 = arith.constant 1 : i32
      %shift_right_arithmetic3A_69 = vector.broadcast %shift_right_arithmetic3A_68 : i32 to vector<16xi32>
      %shift_right_arithmetic3A_70 = arith.shrsi %add3A_67, %shift_right_arithmetic3A_69 : vector<16xi32>
      %min3A_71 = arith.constant 9999 : i32
      %min3A_72 = vector.broadcast %min3A_71 : i32 to vector<16xi32>
      %min3A_73 = arith.minsi %shift_right_arithmetic3A_70, %min3A_72 : vector<16xi32>
      %gather3A_74 = tpu.vector_load_idx %arg8[%min3A_73] : memref<10000xi32, #tpu.memory_space<vmem>>[vector<16xi32>], vector<16xi32>,
      %lt3A_75 = arith.cmpi slt, %gather3A_74, %add3A_27 : vector<16xi32>
      %and3A_76 = arith.andi %lt3A_66, %lt3A_75 : vector<16xi1>
      %add3A_77 = arith.constant 1 : i32
      %add3A_78 = vector.broadcast %add3A_77 : i32 to vector<16xi32>
      %add3A_79 = arith.addi %shift_right_arithmetic3A_70, %add3A_78 : vector<16xi32>
      %select_n3A_80 = arith.select %and3A_76, %add3A_79, %select_n3A_61 : vector<16xi1>, vector<16xi32>
      %not3A_81 = arith.constant dense<true> : vector<16xi1>
      %not3A_82 = arith.xori %and3A_76, %not3A_81 : vector<16xi1>
      %and3A_83 = arith.andi %lt3A_66, %not3A_82 : vector<16xi1>
      %select_n3A_84 = arith.select %and3A_83, %shift_right_arithmetic3A_70, %select_n3A_65 : vector<16xi1>, vector<16xi32>
      %lt3A_85 = arith.cmpi slt, %select_n3A_80, %select_n3A_84 : vector<16xi32>
      %add3A_86 = arith.addi %select_n3A_80, %select_n3A_84 : vector<16xi32>
      %shift_right_arithmetic3A_87 = arith.constant 1 : i32
      %shift_right_arithmetic3A_88 = vector.broadcast %shift_right_arithmetic3A_87 : i32 to vector<16xi32>
      %shift_right_arithmetic3A_89 = arith.shrsi %add3A_86, %shift_right_arithmetic3A_88 : vector<16xi32>
      %min3A_90 = arith.constant 9999 : i32
      %min3A_91 = vector.broadcast %min3A_90 : i32 to vector<16xi32>
      %min3A_92 = arith.minsi %shift_right_arithmetic3A_89, %min3A_91 : vector<16xi32>
      %gather3A_93 = tpu.vector_load_idx %arg8[%min3A_92] : memref<10000xi32, #tpu.memory_space<vmem>>[vector<16xi32>], vector<16xi32>,
      %lt3A_94 = arith.cmpi slt, %gather3A_93, %add3A_27 : vector<16xi32>
      %and3A_95 = arith.andi %lt3A_85, %lt3A_94 : vector<16xi1>
      %add3A_96 = arith.constant 1 : i32
      %add3A_97 = vector.broadcast %add3A_96 : i32 to vector<16xi32>
      %add3A_98 = arith.addi %shift_right_arithmetic3A_89, %add3A_97 : vector<16xi32>
      %select_n3A_99 = arith.select %and3A_95, %add3A_98, %select_n3A_80 : vector<16xi1>, vector<16xi32>
      %not3A_100 = arith.constant dense<true> : vector<16xi1>
      %not3A_101 = arith.xori %and3A_95, %not3A_100 : vector<16xi1>
      %and3A_102 = arith.andi %lt3A_85, %not3A_101 : vector<16xi1>
      %select_n3A_103 = arith.select %and3A_102, %shift_right_arithmetic3A_89, %select_n3A_84 : vector<16xi1>, vector<16xi32>
      %lt3A_104 = arith.cmpi slt, %select_n3A_99, %select_n3A_103 : vector<16xi32>
      %add3A_105 = arith.addi %select_n3A_99, %select_n3A_103 : vector<16xi32>
      %shift_right_arithmetic3A_106 = arith.constant 1 : i32
      %shift_right_arithmetic3A_107 = vector.broadcast %shift_right_arithmetic3A_106 : i32 to vector<16xi32>
      %shift_right_arithmetic3A_108 = arith.shrsi %add3A_105, %shift_right_arithmetic3A_107 : vector<16xi32>
      %min3A_109 = arith.constant 9999 : i32
      %min3A_110 = vector.broadcast %min3A_109 : i32 to vector<16xi32>
      %min3A_111 = arith.minsi %shift_right_arithmetic3A_108, %min3A_110 : vector<16xi32>
      %gather3A_112 = tpu.vector_load_idx %arg8[%min3A_111] : memref<10000xi32, #tpu.memory_space<vmem>>[vector<16xi32>], vector<16xi32>,
      %lt3A_113 = arith.cmpi slt, %gather3A_112, %add3A_27 : vector<16xi32>
      %and3A_114 = arith.andi %lt3A_104, %lt3A_113 : vector<16xi1>
      %add3A_115 = arith.constant 1 : i32
      %add3A_116 = vector.broadcast %add3A_115 : i32 to vector<16xi32>
      %add3A_117 = arith.addi %shift_right_arithmetic3A_108, %add3A_116 : vector<16xi32>
      %select_n3A_118 = arith.select %and3A_114, %add3A_117, %select_n3A_99 : vector<16xi1>, vector<16xi32>
      %not3A_119 = arith.constant dense<true> : vector<16xi1>
      %not3A_120 = arith.xori %and3A_114, %not3A_119 : vector<16xi1>
      %and3A_121 = arith.andi %lt3A_104, %not3A_120 : vector<16xi1>
      %select_n3A_122 = arith.select %and3A_121, %shift_right_arithmetic3A_108, %select_n3A_103 : vector<16xi1>, vector<16xi32>
      %lt3A_123 = arith.cmpi slt, %select_n3A_118, %select_n3A_122 : vector<16xi32>
      %add3A_124 = arith.addi %select_n3A_118, %select_n3A_122 : vector<16xi32>
      %shift_right_arithmetic3A_125 = arith.constant 1 : i32
      %shift_right_arithmetic3A_126 = vector.broadcast %shift_right_arithmetic3A_125 : i32 to vector<16xi32>
      %shift_right_arithmetic3A_127 = arith.shrsi %add3A_124, %shift_right_arithmetic3A_126 : vector<16xi32>
      %min3A_128 = arith.constant 9999 : i32
      %min3A_129 = vector.broadcast %min3A_128 : i32 to vector<16xi32>
      %min3A_130 = arith.minsi %shift_right_arithmetic3A_127, %min3A_129 : vector<16xi32>
      %gather3A_131 = tpu.vector_load_idx %arg8[%min3A_130] : memref<10000xi32, #tpu.memory_space<vmem>>[vector<16xi32>], vector<16xi32>,
      %lt3A_132 = arith.cmpi slt, %gather3A_131, %add3A_27 : vector<16xi32>
      %and3A_133 = arith.andi %lt3A_123, %lt3A_132 : vector<16xi1>
      %add3A_134 = arith.constant 1 : i32
      %add3A_135 = vector.broadcast %add3A_134 : i32 to vector<16xi32>
      %add3A_136 = arith.addi %shift_right_arithmetic3A_127, %add3A_135 : vector<16xi32>
      %select_n3A_137 = arith.select %and3A_133, %add3A_136, %select_n3A_118 : vector<16xi1>, vector<16xi32>
      %not3A_138 = arith.constant dense<true> : vector<16xi1>
      %not3A_139 = arith.xori %and3A_133, %not3A_138 : vector<16xi1>
      %and3A_140 = arith.andi %lt3A_123, %not3A_139 : vector<16xi1>
      %select_n3A_141 = arith.select %and3A_140, %shift_right_arithmetic3A_127, %select_n3A_122 : vector<16xi1>, vector<16xi32>
      %lt3A_142 = arith.cmpi slt, %select_n3A_137, %select_n3A_141 : vector<16xi32>
      %add3A_143 = arith.addi %select_n3A_137, %select_n3A_141 : vector<16xi32>
      %shift_right_arithmetic3A_144 = arith.constant 1 : i32
      %shift_right_arithmetic3A_145 = vector.broadcast %shift_right_arithmetic3A_144 : i32 to vector<16xi32>
      %shift_right_arithmetic3A_146 = arith.shrsi %add3A_143, %shift_right_arithmetic3A_145 : vector<16xi32>
      %min3A_147 = arith.constant 9999 : i32
      %min3A_148 = vector.broadcast %min3A_147 : i32 to vector<16xi32>
      %min3A_149 = arith.minsi %shift_right_arithmetic3A_146, %min3A_148 : vector<16xi32>
      %gather3A_150 = tpu.vector_load_idx %arg8[%min3A_149] : memref<10000xi32, #tpu.memory_space<vmem>>[vector<16xi32>], vector<16xi32>,
      %lt3A_151 = arith.cmpi slt, %gather3A_150, %add3A_27 : vector<16xi32>
      %and3A_152 = arith.andi %lt3A_142, %lt3A_151 : vector<16xi1>
      %add3A_153 = arith.constant 1 : i32
      %add3A_154 = vector.broadcast %add3A_153 : i32 to vector<16xi32>
      %add3A_155 = arith.addi %shift_right_arithmetic3A_146, %add3A_154 : vector<16xi32>
      %select_n3A_156 = arith.select %and3A_152, %add3A_155, %select_n3A_137 : vector<16xi1>, vector<16xi32>
      %not3A_157 = arith.constant dense<true> : vector<16xi1>
      %not3A_158 = arith.xori %and3A_152, %not3A_157 : vector<16xi1>
      %and3A_159 = arith.andi %lt3A_142, %not3A_158 : vector<16xi1>
      %select_n3A_160 = arith.select %and3A_159, %shift_right_arithmetic3A_146, %select_n3A_141 : vector<16xi1>, vector<16xi32>
      %lt3A_161 = arith.cmpi slt, %select_n3A_156, %select_n3A_160 : vector<16xi32>
      %add3A_162 = arith.addi %select_n3A_156, %select_n3A_160 : vector<16xi32>
      %shift_right_arithmetic3A_163 = arith.constant 1 : i32
      %shift_right_arithmetic3A_164 = vector.broadcast %shift_right_arithmetic3A_163 : i32 to vector<16xi32>
      %shift_right_arithmetic3A_165 = arith.shrsi %add3A_162, %shift_right_arithmetic3A_164 : vector<16xi32>
      %min3A_166 = arith.constant 9999 : i32
      %min3A_167 = vector.broadcast %min3A_166 : i32 to vector<16xi32>
      %min3A_168 = arith.minsi %shift_right_arithmetic3A_165, %min3A_167 : vector<16xi32>
      %gather3A_169 = tpu.vector_load_idx %arg8[%min3A_168] : memref<10000xi32, #tpu.memory_space<vmem>>[vector<16xi32>], vector<16xi32>,
      %lt3A_170 = arith.cmpi slt, %gather3A_169, %add3A_27 : vector<16xi32>
      %and3A_171 = arith.andi %lt3A_161, %lt3A_170 : vector<16xi1>
      %add3A_172 = arith.constant 1 : i32
      %add3A_173 = vector.broadcast %add3A_172 : i32 to vector<16xi32>
      %add3A_174 = arith.addi %shift_right_arithmetic3A_165, %add3A_173 : vector<16xi32>
      %select_n3A_175 = arith.select %and3A_171, %add3A_174, %select_n3A_156 : vector<16xi1>, vector<16xi32>
      %not3A_176 = arith.constant dense<true> : vector<16xi1>
      %not3A_177 = arith.xori %and3A_171, %not3A_176 : vector<16xi1>
      %and3A_178 = arith.andi %lt3A_161, %not3A_177 : vector<16xi1>
      %select_n3A_179 = arith.select %and3A_178, %shift_right_arithmetic3A_165, %select_n3A_160 : vector<16xi1>, vector<16xi32>
      %lt3A_180 = arith.cmpi slt, %select_n3A_175, %select_n3A_179 : vector<16xi32>
      %add3A_181 = arith.addi %select_n3A_175, %select_n3A_179 : vector<16xi32>
      %shift_right_arithmetic3A_182 = arith.constant 1 : i32
      %shift_right_arithmetic3A_183 = vector.broadcast %shift_right_arithmetic3A_182 : i32 to vector<16xi32>
      %shift_right_arithmetic3A_184 = arith.shrsi %add3A_181, %shift_right_arithmetic3A_183 : vector<16xi32>
      %min3A_185 = arith.constant 9999 : i32
      %min3A_186 = vector.broadcast %min3A_185 : i32 to vector<16xi32>
      %min3A_187 = arith.minsi %shift_right_arithmetic3A_184, %min3A_186 : vector<16xi32>
      %gather3A_188 = tpu.vector_load_idx %arg8[%min3A_187] : memref<10000xi32, #tpu.memory_space<vmem>>[vector<16xi32>], vector<16xi32>,
      %lt3A_189 = arith.cmpi slt, %gather3A_188, %add3A_27 : vector<16xi32>
      %and3A_190 = arith.andi %lt3A_180, %lt3A_189 : vector<16xi1>
      %add3A_191 = arith.constant 1 : i32
      %add3A_192 = vector.broadcast %add3A_191 : i32 to vector<16xi32>
      %add3A_193 = arith.addi %shift_right_arithmetic3A_184, %add3A_192 : vector<16xi32>
      %select_n3A_194 = arith.select %and3A_190, %add3A_193, %select_n3A_175 : vector<16xi1>, vector<16xi32>
      %not3A_195 = arith.constant dense<true> : vector<16xi1>
      %not3A_196 = arith.xori %and3A_190, %not3A_195 : vector<16xi1>
      %and3A_197 = arith.andi %lt3A_180, %not3A_196 : vector<16xi1>
      %select_n3A_198 = arith.select %and3A_197, %shift_right_arithmetic3A_184, %select_n3A_179 : vector<16xi1>, vector<16xi32>
      %lt3A_199 = arith.cmpi slt, %select_n3A_194, %select_n3A_198 : vector<16xi32>
      %add3A_200 = arith.addi %select_n3A_194, %select_n3A_198 : vector<16xi32>
      %shift_right_arithmetic3A_201 = arith.constant 1 : i32
      %shift_right_arithmetic3A_202 = vector.broadcast %shift_right_arithmetic3A_201 : i32 to vector<16xi32>
      %shift_right_arithmetic3A_203 = arith.shrsi %add3A_200, %shift_right_arithmetic3A_202 : vector<16xi32>
      %min3A_204 = arith.constant 9999 : i32
      %min3A_205 = vector.broadcast %min3A_204 : i32 to vector<16xi32>
      %min3A_206 = arith.minsi %shift_right_arithmetic3A_203, %min3A_205 : vector<16xi32>
      %gather3A_207 = tpu.vector_load_idx %arg8[%min3A_206] : memref<10000xi32, #tpu.memory_space<vmem>>[vector<16xi32>], vector<16xi32>,
      %lt3A_208 = arith.cmpi slt, %gather3A_207, %add3A_27 : vector<16xi32>
      %and3A_209 = arith.andi %lt3A_199, %lt3A_208 : vector<16xi1>
      %add3A_210 = arith.constant 1 : i32
      %add3A_211 = vector.broadcast %add3A_210 : i32 to vector<16xi32>
      %add3A_212 = arith.addi %shift_right_arithmetic3A_203, %add3A_211 : vector<16xi32>
      %select_n3A_213 = arith.select %and3A_209, %add3A_212, %select_n3A_194 : vector<16xi1>, vector<16xi32>
      %not3A_214 = arith.constant dense<true> : vector<16xi1>
      %not3A_215 = arith.xori %and3A_209, %not3A_214 : vector<16xi1>
      %and3A_216 = arith.andi %lt3A_199, %not3A_215 : vector<16xi1>
      %select_n3A_217 = arith.select %and3A_216, %shift_right_arithmetic3A_203, %select_n3A_198 : vector<16xi1>, vector<16xi32>
      %lt3A_218 = arith.cmpi slt, %select_n3A_213, %select_n3A_217 : vector<16xi32>
      %add3A_219 = arith.addi %select_n3A_213, %select_n3A_217 : vector<16xi32>
      %shift_right_arithmetic3A_220 = arith.constant 1 : i32
      %shift_right_arithmetic3A_221 = vector.broadcast %shift_right_arithmetic3A_220 : i32 to vector<16xi32>
      %shift_right_arithmetic3A_222 = arith.shrsi %add3A_219, %shift_right_arithmetic3A_221 : vector<16xi32>
      %min3A_223 = arith.constant 9999 : i32
      %min3A_224 = vector.broadcast %min3A_223 : i32 to vector<16xi32>
      %min3A_225 = arith.minsi %shift_right_arithmetic3A_222, %min3A_224 : vector<16xi32>
      %gather3A_226 = tpu.vector_load_idx %arg8[%min3A_225] : memref<10000xi32, #tpu.memory_space<vmem>>[vector<16xi32>], vector<16xi32>,
      %lt3A_227 = arith.cmpi slt, %gather3A_226, %add3A_27 : vector<16xi32>
      %and3A_228 = arith.andi %lt3A_218, %lt3A_227 : vector<16xi1>
      %add3A_229 = arith.constant 1 : i32
      %add3A_230 = vector.broadcast %add3A_229 : i32 to vector<16xi32>
      %add3A_231 = arith.addi %shift_right_arithmetic3A_222, %add3A_230 : vector<16xi32>
      %select_n3A_232 = arith.select %and3A_228, %add3A_231, %select_n3A_213 : vector<16xi1>, vector<16xi32>
      %not3A_233 = arith.constant dense<true> : vector<16xi1>
      %not3A_234 = arith.xori %and3A_228, %not3A_233 : vector<16xi1>
      %and3A_235 = arith.andi %lt3A_218, %not3A_234 : vector<16xi1>
      %select_n3A_236 = arith.select %and3A_235, %shift_right_arithmetic3A_222, %select_n3A_217 : vector<16xi1>, vector<16xi32>
      %lt3A_237 = arith.cmpi slt, %select_n3A_232, %select_n3A_236 : vector<16xi32>
      %add3A_238 = arith.addi %select_n3A_232, %select_n3A_236 : vector<16xi32>
      %shift_right_arithmetic3A_239 = arith.constant 1 : i32
      %shift_right_arithmetic3A_240 = vector.broadcast %shift_right_arithmetic3A_239 : i32 to vector<16xi32>
      %shift_right_arithmetic3A_241 = arith.shrsi %add3A_238, %shift_right_arithmetic3A_240 : vector<16xi32>
      %min3A_242 = arith.constant 9999 : i32
      %min3A_243 = vector.broadcast %min3A_242 : i32 to vector<16xi32>
      %min3A_244 = arith.minsi %shift_right_arithmetic3A_241, %min3A_243 : vector<16xi32>
      %gather3A_245 = tpu.vector_load_idx %arg8[%min3A_244] : memref<10000xi32, #tpu.memory_space<vmem>>[vector<16xi32>], vector<16xi32>,
      %lt3A_246 = arith.cmpi slt, %gather3A_245, %add3A_27 : vector<16xi32>
      %and3A_247 = arith.andi %lt3A_237, %lt3A_246 : vector<16xi1>
      %add3A_248 = arith.constant 1 : i32
      %add3A_249 = vector.broadcast %add3A_248 : i32 to vector<16xi32>
      %add3A_250 = arith.addi %shift_right_arithmetic3A_241, %add3A_249 : vector<16xi32>
      %select_n3A_251 = arith.select %and3A_247, %add3A_250, %select_n3A_232 : vector<16xi1>, vector<16xi32>
      %not3A_252 = arith.constant dense<true> : vector<16xi1>
      %not3A_253 = arith.xori %and3A_247, %not3A_252 : vector<16xi1>
      %and3A_254 = arith.andi %lt3A_237, %not3A_253 : vector<16xi1>
      %select_n3A_255 = arith.select %and3A_254, %shift_right_arithmetic3A_241, %select_n3A_236 : vector<16xi1>, vector<16xi32>
      %lt3A_256 = arith.cmpi slt, %select_n3A_251, %select_n3A_255 : vector<16xi32>
      %add3A_257 = arith.addi %select_n3A_251, %select_n3A_255 : vector<16xi32>
      %shift_right_arithmetic3A_258 = arith.constant 1 : i32
      %shift_right_arithmetic3A_259 = vector.broadcast %shift_right_arithmetic3A_258 : i32 to vector<16xi32>
      %shift_right_arithmetic3A_260 = arith.shrsi %add3A_257, %shift_right_arithmetic3A_259 : vector<16xi32>
      %min3A_261 = arith.constant 9999 : i32
      %min3A_262 = vector.broadcast %min3A_261 : i32 to vector<16xi32>
      %min3A_263 = arith.minsi %shift_right_arithmetic3A_260, %min3A_262 : vector<16xi32>
      %gather3A_264 = tpu.vector_load_idx %arg8[%min3A_263] : memref<10000xi32, #tpu.memory_space<vmem>>[vector<16xi32>], vector<16xi32>,
      %lt3A_265 = arith.cmpi slt, %gather3A_264, %add3A_27 : vector<16xi32>
      %and3A_266 = arith.andi %lt3A_256, %lt3A_265 : vector<16xi1>
      %add3A_267 = arith.constant 1 : i32
      %add3A_268 = vector.broadcast %add3A_267 : i32 to vector<16xi32>
      %add3A_269 = arith.addi %shift_right_arithmetic3A_260, %add3A_268 : vector<16xi32>
      %select_n3A_270 = arith.select %and3A_266, %add3A_269, %select_n3A_251 : vector<16xi1>, vector<16xi32>
      %not3A_271 = arith.constant dense<true> : vector<16xi1>
      %not3A_272 = arith.xori %and3A_266, %not3A_271 : vector<16xi1>
      %and3A_273 = arith.andi %lt3A_256, %not3A_272 : vector<16xi1>
      %select_n3A_274 = arith.select %and3A_273, %shift_right_arithmetic3A_260, %select_n3A_255 : vector<16xi1>, vector<16xi32>
      %lt3A_275 = arith.cmpi slt, %select_n3A_270, %select_n3A_274 : vector<16xi32>
      %add3A_276 = arith.addi %select_n3A_270, %select_n3A_274 : vector<16xi32>
      %shift_right_arithmetic3A_277 = arith.constant 1 : i32
      %shift_right_arithmetic3A_278 = vector.broadcast %shift_right_arithmetic3A_277 : i32 to vector<16xi32>
      %shift_right_arithmetic3A_279 = arith.shrsi %add3A_276, %shift_right_arithmetic3A_278 : vector<16xi32>
      %min3A_280 = arith.constant 9999 : i32
      %min3A_281 = vector.broadcast %min3A_280 : i32 to vector<16xi32>
      %min3A_282 = arith.minsi %shift_right_arithmetic3A_279, %min3A_281 : vector<16xi32>
      %gather3A_283 = tpu.vector_load_idx %arg8[%min3A_282] : memref<10000xi32, #tpu.memory_space<vmem>>[vector<16xi32>], vector<16xi32>,
      %lt3A_284 = arith.cmpi slt, %gather3A_283, %add3A_27 : vector<16xi32>
      %and3A_285 = arith.andi %lt3A_275, %lt3A_284 : vector<16xi1>
      %add3A_286 = arith.constant 1 : i32
      %add3A_287 = vector.broadcast %add3A_286 : i32 to vector<16xi32>
      %add3A_288 = arith.addi %shift_right_arithmetic3A_279, %add3A_287 : vector<16xi32>
      %select_n3A_289 = arith.select %and3A_285, %add3A_288, %select_n3A_270 : vector<16xi1>, vector<16xi32>
      %not3A_290 = arith.constant dense<true> : vector<16xi1>
      %not3A_291 = arith.xori %and3A_285, %not3A_290 : vector<16xi1>
      %and3A_292 = arith.andi %lt3A_275, %not3A_291 : vector<16xi1>
      %select_n3A_293 = arith.select %and3A_292, %shift_right_arithmetic3A_279, %select_n3A_274 : vector<16xi1>, vector<16xi32>
      %eq3A_294 = arith.constant 0 : i32
      %eq3A_295 = vector.broadcast %eq3A_294 : i32 to vector<16xi32>
      %eq3A_296 = arith.cmpi eq, %iota3A, %eq3A_295 : vector<16xi32>
      %jit3A_297 = arith.constant 0 : i32
      %broadcast_in_dim3A_298 = vector.broadcast %jit3A_297 : i32 to vector<16xi32>
      %select_n3A_299 = arith.select %eq3A_296, %select_n3A_289, %broadcast_in_dim3A_298 : vector<16xi1>, vector<16xi32>
      %reduce_sum3A = arith.constant true
      %reduce_sum3A_300 = vector.broadcast %reduce_sum3A : i1 to vector<16xi1>
      %reduce_sum3A_301 = tpu.scan <sum>, %select_n3A_299 masked %reduce_sum3A_300 : vector<16xi32>, vector<16xi1> -> vector<16xi32>
      %reduce_sum3A_302 = vector.extract %reduce_sum3A_301[15] : i32 from vector<16xi32>
      %eq3A_303 = arith.constant 4 : i32
      %eq3A_304 = vector.broadcast %eq3A_303 : i32 to vector<16xi32>
      %eq3A_305 = arith.cmpi eq, %iota3A, %eq3A_304 : vector<16xi32>
      %jit3A_306 = arith.constant 0 : i32
      %broadcast_in_dim3A_307 = vector.broadcast %jit3A_306 : i32 to vector<16xi32>
      %select_n3A_308 = arith.select %eq3A_305, %select_n3A_289, %broadcast_in_dim3A_307 : vector<16xi1>, vector<16xi32>
      %reduce_sum3A_309 = arith.constant true
      %reduce_sum3A_310 = vector.broadcast %reduce_sum3A_309 : i1 to vector<16xi1>
      %reduce_sum3A_311 = tpu.scan <sum>, %select_n3A_308 masked %reduce_sum3A_310 : vector<16xi32>, vector<16xi1> -> vector<16xi32>
      %reduce_sum3A_312 = vector.extract %reduce_sum3A_311[15] : i32 from vector<16xi32>
      %sub3A = arith.subi %reduce_sum3A_312, %reduce_sum3A_302 : i32
      %broadcast_in_dim3A_313 = vector.broadcast %sub3A : i32 to vector<16xi32>
      %convert_element_type3A_314 = arith.sitofp %broadcast_in_dim3A_313 : vector<16xi32> to vector<16xf32>
      %max3A = arith.constant 1.000000e+00 : f32
      %max3A_315 = vector.broadcast %max3A : f32 to vector<16xf32>
      %max3A_316 = arith.maximumf %convert_element_type3A_314, %max3A_315 : vector<16xf32>
      %div3A = arith.constant 1.000000e+00 : f32
      %div3A_317 = vector.broadcast %div3A : f32 to vector<16xf32>
      %div3A_318 = arith.divf %div3A_317, %max3A_316 : vector<16xf32>
      %swap3A = arith.constant 0 : i32
      %swap3A_319 = arith.index_cast %swap3A : i32 to index
      %swap3A_320 = arith.constant 0 : index
      %swap3A_321 = tpu.vector_load %arg11[%swap3A_319, %swap3A_320] {strides = array<i32>} : memref<4x128xf32, #tpu.memory_space<vmem>>, vector<16xf32>,
      tpu.vector_store %arg11[%swap3A_319, %swap3A_320], %div3A_318 {strides = array<i32>} : memref<4x128xf32, #tpu.memory_space<vmem>>, vector<16xf32>,
      %swap3A_322 = arith.constant 0 : i32
      %swap3A_323 = arith.index_cast %swap3A_322 : i32 to index
      %swap3A_324 = arith.constant 16 : index
      %swap3A_325 = tpu.vector_load %arg11[%swap3A_323, %swap3A_324] {strides = array<i32>} : memref<4x128xf32, #tpu.memory_space<vmem>>, vector<16xf32>,
      tpu.vector_store %arg11[%swap3A_323, %swap3A_324], %div3A_318 {strides = array<i32>} : memref<4x128xf32, #tpu.memory_space<vmem>>, vector<16xf32>,
      %swap3A_326 = arith.constant 0 : i32
      %swap3A_327 = arith.index_cast %swap3A_326 : i32 to index
      %swap3A_328 = arith.constant 32 : index
      %swap3A_329 = tpu.vector_load %arg11[%swap3A_327, %swap3A_328] {strides = array<i32>} : memref<4x128xf32, #tpu.memory_space<vmem>>, vector<16xf32>,
      tpu.vector_store %arg11[%swap3A_327, %swap3A_328], %div3A_318 {strides = array<i32>} : memref<4x128xf32, #tpu.memory_space<vmem>>, vector<16xf32>,
      %swap3A_330 = arith.constant 0 : i32
      %swap3A_331 = arith.index_cast %swap3A_330 : i32 to index
      %swap3A_332 = arith.constant 48 : index
      %swap3A_333 = tpu.vector_load %arg11[%swap3A_331, %swap3A_332] {strides = array<i32>} : memref<4x128xf32, #tpu.memory_space<vmem>>, vector<16xf32>,
      tpu.vector_store %arg11[%swap3A_331, %swap3A_332], %div3A_318 {strides = array<i32>} : memref<4x128xf32, #tpu.memory_space<vmem>>, vector<16xf32>,
      %swap3A_334 = arith.constant 0 : i32
      %swap3A_335 = arith.index_cast %swap3A_334 : i32 to index
      %swap3A_336 = arith.constant 64 : index
      %swap3A_337 = tpu.vector_load %arg11[%swap3A_335, %swap3A_336] {strides = array<i32>} : memref<4x128xf32, #tpu.memory_space<vmem>>, vector<16xf32>,
      tpu.vector_store %arg11[%swap3A_335, %swap3A_336], %div3A_318 {strides = array<i32>} : memref<4x128xf32, #tpu.memory_space<vmem>>, vector<16xf32>,
      %swap3A_338 = arith.constant 0 : i32
      %swap3A_339 = arith.index_cast %swap3A_338 : i32 to index
      %swap3A_340 = arith.constant 80 : index
      %swap3A_341 = tpu.vector_load %arg11[%swap3A_339, %swap3A_340] {strides = array<i32>} : memref<4x128xf32, #tpu.memory_space<vmem>>, vector<16xf32>,
      tpu.vector_store %arg11[%swap3A_339, %swap3A_340], %div3A_318 {strides = array<i32>} : memref<4x128xf32, #tpu.memory_space<vmem>>, vector<16xf32>,
      %swap3A_342 = arith.constant 0 : i32
      %swap3A_343 = arith.index_cast %swap3A_342 : i32 to index
      %swap3A_344 = arith.constant 96 : index
      %swap3A_345 = tpu.vector_load %arg11[%swap3A_343, %swap3A_344] {strides = array<i32>} : memref<4x128xf32, #tpu.memory_space<vmem>>, vector<16xf32>,
      tpu.vector_store %arg11[%swap3A_343, %swap3A_344], %div3A_318 {strides = array<i32>} : memref<4x128xf32, #tpu.memory_space<vmem>>, vector<16xf32>,
      %swap3A_346 = arith.constant 0 : i32
      %swap3A_347 = arith.index_cast %swap3A_346 : i32 to index
      %swap3A_348 = arith.constant 112 : index
      %swap3A_349 = tpu.vector_load %arg11[%swap3A_347, %swap3A_348] {strides = array<i32>} : memref<4x128xf32, #tpu.memory_space<vmem>>, vector<16xf32>,
      tpu.vector_store %arg11[%swap3A_347, %swap3A_348], %div3A_318 {strides = array<i32>} : memref<4x128xf32, #tpu.memory_space<vmem>>, vector<16xf32>,
      %eq3A_350 = arith.constant 1 : i32
      %eq3A_351 = vector.broadcast %eq3A_350 : i32 to vector<16xi32>
      %eq3A_352 = arith.cmpi eq, %iota3A, %eq3A_351 : vector<16xi32>
      %jit3A_353 = arith.constant 0 : i32
      %broadcast_in_dim3A_354 = vector.broadcast %jit3A_353 : i32 to vector<16xi32>
      %select_n3A_355 = arith.select %eq3A_352, %select_n3A_289, %broadcast_in_dim3A_354 : vector<16xi1>, vector<16xi32>
      %reduce_sum3A_356 = arith.constant true
      %reduce_sum3A_357 = vector.broadcast %reduce_sum3A_356 : i1 to vector<16xi1>
      %reduce_sum3A_358 = tpu.scan <sum>, %select_n3A_355 masked %reduce_sum3A_357 : vector<16xi32>, vector<16xi1> -> vector<16xi32>
      %reduce_sum3A_359 = vector.extract %reduce_sum3A_358[15] : i32 from vector<16xi32>
      %eq3A_360 = arith.constant 5 : i32
      %eq3A_361 = vector.broadcast %eq3A_360 : i32 to vector<16xi32>
      %eq3A_362 = arith.cmpi eq, %iota3A, %eq3A_361 : vector<16xi32>
      %jit3A_363 = arith.constant 0 : i32
      %broadcast_in_dim3A_364 = vector.broadcast %jit3A_363 : i32 to vector<16xi32>
      %select_n3A_365 = arith.select %eq3A_362, %select_n3A_289, %broadcast_in_dim3A_364 : vector<16xi1>, vector<16xi32>
      %reduce_sum3A_366 = arith.constant true
      %reduce_sum3A_367 = vector.broadcast %reduce_sum3A_366 : i1 to vector<16xi1>
      %reduce_sum3A_368 = tpu.scan <sum>, %select_n3A_365 masked %reduce_sum3A_367 : vector<16xi32>, vector<16xi1> -> vector<16xi32>
      %reduce_sum3A_369 = vector.extract %reduce_sum3A_368[15] : i32 from vector<16xi32>
      %sub3A_370 = arith.subi %reduce_sum3A_369, %reduce_sum3A_359 : i32
      %broadcast_in_dim3A_371 = vector.broadcast %sub3A_370 : i32 to vector<16xi32>
      %convert_element_type3A_372 = arith.sitofp %broadcast_in_dim3A_371 : vector<16xi32> to vector<16xf32>
      %max3A_373 = arith.constant 1.000000e+00 : f32
      %max3A_374 = vector.broadcast %max3A_373 : f32 to vector<16xf32>
      %max3A_375 = arith.maximumf %convert_element_type3A_372, %max3A_374 : vector<16xf32>
      %div3A_376 = arith.constant 1.000000e+00 : f32
      %div3A_377 = vector.broadcast %div3A_376 : f32 to vector<16xf32>
      %div3A_378 = arith.divf %div3A_377, %max3A_375 : vector<16xf32>
      %swap3A_379 = arith.constant 1 : i32
      %swap3A_380 = arith.index_cast %swap3A_379 : i32 to index
      %swap3A_381 = arith.constant 0 : index
      %swap3A_382 = tpu.vector_load %arg11[%swap3A_380, %swap3A_381] {strides = array<i32>} : memref<4x128xf32, #tpu.memory_space<vmem>>, vector<16xf32>,
      tpu.vector_store %arg11[%swap3A_380, %swap3A_381], %div3A_378 {strides = array<i32>} : memref<4x128xf32, #tpu.memory_space<vmem>>, vector<16xf32>,
      %swap3A_383 = arith.constant 1 : i32
      %swap3A_384 = arith.index_cast %swap3A_383 : i32 to index
      %swap3A_385 = arith.constant 16 : index
      %swap3A_386 = tpu.vector_load %arg11[%swap3A_384, %swap3A_385] {strides = array<i32>} : memref<4x128xf32, #tpu.memory_space<vmem>>, vector<16xf32>,
      tpu.vector_store %arg11[%swap3A_384, %swap3A_385], %div3A_378 {strides = array<i32>} : memref<4x128xf32, #tpu.memory_space<vmem>>, vector<16xf32>,
      %swap3A_387 = arith.constant 1 : i32
      %swap3A_388 = arith.index_cast %swap3A_387 : i32 to index
      %swap3A_389 = arith.constant 32 : index
      %swap3A_390 = tpu.vector_load %arg11[%swap3A_388, %swap3A_389] {strides = array<i32>} : memref<4x128xf32, #tpu.memory_space<vmem>>, vector<16xf32>,
      tpu.vector_store %arg11[%swap3A_388, %swap3A_389], %div3A_378 {strides = array<i32>} : memref<4x128xf32, #tpu.memory_space<vmem>>, vector<16xf32>,
      %swap3A_391 = arith.constant 1 : i32
      %swap3A_392 = arith.index_cast %swap3A_391 : i32 to index
      %swap3A_393 = arith.constant 48 : index
      %swap3A_394 = tpu.vector_load %arg11[%swap3A_392, %swap3A_393] {strides = array<i32>} : memref<4x128xf32, #tpu.memory_space<vmem>>, vector<16xf32>,
      tpu.vector_store %arg11[%swap3A_392, %swap3A_393], %div3A_378 {strides = array<i32>} : memref<4x128xf32, #tpu.memory_space<vmem>>, vector<16xf32>,
      %swap3A_395 = arith.constant 1 : i32
      %swap3A_396 = arith.index_cast %swap3A_395 : i32 to index
      %swap3A_397 = arith.constant 64 : index
      %swap3A_398 = tpu.vector_load %arg11[%swap3A_396, %swap3A_397] {strides = array<i32>} : memref<4x128xf32, #tpu.memory_space<vmem>>, vector<16xf32>,
      tpu.vector_store %arg11[%swap3A_396, %swap3A_397], %div3A_378 {strides = array<i32>} : memref<4x128xf32, #tpu.memory_space<vmem>>, vector<16xf32>,
      %swap3A_399 = arith.constant 1 : i32
      %swap3A_400 = arith.index_cast %swap3A_399 : i32 to index
      %swap3A_401 = arith.constant 80 : index
      %swap3A_402 = tpu.vector_load %arg11[%swap3A_400, %swap3A_401] {strides = array<i32>} : memref<4x128xf32, #tpu.memory_space<vmem>>, vector<16xf32>,
      tpu.vector_store %arg11[%swap3A_400, %swap3A_401], %div3A_378 {strides = array<i32>} : memref<4x128xf32, #tpu.memory_space<vmem>>, vector<16xf32>,
      %swap3A_403 = arith.constant 1 : i32
      %swap3A_404 = arith.index_cast %swap3A_403 : i32 to index
      %swap3A_405 = arith.constant 96 : index
      %swap3A_406 = tpu.vector_load %arg11[%swap3A_404, %swap3A_405] {strides = array<i32>} : memref<4x128xf32, #tpu.memory_space<vmem>>, vector<16xf32>,
      tpu.vector_store %arg11[%swap3A_404, %swap3A_405], %div3A_378 {strides = array<i32>} : memref<4x128xf32, #tpu.memory_space<vmem>>, vector<16xf32>,
      %swap3A_407 = arith.constant 1 : i32
      %swap3A_408 = arith.index_cast %swap3A_407 : i32 to index
      %swap3A_409 = arith.constant 112 : index
      %swap3A_410 = tpu.vector_load %arg11[%swap3A_408, %swap3A_409] {strides = array<i32>} : memref<4x128xf32, #tpu.memory_space<vmem>>, vector<16xf32>,
      tpu.vector_store %arg11[%swap3A_408, %swap3A_409], %div3A_378 {strides = array<i32>} : memref<4x128xf32, #tpu.memory_space<vmem>>, vector<16xf32>,
      %eq3A_411 = arith.constant 2 : i32
      %eq3A_412 = vector.broadcast %eq3A_411 : i32 to vector<16xi32>
      %eq3A_413 = arith.cmpi eq, %iota3A, %eq3A_412 : vector<16xi32>
      %jit3A_414 = arith.constant 0 : i32
      %broadcast_in_dim3A_415 = vector.broadcast %jit3A_414 : i32 to vector<16xi32>
      %select_n3A_416 = arith.select %eq3A_413, %select_n3A_289, %broadcast_in_dim3A_415 : vector<16xi1>, vector<16xi32>
      %reduce_sum3A_417 = arith.constant true
      %reduce_sum3A_418 = vector.broadcast %reduce_sum3A_417 : i1 to vector<16xi1>
      %reduce_sum3A_419 = tpu.scan <sum>, %select_n3A_416 masked %reduce_sum3A_418 : vector<16xi32>, vector<16xi1> -> vector<16xi32>
      %reduce_sum3A_420 = vector.extract %reduce_sum3A_419[15] : i32 from vector<16xi32>
      %eq3A_421 = arith.constant 6 : i32
      %eq3A_422 = vector.broadcast %eq3A_421 : i32 to vector<16xi32>
      %eq3A_423 = arith.cmpi eq, %iota3A, %eq3A_422 : vector<16xi32>
      %jit3A_424 = arith.constant 0 : i32
      %broadcast_in_dim3A_425 = vector.broadcast %jit3A_424 : i32 to vector<16xi32>
      %select_n3A_426 = arith.select %eq3A_423, %select_n3A_289, %broadcast_in_dim3A_425 : vector<16xi1>, vector<16xi32>
      %reduce_sum3A_427 = arith.constant true
      %reduce_sum3A_428 = vector.broadcast %reduce_sum3A_427 : i1 to vector<16xi1>
      %reduce_sum3A_429 = tpu.scan <sum>, %select_n3A_426 masked %reduce_sum3A_428 : vector<16xi32>, vector<16xi1> -> vector<16xi32>
      %reduce_sum3A_430 = vector.extract %reduce_sum3A_429[15] : i32 from vector<16xi32>
      %sub3A_431 = arith.subi %reduce_sum3A_430, %reduce_sum3A_420 : i32
      %broadcast_in_dim3A_432 = vector.broadcast %sub3A_431 : i32 to vector<16xi32>
      %convert_element_type3A_433 = arith.sitofp %broadcast_in_dim3A_432 : vector<16xi32> to vector<16xf32>
      %max3A_434 = arith.constant 1.000000e+00 : f32
      %max3A_435 = vector.broadcast %max3A_434 : f32 to vector<16xf32>
      %max3A_436 = arith.maximumf %convert_element_type3A_433, %max3A_435 : vector<16xf32>
      %div3A_437 = arith.constant 1.000000e+00 : f32
      %div3A_438 = vector.broadcast %div3A_437 : f32 to vector<16xf32>
      %div3A_439 = arith.divf %div3A_438, %max3A_436 : vector<16xf32>
      %swap3A_440 = arith.constant 2 : i32
      %swap3A_441 = arith.index_cast %swap3A_440 : i32 to index
      %swap3A_442 = arith.constant 0 : index
      %swap3A_443 = tpu.vector_load %arg11[%swap3A_441, %swap3A_442] {strides = array<i32>} : memref<4x128xf32, #tpu.memory_space<vmem>>, vector<16xf32>,
      tpu.vector_store %arg11[%swap3A_441, %swap3A_442], %div3A_439 {strides = array<i32>} : memref<4x128xf32, #tpu.memory_space<vmem>>, vector<16xf32>,
      %swap3A_444 = arith.constant 2 : i32
      %swap3A_445 = arith.index_cast %swap3A_444 : i32 to index
      %swap3A_446 = arith.constant 16 : index
      %swap3A_447 = tpu.vector_load %arg11[%swap3A_445, %swap3A_446] {strides = array<i32>} : memref<4x128xf32, #tpu.memory_space<vmem>>, vector<16xf32>,
      tpu.vector_store %arg11[%swap3A_445, %swap3A_446], %div3A_439 {strides = array<i32>} : memref<4x128xf32, #tpu.memory_space<vmem>>, vector<16xf32>,
      %swap3A_448 = arith.constant 2 : i32
      %swap3A_449 = arith.index_cast %swap3A_448 : i32 to index
      %swap3A_450 = arith.constant 32 : index
      %swap3A_451 = tpu.vector_load %arg11[%swap3A_449, %swap3A_450] {strides = array<i32>} : memref<4x128xf32, #tpu.memory_space<vmem>>, vector<16xf32>,
      tpu.vector_store %arg11[%swap3A_449, %swap3A_450], %div3A_439 {strides = array<i32>} : memref<4x128xf32, #tpu.memory_space<vmem>>, vector<16xf32>,
      %swap3A_452 = arith.constant 2 : i32
      %swap3A_453 = arith.index_cast %swap3A_452 : i32 to index
      %swap3A_454 = arith.constant 48 : index
      %swap3A_455 = tpu.vector_load %arg11[%swap3A_453, %swap3A_454] {strides = array<i32>} : memref<4x128xf32, #tpu.memory_space<vmem>>, vector<16xf32>,
      tpu.vector_store %arg11[%swap3A_453, %swap3A_454], %div3A_439 {strides = array<i32>} : memref<4x128xf32, #tpu.memory_space<vmem>>, vector<16xf32>,
      %swap3A_456 = arith.constant 2 : i32
      %swap3A_457 = arith.index_cast %swap3A_456 : i32 to index
      %swap3A_458 = arith.constant 64 : index
      %swap3A_459 = tpu.vector_load %arg11[%swap3A_457, %swap3A_458] {strides = array<i32>} : memref<4x128xf32, #tpu.memory_space<vmem>>, vector<16xf32>,
      tpu.vector_store %arg11[%swap3A_457, %swap3A_458], %div3A_439 {strides = array<i32>} : memref<4x128xf32, #tpu.memory_space<vmem>>, vector<16xf32>,
      %swap3A_460 = arith.constant 2 : i32
      %swap3A_461 = arith.index_cast %swap3A_460 : i32 to index
      %swap3A_462 = arith.constant 80 : index
      %swap3A_463 = tpu.vector_load %arg11[%swap3A_461, %swap3A_462] {strides = array<i32>} : memref<4x128xf32, #tpu.memory_space<vmem>>, vector<16xf32>,
      tpu.vector_store %arg11[%swap3A_461, %swap3A_462], %div3A_439 {strides = array<i32>} : memref<4x128xf32, #tpu.memory_space<vmem>>, vector<16xf32>,
      %swap3A_464 = arith.constant 2 : i32
      %swap3A_465 = arith.index_cast %swap3A_464 : i32 to index
      %swap3A_466 = arith.constant 96 : index
      %swap3A_467 = tpu.vector_load %arg11[%swap3A_465, %swap3A_466] {strides = array<i32>} : memref<4x128xf32, #tpu.memory_space<vmem>>, vector<16xf32>,
      tpu.vector_store %arg11[%swap3A_465, %swap3A_466], %div3A_439 {strides = array<i32>} : memref<4x128xf32, #tpu.memory_space<vmem>>, vector<16xf32>,
      %swap3A_468 = arith.constant 2 : i32
      %swap3A_469 = arith.index_cast %swap3A_468 : i32 to index
      %swap3A_470 = arith.constant 112 : index
      %swap3A_471 = tpu.vector_load %arg11[%swap3A_469, %swap3A_470] {strides = array<i32>} : memref<4x128xf32, #tpu.memory_space<vmem>>, vector<16xf32>,
      tpu.vector_store %arg11[%swap3A_469, %swap3A_470], %div3A_439 {strides = array<i32>} : memref<4x128xf32, #tpu.memory_space<vmem>>, vector<16xf32>,
      %eq3A_472 = arith.constant 3 : i32
      %eq3A_473 = vector.broadcast %eq3A_472 : i32 to vector<16xi32>
      %eq3A_474 = arith.cmpi eq, %iota3A, %eq3A_473 : vector<16xi32>
      %jit3A_475 = arith.constant 0 : i32
      %broadcast_in_dim3A_476 = vector.broadcast %jit3A_475 : i32 to vector<16xi32>
      %select_n3A_477 = arith.select %eq3A_474, %select_n3A_289, %broadcast_in_dim3A_476 : vector<16xi1>, vector<16xi32>
      %reduce_sum3A_478 = arith.constant true
      %reduce_sum3A_479 = vector.broadcast %reduce_sum3A_478 : i1 to vector<16xi1>
      %reduce_sum3A_480 = tpu.scan <sum>, %select_n3A_477 masked %reduce_sum3A_479 : vector<16xi32>, vector<16xi1> -> vector<16xi32>
      %reduce_sum3A_481 = vector.extract %reduce_sum3A_480[15] : i32 from vector<16xi32>
      %eq3A_482 = arith.constant 7 : i32
      %eq3A_483 = vector.broadcast %eq3A_482 : i32 to vector<16xi32>
      %eq3A_484 = arith.cmpi eq, %iota3A, %eq3A_483 : vector<16xi32>
      %jit3A_485 = arith.constant 0 : i32
      %broadcast_in_dim3A_486 = vector.broadcast %jit3A_485 : i32 to vector<16xi32>
      %select_n3A_487 = arith.select %eq3A_484, %select_n3A_289, %broadcast_in_dim3A_486 : vector<16xi1>, vector<16xi32>
      %reduce_sum3A_488 = arith.constant true
      %reduce_sum3A_489 = vector.broadcast %reduce_sum3A_488 : i1 to vector<16xi1>
      %reduce_sum3A_490 = tpu.scan <sum>, %select_n3A_487 masked %reduce_sum3A_489 : vector<16xi32>, vector<16xi1> -> vector<16xi32>
      %reduce_sum3A_491 = vector.extract %reduce_sum3A_490[15] : i32 from vector<16xi32>
      %sub3A_492 = arith.subi %reduce_sum3A_491, %reduce_sum3A_481 : i32
      %broadcast_in_dim3A_493 = vector.broadcast %sub3A_492 : i32 to vector<16xi32>
      %convert_element_type3A_494 = arith.sitofp %broadcast_in_dim3A_493 : vector<16xi32> to vector<16xf32>
      %max3A_495 = arith.constant 1.000000e+00 : f32
      %max3A_496 = vector.broadcast %max3A_495 : f32 to vector<16xf32>
      %max3A_497 = arith.maximumf %convert_element_type3A_494, %max3A_496 : vector<16xf32>
      %div3A_498 = arith.constant 1.000000e+00 : f32
      %div3A_499 = vector.broadcast %div3A_498 : f32 to vector<16xf32>
      %div3A_500 = arith.divf %div3A_499, %max3A_497 : vector<16xf32>
      %swap3A_501 = arith.constant 3 : i32
      %swap3A_502 = arith.index_cast %swap3A_501 : i32 to index
      %swap3A_503 = arith.constant 0 : index
      %swap3A_504 = tpu.vector_load %arg11[%swap3A_502, %swap3A_503] {strides = array<i32>} : memref<4x128xf32, #tpu.memory_space<vmem>>, vector<16xf32>,
      tpu.vector_store %arg11[%swap3A_502, %swap3A_503], %div3A_500 {strides = array<i32>} : memref<4x128xf32, #tpu.memory_space<vmem>>, vector<16xf32>,
      %swap3A_505 = arith.constant 3 : i32
      %swap3A_506 = arith.index_cast %swap3A_505 : i32 to index
      %swap3A_507 = arith.constant 16 : index
      %swap3A_508 = tpu.vector_load %arg11[%swap3A_506, %swap3A_507] {strides = array<i32>} : memref<4x128xf32, #tpu.memory_space<vmem>>, vector<16xf32>,
      tpu.vector_store %arg11[%swap3A_506, %swap3A_507], %div3A_500 {strides = array<i32>} : memref<4x128xf32, #tpu.memory_space<vmem>>, vector<16xf32>,
      %swap3A_509 = arith.constant 3 : i32
      %swap3A_510 = arith.index_cast %swap3A_509 : i32 to index
      %swap3A_511 = arith.constant 32 : index
      %swap3A_512 = tpu.vector_load %arg11[%swap3A_510, %swap3A_511] {strides = array<i32>} : memref<4x128xf32, #tpu.memory_space<vmem>>, vector<16xf32>,
      tpu.vector_store %arg11[%swap3A_510, %swap3A_511], %div3A_500 {strides = array<i32>} : memref<4x128xf32, #tpu.memory_space<vmem>>, vector<16xf32>,
      %swap3A_513 = arith.constant 3 : i32
      %swap3A_514 = arith.index_cast %swap3A_513 : i32 to index
      %swap3A_515 = arith.constant 48 : index
      %swap3A_516 = tpu.vector_load %arg11[%swap3A_514, %swap3A_515] {strides = array<i32>} : memref<4x128xf32, #tpu.memory_space<vmem>>, vector<16xf32>,
      tpu.vector_store %arg11[%swap3A_514, %swap3A_515], %div3A_500 {strides = array<i32>} : memref<4x128xf32, #tpu.memory_space<vmem>>, vector<16xf32>,
      %swap3A_517 = arith.constant 3 : i32
      %swap3A_518 = arith.index_cast %swap3A_517 : i32 to index
      %swap3A_519 = arith.constant 64 : index
      %swap3A_520 = tpu.vector_load %arg11[%swap3A_518, %swap3A_519] {strides = array<i32>} : memref<4x128xf32, #tpu.memory_space<vmem>>, vector<16xf32>,
      tpu.vector_store %arg11[%swap3A_518, %swap3A_519], %div3A_500 {strides = array<i32>} : memref<4x128xf32, #tpu.memory_space<vmem>>, vector<16xf32>,
      %swap3A_521 = arith.constant 3 : i32
      %swap3A_522 = arith.index_cast %swap3A_521 : i32 to index
      %swap3A_523 = arith.constant 80 : index
      %swap3A_524 = tpu.vector_load %arg11[%swap3A_522, %swap3A_523] {strides = array<i32>} : memref<4x128xf32, #tpu.memory_space<vmem>>, vector<16xf32>,
      tpu.vector_store %arg11[%swap3A_522, %swap3A_523], %div3A_500 {strides = array<i32>} : memref<4x128xf32, #tpu.memory_space<vmem>>, vector<16xf32>,
      %swap3A_525 = arith.constant 3 : i32
      %swap3A_526 = arith.index_cast %swap3A_525 : i32 to index
      %swap3A_527 = arith.constant 96 : index
      %swap3A_528 = tpu.vector_load %arg11[%swap3A_526, %swap3A_527] {strides = array<i32>} : memref<4x128xf32, #tpu.memory_space<vmem>>, vector<16xf32>,
      tpu.vector_store %arg11[%swap3A_526, %swap3A_527], %div3A_500 {strides = array<i32>} : memref<4x128xf32, #tpu.memory_space<vmem>>, vector<16xf32>,
      %swap3A_529 = arith.constant 3 : i32
      %swap3A_530 = arith.index_cast %swap3A_529 : i32 to index
      %swap3A_531 = arith.constant 112 : index
      %swap3A_532 = tpu.vector_load %arg11[%swap3A_530, %swap3A_531] {strides = array<i32>} : memref<4x128xf32, #tpu.memory_space<vmem>>, vector<16xf32>,
      tpu.vector_store %arg11[%swap3A_530, %swap3A_531], %div3A_500 {strides = array<i32>} : memref<4x128xf32, #tpu.memory_space<vmem>>, vector<16xf32>,
      %mul3A_533 = arith.constant 4 : i32
      %mul3A_534 = arith.muli %arg1, %mul3A_533 : i32
      "tpu.region"() ({
        %run_scoped3A = tpu.sem_alloc : memref<!tpu.dma_semaphore, #tpu.memory_space<semaphore_mem>>
        %dma_start3A = arith.constant 0 : i32
        %dma_start3A_535 = tpu.memref_slice %arg7[%mul3A_534, %dma_start3A] : memref<64x128xf32, #tpu.memory_space<hbm>> -> memref<4x128xf32, #tpu.memory_space<hbm>>
        %dma_start3A_536 = arith.constant 0 : i32
        %dma_start3A_537 = tpu.memref_slice %arg7[%mul3A_534, %dma_start3A_536] : memref<64x128xf32, #tpu.memory_space<hbm>> -> memref<4x128xf32, #tpu.memory_space<hbm>>
        tpu.enqueue_dma source(%arg11 : memref<4x128xf32, #tpu.memory_space<vmem>>) target(%dma_start3A_537 : memref<4x128xf32, #tpu.memory_space<hbm>>) target_semaphore(%run_scoped3A : memref<!tpu.dma_semaphore, #tpu.memory_space<semaphore_mem>>)
        %dma_wait3A = arith.constant 0 : i32
        %dma_wait3A_538 = tpu.memref_slice %arg7[%mul3A_534, %dma_wait3A] : memref<64x128xf32, #tpu.memory_space<hbm>> -> memref<4x128xf32, #tpu.memory_space<hbm>>
        %dma_wait3A_539 = arith.constant 0 : i32
        %dma_wait3A_540 = tpu.memref_slice %arg7[%mul3A_534, %dma_wait3A_539] : memref<64x128xf32, #tpu.memory_space<hbm>> -> memref<4x128xf32, #tpu.memory_space<hbm>>
        tpu.wait_dma2 semaphore(%run_scoped3A : memref<!tpu.dma_semaphore, #tpu.memory_space<semaphore_mem>>) src(%arg11 : memref<4x128xf32, #tpu.memory_space<vmem>>) dst(%dma_wait3A_540 : memref<4x128xf32, #tpu.memory_space<hbm>>)
        tpu.yield
      }) : () -> ()
    } else {
    }
    return
  }
}

#map = affine_map<(d0, d1) -> (0, 0)>
#map1 = affine_map<(d0, d1) -> (0)>
#map2 = affine_map<(d0, d1) -> (0, 0, 0)>
module attributes {stable_mosaic.version = 14 : i64} {
  func.func @_sc_body(%arg0: i32, %arg1: i32, %arg2: memref<320000x128xf32, #tpu.memory_space<hbm>>, %arg3: memref<320000x128xf32, #tpu.memory_space<hbm>>, %arg4: memref<640000xi32, #tpu.memory_space<hbm>>, %arg5: memref<640000xi32, #tpu.memory_space<hbm>>, %arg6: memref<10000xi32, #tpu.memory_space<hbm>>, %arg7: memref<2x64x128xf32, #tpu.memory_space<hbm>>, %arg8: memref<10000xi32, #tpu.memory_space<vmem>>, %arg9: memref<10080xi32, #tpu.memory_space<vmem>>, %arg10: memref<90x112xi32, #tpu.memory_space<vmem>>, %arg11: memref<3x112x128xf32, #tpu.memory_space<vmem>>, %arg12: memref<64x128xf32, #tpu.memory_space<vmem>>, %arg13: memref<16x4x128xf32, #tpu.memory_space<vmem>>, %arg14: memref<1024x128xf32, #tpu.memory_space<vmem_shared>>, %arg15: memref<3x!tpu.dma_semaphore, #tpu.memory_space<semaphore_mem>>, %arg16: memref<!tpu.dma_semaphore, #tpu.memory_space<semaphore_mem>>) attributes {dimension_semantics = [#tpu.dimension_semantics<core_parallel>, #tpu.dimension_semantics<subcore_parallel>], iteration_bounds = array<i64: 2, 16>, scalar_prefetch = 0 : i64, scratch_operands = 9 : i64, tpu.core_type = #tpu.core_type<sc_vector_subcore>, window_params = [{transform_indices = #map}, {transform_indices = #map}, {transform_indices = #map1}, {transform_indices = #map1}, {transform_indices = #map1}, {transform_indices = #map2}]} {
    %mul3A = arith.constant 2 : i32
    %mul3A_0 = arith.muli %arg1, %mul3A : i32
    %add3A = arith.addi %mul3A_0, %arg0 : i32
    %mul3A_1 = arith.constant 5040 : i32
    %mul3A_2 = arith.muli %add3A, %mul3A_1 : i32
    %multiple_of3A = tpu.assume_multiple %mul3A_2, 8 : i32
    %add3A_3 = arith.constant 0 : i32
    %add3A_4 = arith.addi %multiple_of3A, %add3A_3 : i32
    %dma_start3A = arith.constant 0 : i32
    %dma_start3A_5 = arith.constant 0 : i32
    %dma_start3A_6 = arith.constant 0 : i32
    %dma_start3A_7 = arith.constant 0 : i32
    %dma_start3A_8 = tpu.memref_slice %arg11[%dma_start3A, %dma_start3A_6, %dma_start3A_7] : memref<3x112x128xf32, #tpu.memory_space<vmem>> -> memref<1x112x128xf32, #tpu.memory_space<vmem>>
    %dma_start3A_9 = tpu.memref_squeeze %dma_start3A_8 : memref<1x112x128xf32, #tpu.memory_space<vmem>> -> memref<112x128xf32, #tpu.memory_space<vmem>>
    %dma_start3A_10 = arith.constant 0 : i32
    %dma_start3A_11 = tpu.memref_slice %arg2[%add3A_4, %dma_start3A_10] : memref<320000x128xf32, #tpu.memory_space<hbm>> -> memref<112x128xf32, #tpu.memory_space<hbm>>
    %dma_start3A_12 = tpu.memref_slice %arg15[%dma_start3A_5] : memref<3x!tpu.dma_semaphore, #tpu.memory_space<semaphore_mem>> -> memref<1x!tpu.dma_semaphore, #tpu.memory_space<semaphore_mem>>
    %dma_start3A_13 = tpu.memref_squeeze %dma_start3A_12 : memref<1x!tpu.dma_semaphore, #tpu.memory_space<semaphore_mem>> -> memref<!tpu.dma_semaphore, #tpu.memory_space<semaphore_mem>>
    %dma_start3A_14 = arith.constant 0 : i32
    %dma_start3A_15 = arith.constant 0 : i32
    %dma_start3A_16 = tpu.memref_slice %arg11[%dma_start3A, %dma_start3A_14, %dma_start3A_15] : memref<3x112x128xf32, #tpu.memory_space<vmem>> -> memref<1x112x128xf32, #tpu.memory_space<vmem>>
    %dma_start3A_17 = tpu.memref_squeeze %dma_start3A_16 : memref<1x112x128xf32, #tpu.memory_space<vmem>> -> memref<112x128xf32, #tpu.memory_space<vmem>>
    %dma_start3A_18 = arith.constant 0 : i32
    %dma_start3A_19 = tpu.memref_slice %arg2[%add3A_4, %dma_start3A_18] : memref<320000x128xf32, #tpu.memory_space<hbm>> -> memref<112x128xf32, #tpu.memory_space<hbm>>
    tpu.enqueue_dma source(%dma_start3A_19 : memref<112x128xf32, #tpu.memory_space<hbm>>) target(%dma_start3A_17 : memref<112x128xf32, #tpu.memory_space<vmem>>) target_semaphore(%dma_start3A_13 : memref<!tpu.dma_semaphore, #tpu.memory_space<semaphore_mem>>)
    %add3A_20 = arith.constant 112 : i32
    %add3A_21 = arith.addi %multiple_of3A, %add3A_20 : i32
    %dma_start3A_22 = arith.constant 1 : i32
    %dma_start3A_23 = arith.constant 1 : i32
    %dma_start3A_24 = arith.constant 0 : i32
    %dma_start3A_25 = arith.constant 0 : i32
    %dma_start3A_26 = tpu.memref_slice %arg11[%dma_start3A_22, %dma_start3A_24, %dma_start3A_25] : memref<3x112x128xf32, #tpu.memory_space<vmem>> -> memref<1x112x128xf32, #tpu.memory_space<vmem>>
    %dma_start3A_27 = tpu.memref_squeeze %dma_start3A_26 : memref<1x112x128xf32, #tpu.memory_space<vmem>> -> memref<112x128xf32, #tpu.memory_space<vmem>>
    %dma_start3A_28 = arith.constant 0 : i32
    %dma_start3A_29 = tpu.memref_slice %arg2[%add3A_21, %dma_start3A_28] : memref<320000x128xf32, #tpu.memory_space<hbm>> -> memref<112x128xf32, #tpu.memory_space<hbm>>
    %dma_start3A_30 = tpu.memref_slice %arg15[%dma_start3A_23] : memref<3x!tpu.dma_semaphore, #tpu.memory_space<semaphore_mem>> -> memref<1x!tpu.dma_semaphore, #tpu.memory_space<semaphore_mem>>
    %dma_start3A_31 = tpu.memref_squeeze %dma_start3A_30 : memref<1x!tpu.dma_semaphore, #tpu.memory_space<semaphore_mem>> -> memref<!tpu.dma_semaphore, #tpu.memory_space<semaphore_mem>>
    %dma_start3A_32 = arith.constant 0 : i32
    %dma_start3A_33 = arith.constant 0 : i32
    %dma_start3A_34 = tpu.memref_slice %arg11[%dma_start3A_22, %dma_start3A_32, %dma_start3A_33] : memref<3x112x128xf32, #tpu.memory_space<vmem>> -> memref<1x112x128xf32, #tpu.memory_space<vmem>>
    %dma_start3A_35 = tpu.memref_squeeze %dma_start3A_34 : memref<1x112x128xf32, #tpu.memory_space<vmem>> -> memref<112x128xf32, #tpu.memory_space<vmem>>
    %dma_start3A_36 = arith.constant 0 : i32
    %dma_start3A_37 = tpu.memref_slice %arg2[%add3A_21, %dma_start3A_36] : memref<320000x128xf32, #tpu.memory_space<hbm>> -> memref<112x128xf32, #tpu.memory_space<hbm>>
    tpu.enqueue_dma source(%dma_start3A_37 : memref<112x128xf32, #tpu.memory_space<hbm>>) target(%dma_start3A_35 : memref<112x128xf32, #tpu.memory_space<vmem>>) target_semaphore(%dma_start3A_31 : memref<!tpu.dma_semaphore, #tpu.memory_space<semaphore_mem>>)
    %add3A_38 = arith.constant 224 : i32
    %add3A_39 = arith.addi %multiple_of3A, %add3A_38 : i32
    %dma_start3A_40 = arith.constant 2 : i32
    %dma_start3A_41 = arith.constant 2 : i32
    %dma_start3A_42 = arith.constant 0 : i32
    %dma_start3A_43 = arith.constant 0 : i32
    %dma_start3A_44 = tpu.memref_slice %arg11[%dma_start3A_40, %dma_start3A_42, %dma_start3A_43] : memref<3x112x128xf32, #tpu.memory_space<vmem>> -> memref<1x112x128xf32, #tpu.memory_space<vmem>>
    %dma_start3A_45 = tpu.memref_squeeze %dma_start3A_44 : memref<1x112x128xf32, #tpu.memory_space<vmem>> -> memref<112x128xf32, #tpu.memory_space<vmem>>
    %dma_start3A_46 = arith.constant 0 : i32
    %dma_start3A_47 = tpu.memref_slice %arg2[%add3A_39, %dma_start3A_46] : memref<320000x128xf32, #tpu.memory_space<hbm>> -> memref<112x128xf32, #tpu.memory_space<hbm>>
    %dma_start3A_48 = tpu.memref_slice %arg15[%dma_start3A_41] : memref<3x!tpu.dma_semaphore, #tpu.memory_space<semaphore_mem>> -> memref<1x!tpu.dma_semaphore, #tpu.memory_space<semaphore_mem>>
    %dma_start3A_49 = tpu.memref_squeeze %dma_start3A_48 : memref<1x!tpu.dma_semaphore, #tpu.memory_space<semaphore_mem>> -> memref<!tpu.dma_semaphore, #tpu.memory_space<semaphore_mem>>
    %dma_start3A_50 = arith.constant 0 : i32
    %dma_start3A_51 = arith.constant 0 : i32
    %dma_start3A_52 = tpu.memref_slice %arg11[%dma_start3A_40, %dma_start3A_50, %dma_start3A_51] : memref<3x112x128xf32, #tpu.memory_space<vmem>> -> memref<1x112x128xf32, #tpu.memory_space<vmem>>
    %dma_start3A_53 = tpu.memref_squeeze %dma_start3A_52 : memref<1x112x128xf32, #tpu.memory_space<vmem>> -> memref<112x128xf32, #tpu.memory_space<vmem>>
    %dma_start3A_54 = arith.constant 0 : i32
    %dma_start3A_55 = tpu.memref_slice %arg2[%add3A_39, %dma_start3A_54] : memref<320000x128xf32, #tpu.memory_space<hbm>> -> memref<112x128xf32, #tpu.memory_space<hbm>>
    tpu.enqueue_dma source(%dma_start3A_55 : memref<112x128xf32, #tpu.memory_space<hbm>>) target(%dma_start3A_53 : memref<112x128xf32, #tpu.memory_space<vmem>>) target_semaphore(%dma_start3A_49 : memref<!tpu.dma_semaphore, #tpu.memory_space<semaphore_mem>>)
    "tpu.region"() ({
      %run_scoped3A = tpu.sem_alloc : memref<!tpu.dma_semaphore, #tpu.memory_space<semaphore_mem>>
      tpu.enqueue_dma source(%arg6 : memref<10000xi32, #tpu.memory_space<hbm>>) target(%arg8 : memref<10000xi32, #tpu.memory_space<vmem>>) target_semaphore(%run_scoped3A : memref<!tpu.dma_semaphore, #tpu.memory_space<semaphore_mem>>)
      tpu.wait_dma2 semaphore(%run_scoped3A : memref<!tpu.dma_semaphore, #tpu.memory_space<semaphore_mem>>) src(%arg6 : memref<10000xi32, #tpu.memory_space<hbm>>) dst(%arg8 : memref<10000xi32, #tpu.memory_space<vmem>>)
      tpu.yield
    }) : () -> ()
    "tpu.region"() ({
      %run_scoped3A = tpu.sem_alloc : memref<!tpu.dma_semaphore, #tpu.memory_space<semaphore_mem>>
      %dma_start3A_92 = arith.constant 0 : i32
      %dma_start3A_93 = tpu.memref_slice %arg9[%dma_start3A_92] : memref<10080xi32, #tpu.memory_space<vmem>> -> memref<5040xi32, #tpu.memory_space<vmem>>
      %dma_start3A_94 = tpu.memref_slice %arg4[%multiple_of3A] : memref<640000xi32, #tpu.memory_space<hbm>> -> memref<5040xi32, #tpu.memory_space<hbm>>
      %dma_start3A_95 = arith.constant 0 : i32
      %dma_start3A_96 = tpu.memref_slice %arg9[%dma_start3A_95] : memref<10080xi32, #tpu.memory_space<vmem>> -> memref<5040xi32, #tpu.memory_space<vmem>>
      %dma_start3A_97 = tpu.memref_slice %arg4[%multiple_of3A] : memref<640000xi32, #tpu.memory_space<hbm>> -> memref<5040xi32, #tpu.memory_space<hbm>>
      tpu.enqueue_dma source(%dma_start3A_97 : memref<5040xi32, #tpu.memory_space<hbm>>) target(%dma_start3A_96 : memref<5040xi32, #tpu.memory_space<vmem>>) target_semaphore(%run_scoped3A : memref<!tpu.dma_semaphore, #tpu.memory_space<semaphore_mem>>)
      %dma_wait3A_98 = arith.constant 0 : i32
      %dma_wait3A_99 = tpu.memref_slice %arg9[%dma_wait3A_98] : memref<10080xi32, #tpu.memory_space<vmem>> -> memref<5040xi32, #tpu.memory_space<vmem>>
      %dma_wait3A_100 = tpu.memref_slice %arg4[%multiple_of3A] : memref<640000xi32, #tpu.memory_space<hbm>> -> memref<5040xi32, #tpu.memory_space<hbm>>
      %dma_wait3A_101 = arith.constant 0 : i32
      %dma_wait3A_102 = tpu.memref_slice %arg9[%dma_wait3A_101] : memref<10080xi32, #tpu.memory_space<vmem>> -> memref<5040xi32, #tpu.memory_space<vmem>>
      %dma_wait3A_103 = tpu.memref_slice %arg4[%multiple_of3A] : memref<640000xi32, #tpu.memory_space<hbm>> -> memref<5040xi32, #tpu.memory_space<hbm>>
      tpu.wait_dma2 semaphore(%run_scoped3A : memref<!tpu.dma_semaphore, #tpu.memory_space<semaphore_mem>>) src(%dma_wait3A_103 : memref<5040xi32, #tpu.memory_space<hbm>>) dst(%dma_wait3A_102 : memref<5040xi32, #tpu.memory_space<vmem>>)
      tpu.yield
    }) : () -> ()
    "tpu.region"() ({
      %run_scoped3A = tpu.sem_alloc : memref<!tpu.dma_semaphore, #tpu.memory_space<semaphore_mem>>
      %dma_start3A_92 = arith.constant 5040 : i32
      %dma_start3A_93 = tpu.memref_slice %arg9[%dma_start3A_92] : memref<10080xi32, #tpu.memory_space<vmem>> -> memref<5040xi32, #tpu.memory_space<vmem>>
      %dma_start3A_94 = tpu.memref_slice %arg5[%multiple_of3A] : memref<640000xi32, #tpu.memory_space<hbm>> -> memref<5040xi32, #tpu.memory_space<hbm>>
      %dma_start3A_95 = arith.constant 5040 : i32
      %dma_start3A_96 = tpu.memref_slice %arg9[%dma_start3A_95] : memref<10080xi32, #tpu.memory_space<vmem>> -> memref<5040xi32, #tpu.memory_space<vmem>>
      %dma_start3A_97 = tpu.memref_slice %arg5[%multiple_of3A] : memref<640000xi32, #tpu.memory_space<hbm>> -> memref<5040xi32, #tpu.memory_space<hbm>>
      tpu.enqueue_dma source(%dma_start3A_97 : memref<5040xi32, #tpu.memory_space<hbm>>) target(%dma_start3A_96 : memref<5040xi32, #tpu.memory_space<vmem>>) target_semaphore(%run_scoped3A : memref<!tpu.dma_semaphore, #tpu.memory_space<semaphore_mem>>)
      %dma_wait3A_98 = arith.constant 5040 : i32
      %dma_wait3A_99 = tpu.memref_slice %arg9[%dma_wait3A_98] : memref<10080xi32, #tpu.memory_space<vmem>> -> memref<5040xi32, #tpu.memory_space<vmem>>
      %dma_wait3A_100 = tpu.memref_slice %arg5[%multiple_of3A] : memref<640000xi32, #tpu.memory_space<hbm>> -> memref<5040xi32, #tpu.memory_space<hbm>>
      %dma_wait3A_101 = arith.constant 5040 : i32
      %dma_wait3A_102 = tpu.memref_slice %arg9[%dma_wait3A_101] : memref<10080xi32, #tpu.memory_space<vmem>> -> memref<5040xi32, #tpu.memory_space<vmem>>
      %dma_wait3A_103 = tpu.memref_slice %arg5[%multiple_of3A] : memref<640000xi32, #tpu.memory_space<hbm>> -> memref<5040xi32, #tpu.memory_space<hbm>>
      tpu.wait_dma2 semaphore(%run_scoped3A : memref<!tpu.dma_semaphore, #tpu.memory_space<semaphore_mem>>) src(%dma_wait3A_103 : memref<5040xi32, #tpu.memory_space<hbm>>) dst(%dma_wait3A_102 : memref<5040xi32, #tpu.memory_space<vmem>>)
      tpu.yield
    }) : () -> ()
    %mul3A_56 = arith.constant 64 : i32
    %mul3A_57 = arith.muli %arg1, %mul3A_56 : i32
    %broadcast_in_dim3A = arith.constant 0.000000e+00 : f32
    %broadcast_in_dim3A_58 = vector.broadcast %broadcast_in_dim3A : f32 to vector<16xf32>
    %scan3A = arith.constant 0 : i32
    %scan3A_59 = arith.constant 64 : i32
    %scan3A_60 = arith.addi %scan3A, %scan3A_59 : i32
    %scan3A_61 = arith.constant 1 : i32
    scf.for %scan3A_92 = %scan3A to %scan3A_60 step %scan3A_61  : i32 {
      %swap3A = arith.index_cast %scan3A_92 : i32 to index
      %swap3A_93 = arith.constant 0 : index
      %swap3A_94 = tpu.vector_load %arg12[%swap3A, %swap3A_93] {strides = array<i32>} : memref<64x128xf32, #tpu.memory_space<vmem>>, vector<16xf32>,
      tpu.vector_store %arg12[%swap3A, %swap3A_93], %broadcast_in_dim3A_58 {strides = array<i32>} : memref<64x128xf32, #tpu.memory_space<vmem>>, vector<16xf32>,
      %swap3A_95 = arith.index_cast %scan3A_92 : i32 to index
      %swap3A_96 = arith.constant 16 : index
      %swap3A_97 = tpu.vector_load %arg12[%swap3A_95, %swap3A_96] {strides = array<i32>} : memref<64x128xf32, #tpu.memory_space<vmem>>, vector<16xf32>,
      tpu.vector_store %arg12[%swap3A_95, %swap3A_96], %broadcast_in_dim3A_58 {strides = array<i32>} : memref<64x128xf32, #tpu.memory_space<vmem>>, vector<16xf32>,
      %swap3A_98 = arith.index_cast %scan3A_92 : i32 to index
      %swap3A_99 = arith.constant 32 : index
      %swap3A_100 = tpu.vector_load %arg12[%swap3A_98, %swap3A_99] {strides = array<i32>} : memref<64x128xf32, #tpu.memory_space<vmem>>, vector<16xf32>,
      tpu.vector_store %arg12[%swap3A_98, %swap3A_99], %broadcast_in_dim3A_58 {strides = array<i32>} : memref<64x128xf32, #tpu.memory_space<vmem>>, vector<16xf32>,
      %swap3A_101 = arith.index_cast %scan3A_92 : i32 to index
      %swap3A_102 = arith.constant 48 : index
      %swap3A_103 = tpu.vector_load %arg12[%swap3A_101, %swap3A_102] {strides = array<i32>} : memref<64x128xf32, #tpu.memory_space<vmem>>, vector<16xf32>,
      tpu.vector_store %arg12[%swap3A_101, %swap3A_102], %broadcast_in_dim3A_58 {strides = array<i32>} : memref<64x128xf32, #tpu.memory_space<vmem>>, vector<16xf32>,
      %swap3A_104 = arith.index_cast %scan3A_92 : i32 to index
      %swap3A_105 = arith.constant 64 : index
      %swap3A_106 = tpu.vector_load %arg12[%swap3A_104, %swap3A_105] {strides = array<i32>} : memref<64x128xf32, #tpu.memory_space<vmem>>, vector<16xf32>,
      tpu.vector_store %arg12[%swap3A_104, %swap3A_105], %broadcast_in_dim3A_58 {strides = array<i32>} : memref<64x128xf32, #tpu.memory_space<vmem>>, vector<16xf32>,
      %swap3A_107 = arith.index_cast %scan3A_92 : i32 to index
      %swap3A_108 = arith.constant 80 : index
      %swap3A_109 = tpu.vector_load %arg12[%swap3A_107, %swap3A_108] {strides = array<i32>} : memref<64x128xf32, #tpu.memory_space<vmem>>, vector<16xf32>,
      tpu.vector_store %arg12[%swap3A_107, %swap3A_108], %broadcast_in_dim3A_58 {strides = array<i32>} : memref<64x128xf32, #tpu.memory_space<vmem>>, vector<16xf32>,
      %swap3A_110 = arith.index_cast %scan3A_92 : i32 to index
      %swap3A_111 = arith.constant 96 : index
      %swap3A_112 = tpu.vector_load %arg12[%swap3A_110, %swap3A_111] {strides = array<i32>} : memref<64x128xf32, #tpu.memory_space<vmem>>, vector<16xf32>,
      tpu.vector_store %arg12[%swap3A_110, %swap3A_111], %broadcast_in_dim3A_58 {strides = array<i32>} : memref<64x128xf32, #tpu.memory_space<vmem>>, vector<16xf32>,
      %swap3A_113 = arith.index_cast %scan3A_92 : i32 to index
      %swap3A_114 = arith.constant 112 : index
      %swap3A_115 = tpu.vector_load %arg12[%swap3A_113, %swap3A_114] {strides = array<i32>} : memref<64x128xf32, #tpu.memory_space<vmem>>, vector<16xf32>,
      tpu.vector_store %arg12[%swap3A_113, %swap3A_114], %broadcast_in_dim3A_58 {strides = array<i32>} : memref<64x128xf32, #tpu.memory_space<vmem>>, vector<16xf32>,
    }
    %scan3A_62 = arith.constant 64 : i32
    "tpu.region"() ({
      %run_scoped3A = tpu.sem_alloc : memref<!tpu.dma_semaphore, #tpu.memory_space<semaphore_mem>>
      %dma_start3A_92 = arith.constant 0 : i32
      %dma_start3A_93 = tpu.memref_slice %arg14[%mul3A_57, %dma_start3A_92] : memref<1024x128xf32, #tpu.memory_space<vmem_shared>> -> memref<64x128xf32, #tpu.memory_space<vmem_shared>>
      %dma_start3A_94 = arith.constant 0 : i32
      %dma_start3A_95 = tpu.memref_slice %arg14[%mul3A_57, %dma_start3A_94] : memref<1024x128xf32, #tpu.memory_space<vmem_shared>> -> memref<64x128xf32, #tpu.memory_space<vmem_shared>>
      tpu.enqueue_dma source(%arg12 : memref<64x128xf32, #tpu.memory_space<vmem>>) target(%dma_start3A_95 : memref<64x128xf32, #tpu.memory_space<vmem_shared>>) target_semaphore(%run_scoped3A : memref<!tpu.dma_semaphore, #tpu.memory_space<semaphore_mem>>)
      %dma_wait3A_96 = arith.constant 0 : i32
      %dma_wait3A_97 = tpu.memref_slice %arg14[%mul3A_57, %dma_wait3A_96] : memref<1024x128xf32, #tpu.memory_space<vmem_shared>> -> memref<64x128xf32, #tpu.memory_space<vmem_shared>>
      %dma_wait3A_98 = arith.constant 0 : i32
      %dma_wait3A_99 = tpu.memref_slice %arg14[%mul3A_57, %dma_wait3A_98] : memref<1024x128xf32, #tpu.memory_space<vmem_shared>> -> memref<64x128xf32, #tpu.memory_space<vmem_shared>>
      tpu.wait_dma2 semaphore(%run_scoped3A : memref<!tpu.dma_semaphore, #tpu.memory_space<semaphore_mem>>) src(%arg12 : memref<64x128xf32, #tpu.memory_space<vmem>>) dst(%dma_wait3A_99 : memref<64x128xf32, #tpu.memory_space<vmem_shared>>)
      tpu.yield
    }) : () -> ()
    %barrier3A = arith.constant 0 : index
    tpu.barrier barrier_id(%barrier3A)
    %scan3A_63 = arith.constant 0 : i32
    %scan3A_64 = arith.constant 90 : i32
    %scan3A_65 = arith.addi %scan3A_63, %scan3A_64 : i32
    %scan3A_66 = arith.constant 1 : i32
    scf.for %scan3A_92 = %scan3A_63 to %scan3A_65 step %scan3A_66  : i32 {
      %rem3A = arith.constant 3 : i32
      %rem3A_93 = arith.remsi %scan3A_92, %rem3A : i32
      %mul3A_94 = arith.constant 112 : i32
      %mul3A_95 = arith.muli %scan3A_92, %mul3A_94 : i32
      %add3A_96 = arith.constant 0 : i32
      %add3A_97 = arith.addi %mul3A_95, %add3A_96 : i32
      %get3A = arith.index_cast %add3A_97 : i32 to index
      %get3A_98 = tpu.vector_load %arg9[%get3A] {strides = array<i32>} : memref<10080xi32, #tpu.memory_space<vmem>>, vector<16xi32>,
      %gather3A = tpu.vector_load_idx %arg8[%get3A_98] : memref<10000xi32, #tpu.memory_space<vmem>>[vector<16xi32>], vector<16xi32>,
      %add3A_99 = vector.broadcast %mul3A_57 : i32 to vector<16xi32>
      %add3A_100 = arith.addi %gather3A, %add3A_99 : vector<16xi32>
      %swap3A = arith.index_cast %scan3A_92 : i32 to index
      %swap3A_101 = arith.constant 0 : index
      %swap3A_102 = tpu.vector_load %arg10[%swap3A, %swap3A_101] {strides = array<i32>} : memref<90x112xi32, #tpu.memory_space<vmem>>, vector<16xi32>,
      tpu.vector_store %arg10[%swap3A, %swap3A_101], %add3A_100 {strides = array<i32>} : memref<90x112xi32, #tpu.memory_space<vmem>>, vector<16xi32>,
      %mul3A_103 = arith.constant 112 : i32
      %mul3A_104 = arith.muli %scan3A_92, %mul3A_103 : i32
      %add3A_105 = arith.constant 16 : i32
      %add3A_106 = arith.addi %mul3A_104, %add3A_105 : i32
      %get3A_107 = arith.index_cast %add3A_106 : i32 to index
      %get3A_108 = tpu.vector_load %arg9[%get3A_107] {strides = array<i32>} : memref<10080xi32, #tpu.memory_space<vmem>>, vector<16xi32>,
      %gather3A_109 = tpu.vector_load_idx %arg8[%get3A_108] : memref<10000xi32, #tpu.memory_space<vmem>>[vector<16xi32>], vector<16xi32>,
      %add3A_110 = vector.broadcast %mul3A_57 : i32 to vector<16xi32>
      %add3A_111 = arith.addi %gather3A_109, %add3A_110 : vector<16xi32>
      %swap3A_112 = arith.index_cast %scan3A_92 : i32 to index
      %swap3A_113 = arith.constant 16 : index
      %swap3A_114 = tpu.vector_load %arg10[%swap3A_112, %swap3A_113] {strides = array<i32>} : memref<90x112xi32, #tpu.memory_space<vmem>>, vector<16xi32>,
      tpu.vector_store %arg10[%swap3A_112, %swap3A_113], %add3A_111 {strides = array<i32>} : memref<90x112xi32, #tpu.memory_space<vmem>>, vector<16xi32>,
      %mul3A_115 = arith.constant 112 : i32
      %mul3A_116 = arith.muli %scan3A_92, %mul3A_115 : i32
      %add3A_117 = arith.constant 32 : i32
      %add3A_118 = arith.addi %mul3A_116, %add3A_117 : i32
      %get3A_119 = arith.index_cast %add3A_118 : i32 to index
      %get3A_120 = tpu.vector_load %arg9[%get3A_119] {strides = array<i32>} : memref<10080xi32, #tpu.memory_space<vmem>>, vector<16xi32>,
      %gather3A_121 = tpu.vector_load_idx %arg8[%get3A_120] : memref<10000xi32, #tpu.memory_space<vmem>>[vector<16xi32>], vector<16xi32>,
      %add3A_122 = vector.broadcast %mul3A_57 : i32 to vector<16xi32>
      %add3A_123 = arith.addi %gather3A_121, %add3A_122 : vector<16xi32>
      %swap3A_124 = arith.index_cast %scan3A_92 : i32 to index
      %swap3A_125 = arith.constant 32 : index
      %swap3A_126 = tpu.vector_load %arg10[%swap3A_124, %swap3A_125] {strides = array<i32>} : memref<90x112xi32, #tpu.memory_space<vmem>>, vector<16xi32>,
      tpu.vector_store %arg10[%swap3A_124, %swap3A_125], %add3A_123 {strides = array<i32>} : memref<90x112xi32, #tpu.memory_space<vmem>>, vector<16xi32>,
      %mul3A_127 = arith.constant 112 : i32
      %mul3A_128 = arith.muli %scan3A_92, %mul3A_127 : i32
      %add3A_129 = arith.constant 48 : i32
      %add3A_130 = arith.addi %mul3A_128, %add3A_129 : i32
      %get3A_131 = arith.index_cast %add3A_130 : i32 to index
      %get3A_132 = tpu.vector_load %arg9[%get3A_131] {strides = array<i32>} : memref<10080xi32, #tpu.memory_space<vmem>>, vector<16xi32>,
      %gather3A_133 = tpu.vector_load_idx %arg8[%get3A_132] : memref<10000xi32, #tpu.memory_space<vmem>>[vector<16xi32>], vector<16xi32>,
      %add3A_134 = vector.broadcast %mul3A_57 : i32 to vector<16xi32>
      %add3A_135 = arith.addi %gather3A_133, %add3A_134 : vector<16xi32>
      %swap3A_136 = arith.index_cast %scan3A_92 : i32 to index
      %swap3A_137 = arith.constant 48 : index
      %swap3A_138 = tpu.vector_load %arg10[%swap3A_136, %swap3A_137] {strides = array<i32>} : memref<90x112xi32, #tpu.memory_space<vmem>>, vector<16xi32>,
      tpu.vector_store %arg10[%swap3A_136, %swap3A_137], %add3A_135 {strides = array<i32>} : memref<90x112xi32, #tpu.memory_space<vmem>>, vector<16xi32>,
      %mul3A_139 = arith.constant 112 : i32
      %mul3A_140 = arith.muli %scan3A_92, %mul3A_139 : i32
      %add3A_141 = arith.constant 64 : i32
      %add3A_142 = arith.addi %mul3A_140, %add3A_141 : i32
      %get3A_143 = arith.index_cast %add3A_142 : i32 to index
      %get3A_144 = tpu.vector_load %arg9[%get3A_143] {strides = array<i32>} : memref<10080xi32, #tpu.memory_space<vmem>>, vector<16xi32>,
      %gather3A_145 = tpu.vector_load_idx %arg8[%get3A_144] : memref<10000xi32, #tpu.memory_space<vmem>>[vector<16xi32>], vector<16xi32>,
      %add3A_146 = vector.broadcast %mul3A_57 : i32 to vector<16xi32>
      %add3A_147 = arith.addi %gather3A_145, %add3A_146 : vector<16xi32>
      %swap3A_148 = arith.index_cast %scan3A_92 : i32 to index
      %swap3A_149 = arith.constant 64 : index
      %swap3A_150 = tpu.vector_load %arg10[%swap3A_148, %swap3A_149] {strides = array<i32>} : memref<90x112xi32, #tpu.memory_space<vmem>>, vector<16xi32>,
      tpu.vector_store %arg10[%swap3A_148, %swap3A_149], %add3A_147 {strides = array<i32>} : memref<90x112xi32, #tpu.memory_space<vmem>>, vector<16xi32>,
      %mul3A_151 = arith.constant 112 : i32
      %mul3A_152 = arith.muli %scan3A_92, %mul3A_151 : i32
      %add3A_153 = arith.constant 80 : i32
      %add3A_154 = arith.addi %mul3A_152, %add3A_153 : i32
      %get3A_155 = arith.index_cast %add3A_154 : i32 to index
      %get3A_156 = tpu.vector_load %arg9[%get3A_155] {strides = array<i32>} : memref<10080xi32, #tpu.memory_space<vmem>>, vector<16xi32>,
      %gather3A_157 = tpu.vector_load_idx %arg8[%get3A_156] : memref<10000xi32, #tpu.memory_space<vmem>>[vector<16xi32>], vector<16xi32>,
      %add3A_158 = vector.broadcast %mul3A_57 : i32 to vector<16xi32>
      %add3A_159 = arith.addi %gather3A_157, %add3A_158 : vector<16xi32>
      %swap3A_160 = arith.index_cast %scan3A_92 : i32 to index
      %swap3A_161 = arith.constant 80 : index
      %swap3A_162 = tpu.vector_load %arg10[%swap3A_160, %swap3A_161] {strides = array<i32>} : memref<90x112xi32, #tpu.memory_space<vmem>>, vector<16xi32>,
      tpu.vector_store %arg10[%swap3A_160, %swap3A_161], %add3A_159 {strides = array<i32>} : memref<90x112xi32, #tpu.memory_space<vmem>>, vector<16xi32>,
      %mul3A_163 = arith.constant 112 : i32
      %mul3A_164 = arith.muli %scan3A_92, %mul3A_163 : i32
      %add3A_165 = arith.constant 96 : i32
      %add3A_166 = arith.addi %mul3A_164, %add3A_165 : i32
      %get3A_167 = arith.index_cast %add3A_166 : i32 to index
      %get3A_168 = tpu.vector_load %arg9[%get3A_167] {strides = array<i32>} : memref<10080xi32, #tpu.memory_space<vmem>>, vector<16xi32>,
      %gather3A_169 = tpu.vector_load_idx %arg8[%get3A_168] : memref<10000xi32, #tpu.memory_space<vmem>>[vector<16xi32>], vector<16xi32>,
      %add3A_170 = vector.broadcast %mul3A_57 : i32 to vector<16xi32>
      %add3A_171 = arith.addi %gather3A_169, %add3A_170 : vector<16xi32>
      %swap3A_172 = arith.index_cast %scan3A_92 : i32 to index
      %swap3A_173 = arith.constant 96 : index
      %swap3A_174 = tpu.vector_load %arg10[%swap3A_172, %swap3A_173] {strides = array<i32>} : memref<90x112xi32, #tpu.memory_space<vmem>>, vector<16xi32>,
      tpu.vector_store %arg10[%swap3A_172, %swap3A_173], %add3A_171 {strides = array<i32>} : memref<90x112xi32, #tpu.memory_space<vmem>>, vector<16xi32>,
      %gt3A = arith.constant 0 : i32
      %gt3A_175 = arith.cmpi sgt, %scan3A_92, %gt3A : i32
      %convert_element_type3A = arith.extui %gt3A_175 : i1 to i32
      %cond3A = arith.constant 0 : i32
      %cond3A_176 = arith.cmpi ne, %convert_element_type3A, %cond3A : i32
      scf.if %cond3A_176 {
        %dma_wait3A_203 = arith.constant 0 : i32
        %dma_wait3A_204 = arith.constant 0 : i32
        %dma_wait3A_205 = arith.constant 0 : i32
        %dma_wait3A_206 = arith.constant 0 : i32
        %dma_wait3A_207 = tpu.memref_slice %arg11[%dma_wait3A_203, %dma_wait3A_205, %dma_wait3A_206] : memref<3x112x128xf32, #tpu.memory_space<vmem>> -> memref<1x112x128xf32, #tpu.memory_space<vmem>>
        %dma_wait3A_208 = tpu.memref_squeeze %dma_wait3A_207 : memref<1x112x128xf32, #tpu.memory_space<vmem>> -> memref<112x128xf32, #tpu.memory_space<vmem>>
        %dma_wait3A_209 = arith.constant 0 : i32
        %dma_wait3A_210 = tpu.memref_slice %arg10[%dma_wait3A_204, %dma_wait3A_209] : memref<90x112xi32, #tpu.memory_space<vmem>> -> memref<1x112xi32, #tpu.memory_space<vmem>>
        %dma_wait3A_211 = tpu.memref_squeeze %dma_wait3A_210 : memref<1x112xi32, #tpu.memory_space<vmem>> -> memref<112xi32, #tpu.memory_space<vmem>>
        %dma_wait3A_212 = arith.constant 0 : i32
        %dma_wait3A_213 = arith.constant 0 : i32
        %dma_wait3A_214 = tpu.memref_slice %arg14[%dma_wait3A_212, %dma_wait3A_213] : memref<1024x128xf32, #tpu.memory_space<vmem_shared>> -> memref<1024x128xf32, #tpu.memory_space<vmem_shared>>
        tpu.wait_indirect_dma semaphore(%arg16 : memref<!tpu.dma_semaphore, #tpu.memory_space<semaphore_mem>>) src(%dma_wait3A_208 : memref<112x128xf32, #tpu.memory_space<vmem>>) dst(%dma_wait3A_214 : memref<1024x128xf32, #tpu.memory_space<vmem_shared>>)
        %sub3A = arith.constant 1 : i32
        %sub3A_215 = arith.subi %scan3A_92, %sub3A : i32
        %add3A_216 = arith.constant 3 : i32
        %add3A_217 = arith.addi %sub3A_215, %add3A_216 : i32
        %lt3A = arith.constant 90 : i32
        %lt3A_218 = arith.cmpi slt, %add3A_217, %lt3A : i32
        %convert_element_type3A_219 = arith.extui %lt3A_218 : i1 to i32
        %cond3A_220 = arith.constant 0 : i32
        %cond3A_221 = arith.cmpi ne, %convert_element_type3A_219, %cond3A_220 : i32
        scf.if %cond3A_221 {
          %sub3A_222 = arith.constant 1 : i32
          %sub3A_223 = arith.subi %scan3A_92, %sub3A_222 : i32
          %add3A_224 = arith.constant 3 : i32
          %add3A_225 = arith.addi %sub3A_223, %add3A_224 : i32
          %sub3A_226 = arith.constant 1 : i32
          %sub3A_227 = arith.subi %scan3A_92, %sub3A_226 : i32
          %rem3A_228 = arith.constant 3 : i32
          %rem3A_229 = arith.remsi %sub3A_227, %rem3A_228 : i32
          %lt3A_230 = arith.constant 45 : i32
          %lt3A_231 = arith.cmpi slt, %add3A_225, %lt3A_230 : i32
          %convert_element_type3A_232 = arith.extui %lt3A_231 : i1 to i32
          %cond3A_233 = arith.constant 0 : i32
          %cond3A_234 = arith.cmpi ne, %convert_element_type3A_232, %cond3A_233 : i32
          scf.if %cond3A_234 {
            %mul3A_239 = arith.constant 112 : i32
            %mul3A_240 = arith.muli %add3A_225, %mul3A_239 : i32
            %add3A_241 = arith.addi %multiple_of3A, %mul3A_240 : i32
            %dma_start3A_242 = arith.constant 0 : i32
            %dma_start3A_243 = arith.constant 0 : i32
            %dma_start3A_244 = tpu.memref_slice %arg11[%rem3A_229, %dma_start3A_242, %dma_start3A_243] : memref<3x112x128xf32, #tpu.memory_space<vmem>> -> memref<1x112x128xf32, #tpu.memory_space<vmem>>
            %dma_start3A_245 = tpu.memref_squeeze %dma_start3A_244 : memref<1x112x128xf32, #tpu.memory_space<vmem>> -> memref<112x128xf32, #tpu.memory_space<vmem>>
            %dma_start3A_246 = arith.constant 0 : i32
            %dma_start3A_247 = tpu.memref_slice %arg2[%add3A_241, %dma_start3A_246] : memref<320000x128xf32, #tpu.memory_space<hbm>> -> memref<112x128xf32, #tpu.memory_space<hbm>>
            %dma_start3A_248 = tpu.memref_slice %arg15[%rem3A_229] : memref<3x!tpu.dma_semaphore, #tpu.memory_space<semaphore_mem>> -> memref<1x!tpu.dma_semaphore, #tpu.memory_space<semaphore_mem>>
            %dma_start3A_249 = tpu.memref_squeeze %dma_start3A_248 : memref<1x!tpu.dma_semaphore, #tpu.memory_space<semaphore_mem>> -> memref<!tpu.dma_semaphore, #tpu.memory_space<semaphore_mem>>
            %dma_start3A_250 = arith.constant 0 : i32
            %dma_start3A_251 = arith.constant 0 : i32
            %dma_start3A_252 = tpu.memref_slice %arg11[%rem3A_229, %dma_start3A_250, %dma_start3A_251] : memref<3x112x128xf32, #tpu.memory_space<vmem>> -> memref<1x112x128xf32, #tpu.memory_space<vmem>>
            %dma_start3A_253 = tpu.memref_squeeze %dma_start3A_252 : memref<1x112x128xf32, #tpu.memory_space<vmem>> -> memref<112x128xf32, #tpu.memory_space<vmem>>
            %dma_start3A_254 = arith.constant 0 : i32
            %dma_start3A_255 = tpu.memref_slice %arg2[%add3A_241, %dma_start3A_254] : memref<320000x128xf32, #tpu.memory_space<hbm>> -> memref<112x128xf32, #tpu.memory_space<hbm>>
            tpu.enqueue_dma source(%dma_start3A_255 : memref<112x128xf32, #tpu.memory_space<hbm>>) target(%dma_start3A_253 : memref<112x128xf32, #tpu.memory_space<vmem>>) target_semaphore(%dma_start3A_249 : memref<!tpu.dma_semaphore, #tpu.memory_space<semaphore_mem>>)
          } else {
          }
          %ge3A = arith.constant 45 : i32
          %ge3A_235 = arith.cmpi sge, %add3A_225, %ge3A : i32
          %convert_element_type3A_236 = arith.extui %ge3A_235 : i1 to i32
          %cond3A_237 = arith.constant 0 : i32
          %cond3A_238 = arith.cmpi ne, %convert_element_type3A_236, %cond3A_237 : i32
          scf.if %cond3A_238 {
            %sub3A_239 = arith.constant 45 : i32
            %sub3A_240 = arith.subi %add3A_225, %sub3A_239 : i32
            %mul3A_241 = arith.constant 112 : i32
            %mul3A_242 = arith.muli %sub3A_240, %mul3A_241 : i32
            %add3A_243 = arith.addi %multiple_of3A, %mul3A_242 : i32
            %dma_start3A_244 = arith.constant 0 : i32
            %dma_start3A_245 = arith.constant 0 : i32
            %dma_start3A_246 = tpu.memref_slice %arg11[%rem3A_229, %dma_start3A_244, %dma_start3A_245] : memref<3x112x128xf32, #tpu.memory_space<vmem>> -> memref<1x112x128xf32, #tpu.memory_space<vmem>>
            %dma_start3A_247 = tpu.memref_squeeze %dma_start3A_246 : memref<1x112x128xf32, #tpu.memory_space<vmem>> -> memref<112x128xf32, #tpu.memory_space<vmem>>
            %dma_start3A_248 = arith.constant 0 : i32
            %dma_start3A_249 = tpu.memref_slice %arg3[%add3A_243, %dma_start3A_248] : memref<320000x128xf32, #tpu.memory_space<hbm>> -> memref<112x128xf32, #tpu.memory_space<hbm>>
            %dma_start3A_250 = tpu.memref_slice %arg15[%rem3A_229] : memref<3x!tpu.dma_semaphore, #tpu.memory_space<semaphore_mem>> -> memref<1x!tpu.dma_semaphore, #tpu.memory_space<semaphore_mem>>
            %dma_start3A_251 = tpu.memref_squeeze %dma_start3A_250 : memref<1x!tpu.dma_semaphore, #tpu.memory_space<semaphore_mem>> -> memref<!tpu.dma_semaphore, #tpu.memory_space<semaphore_mem>>
            %dma_start3A_252 = arith.constant 0 : i32
            %dma_start3A_253 = arith.constant 0 : i32
            %dma_start3A_254 = tpu.memref_slice %arg11[%rem3A_229, %dma_start3A_252, %dma_start3A_253] : memref<3x112x128xf32, #tpu.memory_space<vmem>> -> memref<1x112x128xf32, #tpu.memory_space<vmem>>
            %dma_start3A_255 = tpu.memref_squeeze %dma_start3A_254 : memref<1x112x128xf32, #tpu.memory_space<vmem>> -> memref<112x128xf32, #tpu.memory_space<vmem>>
            %dma_start3A_256 = arith.constant 0 : i32
            %dma_start3A_257 = tpu.memref_slice %arg3[%add3A_243, %dma_start3A_256] : memref<320000x128xf32, #tpu.memory_space<hbm>> -> memref<112x128xf32, #tpu.memory_space<hbm>>
            tpu.enqueue_dma source(%dma_start3A_257 : memref<112x128xf32, #tpu.memory_space<hbm>>) target(%dma_start3A_255 : memref<112x128xf32, #tpu.memory_space<vmem>>) target_semaphore(%dma_start3A_251 : memref<!tpu.dma_semaphore, #tpu.memory_space<semaphore_mem>>)
          } else {
          }
        } else {
        }
      } else {
      }
      %dma_wait3A_177 = arith.constant 0 : i32
      %dma_wait3A_178 = arith.constant 0 : i32
      %dma_wait3A_179 = tpu.memref_slice %arg11[%rem3A_93, %dma_wait3A_177, %dma_wait3A_178] : memref<3x112x128xf32, #tpu.memory_space<vmem>> -> memref<1x112x128xf32, #tpu.memory_space<vmem>>
      %dma_wait3A_180 = tpu.memref_squeeze %dma_wait3A_179 : memref<1x112x128xf32, #tpu.memory_space<vmem>> -> memref<112x128xf32, #tpu.memory_space<vmem>>
      %dma_wait3A_181 = arith.constant 0 : i32
      %dma_wait3A_182 = arith.constant 0 : i32
      %dma_wait3A_183 = tpu.memref_slice %arg2[%dma_wait3A_181, %dma_wait3A_182] : memref<320000x128xf32, #tpu.memory_space<hbm>> -> memref<112x128xf32, #tpu.memory_space<hbm>>
      %dma_wait3A_184 = tpu.memref_slice %arg15[%rem3A_93] : memref<3x!tpu.dma_semaphore, #tpu.memory_space<semaphore_mem>> -> memref<1x!tpu.dma_semaphore, #tpu.memory_space<semaphore_mem>>
      %dma_wait3A_185 = tpu.memref_squeeze %dma_wait3A_184 : memref<1x!tpu.dma_semaphore, #tpu.memory_space<semaphore_mem>> -> memref<!tpu.dma_semaphore, #tpu.memory_space<semaphore_mem>>
      %dma_wait3A_186 = arith.constant 0 : i32
      %dma_wait3A_187 = arith.constant 0 : i32
      %dma_wait3A_188 = tpu.memref_slice %arg11[%rem3A_93, %dma_wait3A_186, %dma_wait3A_187] : memref<3x112x128xf32, #tpu.memory_space<vmem>> -> memref<1x112x128xf32, #tpu.memory_space<vmem>>
      %dma_wait3A_189 = tpu.memref_squeeze %dma_wait3A_188 : memref<1x112x128xf32, #tpu.memory_space<vmem>> -> memref<112x128xf32, #tpu.memory_space<vmem>>
      %dma_wait3A_190 = arith.constant 0 : i32
      %dma_wait3A_191 = arith.constant 0 : i32
      %dma_wait3A_192 = tpu.memref_slice %arg2[%dma_wait3A_190, %dma_wait3A_191] : memref<320000x128xf32, #tpu.memory_space<hbm>> -> memref<112x128xf32, #tpu.memory_space<hbm>>
      tpu.wait_dma2 semaphore(%dma_wait3A_185 : memref<!tpu.dma_semaphore, #tpu.memory_space<semaphore_mem>>) src(%dma_wait3A_192 : memref<112x128xf32, #tpu.memory_space<hbm>>) dst(%dma_wait3A_189 : memref<112x128xf32, #tpu.memory_space<vmem>>)
      %dma_start3A_193 = arith.constant 0 : i32
      %dma_start3A_194 = arith.constant 0 : i32
      %dma_start3A_195 = tpu.memref_slice %arg11[%rem3A_93, %dma_start3A_193, %dma_start3A_194] : memref<3x112x128xf32, #tpu.memory_space<vmem>> -> memref<1x112x128xf32, #tpu.memory_space<vmem>>
      %dma_start3A_196 = tpu.memref_squeeze %dma_start3A_195 : memref<1x112x128xf32, #tpu.memory_space<vmem>> -> memref<112x128xf32, #tpu.memory_space<vmem>>
      %dma_start3A_197 = arith.constant 0 : i32
      %dma_start3A_198 = tpu.memref_slice %arg10[%scan3A_92, %dma_start3A_197] : memref<90x112xi32, #tpu.memory_space<vmem>> -> memref<1x112xi32, #tpu.memory_space<vmem>>
      %dma_start3A_199 = tpu.memref_squeeze %dma_start3A_198 : memref<1x112xi32, #tpu.memory_space<vmem>> -> memref<112xi32, #tpu.memory_space<vmem>>
      %dma_start3A_200 = arith.constant 0 : i32
      %dma_start3A_201 = arith.constant 0 : i32
      %dma_start3A_202 = tpu.memref_slice %arg14[%dma_start3A_200, %dma_start3A_201] : memref<1024x128xf32, #tpu.memory_space<vmem_shared>> -> memref<1024x128xf32, #tpu.memory_space<vmem_shared>>
      tpu.enqueue_indirect_dma source(%dma_start3A_196 : memref<112x128xf32, #tpu.memory_space<vmem>>) target(%dma_start3A_202 : memref<1024x128xf32, #tpu.memory_space<vmem_shared>>) offsets(%dma_start3A_199 : memref<112xi32, #tpu.memory_space<vmem>>) semaphore(%arg16 : memref<!tpu.dma_semaphore, #tpu.memory_space<semaphore_mem>>) {add = true}
    }
    %scan3A_67 = arith.constant 90 : i32
    %dma_wait3A = arith.constant 0 : i32
    %dma_wait3A_68 = arith.constant 0 : i32
    %dma_wait3A_69 = arith.constant 0 : i32
    %dma_wait3A_70 = arith.constant 0 : i32
    %dma_wait3A_71 = tpu.memref_slice %arg11[%dma_wait3A, %dma_wait3A_69, %dma_wait3A_70] : memref<3x112x128xf32, #tpu.memory_space<vmem>> -> memref<1x112x128xf32, #tpu.memory_space<vmem>>
    %dma_wait3A_72 = tpu.memref_squeeze %dma_wait3A_71 : memref<1x112x128xf32, #tpu.memory_space<vmem>> -> memref<112x128xf32, #tpu.memory_space<vmem>>
    %dma_wait3A_73 = arith.constant 0 : i32
    %dma_wait3A_74 = tpu.memref_slice %arg10[%dma_wait3A_68, %dma_wait3A_73] : memref<90x112xi32, #tpu.memory_space<vmem>> -> memref<1x112xi32, #tpu.memory_space<vmem>>
    %dma_wait3A_75 = tpu.memref_squeeze %dma_wait3A_74 : memref<1x112xi32, #tpu.memory_space<vmem>> -> memref<112xi32, #tpu.memory_space<vmem>>
    %dma_wait3A_76 = arith.constant 0 : i32
    %dma_wait3A_77 = arith.constant 0 : i32
    %dma_wait3A_78 = tpu.memref_slice %arg14[%dma_wait3A_76, %dma_wait3A_77] : memref<1024x128xf32, #tpu.memory_space<vmem_shared>> -> memref<1024x128xf32, #tpu.memory_space<vmem_shared>>
    tpu.wait_indirect_dma semaphore(%arg16 : memref<!tpu.dma_semaphore, #tpu.memory_space<semaphore_mem>>) src(%dma_wait3A_72 : memref<112x128xf32, #tpu.memory_space<vmem>>) dst(%dma_wait3A_78 : memref<1024x128xf32, #tpu.memory_space<vmem_shared>>)
    %barrier3A_79 = arith.constant 0 : index
    tpu.barrier barrier_id(%barrier3A_79)
    %scan3A_80 = arith.constant 0 : i32
    %scan3A_81 = arith.constant 16 : i32
    %scan3A_82 = arith.addi %scan3A_80, %scan3A_81 : i32
    %scan3A_83 = arith.constant 1 : i32
    scf.for %scan3A_92 = %scan3A_80 to %scan3A_82 step %scan3A_83  : i32 {
      %mul3A_93 = arith.constant 64 : i32
      %mul3A_94 = arith.muli %scan3A_92, %mul3A_93 : i32
      %mul3A_95 = arith.constant 4 : i32
      %mul3A_96 = arith.muli %arg1, %mul3A_95 : i32
      %add3A_97 = arith.addi %mul3A_94, %mul3A_96 : i32
      "tpu.region"() ({
        %run_scoped3A = tpu.sem_alloc : memref<!tpu.dma_semaphore, #tpu.memory_space<semaphore_mem>>
        %dma_start3A_98 = arith.constant 0 : i32
        %dma_start3A_99 = arith.constant 0 : i32
        %dma_start3A_100 = tpu.memref_slice %arg13[%scan3A_92, %dma_start3A_98, %dma_start3A_99] : memref<16x4x128xf32, #tpu.memory_space<vmem>> -> memref<1x4x128xf32, #tpu.memory_space<vmem>>
        %dma_start3A_101 = tpu.memref_squeeze %dma_start3A_100 : memref<1x4x128xf32, #tpu.memory_space<vmem>> -> memref<4x128xf32, #tpu.memory_space<vmem>>
        %dma_start3A_102 = arith.constant 0 : i32
        %dma_start3A_103 = tpu.memref_slice %arg14[%add3A_97, %dma_start3A_102] : memref<1024x128xf32, #tpu.memory_space<vmem_shared>> -> memref<4x128xf32, #tpu.memory_space<vmem_shared>>
        %dma_start3A_104 = arith.constant 0 : i32
        %dma_start3A_105 = arith.constant 0 : i32
        %dma_start3A_106 = tpu.memref_slice %arg13[%scan3A_92, %dma_start3A_104, %dma_start3A_105] : memref<16x4x128xf32, #tpu.memory_space<vmem>> -> memref<1x4x128xf32, #tpu.memory_space<vmem>>
        %dma_start3A_107 = tpu.memref_squeeze %dma_start3A_106 : memref<1x4x128xf32, #tpu.memory_space<vmem>> -> memref<4x128xf32, #tpu.memory_space<vmem>>
        %dma_start3A_108 = arith.constant 0 : i32
        %dma_start3A_109 = tpu.memref_slice %arg14[%add3A_97, %dma_start3A_108] : memref<1024x128xf32, #tpu.memory_space<vmem_shared>> -> memref<4x128xf32, #tpu.memory_space<vmem_shared>>
        tpu.enqueue_dma source(%dma_start3A_109 : memref<4x128xf32, #tpu.memory_space<vmem_shared>>) target(%dma_start3A_107 : memref<4x128xf32, #tpu.memory_space<vmem>>) target_semaphore(%run_scoped3A : memref<!tpu.dma_semaphore, #tpu.memory_space<semaphore_mem>>)
        %dma_wait3A_110 = arith.constant 0 : i32
        %dma_wait3A_111 = arith.constant 0 : i32
        %dma_wait3A_112 = tpu.memref_slice %arg13[%scan3A_92, %dma_wait3A_110, %dma_wait3A_111] : memref<16x4x128xf32, #tpu.memory_space<vmem>> -> memref<1x4x128xf32, #tpu.memory_space<vmem>>
        %dma_wait3A_113 = tpu.memref_squeeze %dma_wait3A_112 : memref<1x4x128xf32, #tpu.memory_space<vmem>> -> memref<4x128xf32, #tpu.memory_space<vmem>>
        %dma_wait3A_114 = arith.constant 0 : i32
        %dma_wait3A_115 = tpu.memref_slice %arg14[%add3A_97, %dma_wait3A_114] : memref<1024x128xf32, #tpu.memory_space<vmem_shared>> -> memref<4x128xf32, #tpu.memory_space<vmem_shared>>
        %dma_wait3A_116 = arith.constant 0 : i32
        %dma_wait3A_117 = arith.constant 0 : i32
        %dma_wait3A_118 = tpu.memref_slice %arg13[%scan3A_92, %dma_wait3A_116, %dma_wait3A_117] : memref<16x4x128xf32, #tpu.memory_space<vmem>> -> memref<1x4x128xf32, #tpu.memory_space<vmem>>
        %dma_wait3A_119 = tpu.memref_squeeze %dma_wait3A_118 : memref<1x4x128xf32, #tpu.memory_space<vmem>> -> memref<4x128xf32, #tpu.memory_space<vmem>>
        %dma_wait3A_120 = arith.constant 0 : i32
        %dma_wait3A_121 = tpu.memref_slice %arg14[%add3A_97, %dma_wait3A_120] : memref<1024x128xf32, #tpu.memory_space<vmem_shared>> -> memref<4x128xf32, #tpu.memory_space<vmem_shared>>
        tpu.wait_dma2 semaphore(%run_scoped3A : memref<!tpu.dma_semaphore, #tpu.memory_space<semaphore_mem>>) src(%dma_wait3A_121 : memref<4x128xf32, #tpu.memory_space<vmem_shared>>) dst(%dma_wait3A_119 : memref<4x128xf32, #tpu.memory_space<vmem>>)
        tpu.yield
      }) : () -> ()
    }
    %scan3A_84 = arith.constant 16 : i32
    %scan3A_85 = arith.constant 0 : i32
    %scan3A_86 = arith.constant 4 : i32
    %scan3A_87 = arith.addi %scan3A_85, %scan3A_86 : i32
    %scan3A_88 = arith.constant 1 : i32
    scf.for %scan3A_92 = %scan3A_85 to %scan3A_87 step %scan3A_88  : i32 {
      %get3A = arith.constant 0 : i32
      %get3A_93 = arith.index_cast %get3A : i32 to index
      %get3A_94 = arith.index_cast %scan3A_92 : i32 to index
      %get3A_95 = arith.constant 0 : index
      %get3A_96 = tpu.vector_load %arg13[%get3A_93, %get3A_94, %get3A_95] {strides = array<i32>} : memref<16x4x128xf32, #tpu.memory_space<vmem>>, vector<16xf32>,
      %get3A_97 = arith.constant 1 : i32
      %get3A_98 = arith.index_cast %get3A_97 : i32 to index
      %get3A_99 = arith.index_cast %scan3A_92 : i32 to index
      %get3A_100 = arith.constant 0 : index
      %get3A_101 = tpu.vector_load %arg13[%get3A_98, %get3A_99, %get3A_100] {strides = array<i32>} : memref<16x4x128xf32, #tpu.memory_space<vmem>>, vector<16xf32>,
      %add3A_102 = arith.addf %get3A_96, %get3A_101 : vector<16xf32>
      %get3A_103 = arith.constant 2 : i32
      %get3A_104 = arith.index_cast %get3A_103 : i32 to index
      %get3A_105 = arith.index_cast %scan3A_92 : i32 to index
      %get3A_106 = arith.constant 0 : index
      %get3A_107 = tpu.vector_load %arg13[%get3A_104, %get3A_105, %get3A_106] {strides = array<i32>} : memref<16x4x128xf32, #tpu.memory_space<vmem>>, vector<16xf32>,
      %add3A_108 = arith.addf %add3A_102, %get3A_107 : vector<16xf32>
      %get3A_109 = arith.constant 3 : i32
      %get3A_110 = arith.index_cast %get3A_109 : i32 to index
      %get3A_111 = arith.index_cast %scan3A_92 : i32 to index
      %get3A_112 = arith.constant 0 : index
      %get3A_113 = tpu.vector_load %arg13[%get3A_110, %get3A_111, %get3A_112] {strides = array<i32>} : memref<16x4x128xf32, #tpu.memory_space<vmem>>, vector<16xf32>,
      %add3A_114 = arith.addf %add3A_108, %get3A_113 : vector<16xf32>
      %get3A_115 = arith.constant 4 : i32
      %get3A_116 = arith.index_cast %get3A_115 : i32 to index
      %get3A_117 = arith.index_cast %scan3A_92 : i32 to index
      %get3A_118 = arith.constant 0 : index
      %get3A_119 = tpu.vector_load %arg13[%get3A_116, %get3A_117, %get3A_118] {strides = array<i32>} : memref<16x4x128xf32, #tpu.memory_space<vmem>>, vector<16xf32>,
      %add3A_120 = arith.addf %add3A_114, %get3A_119 : vector<16xf32>
      %get3A_121 = arith.constant 5 : i32
      %get3A_122 = arith.index_cast %get3A_121 : i32 to index
      %get3A_123 = arith.index_cast %scan3A_92 : i32 to index
      %get3A_124 = arith.constant 0 : index
      %get3A_125 = tpu.vector_load %arg13[%get3A_122, %get3A_123, %get3A_124] {strides = array<i32>} : memref<16x4x128xf32, #tpu.memory_space<vmem>>, vector<16xf32>,
      %add3A_126 = arith.addf %add3A_120, %get3A_125 : vector<16xf32>
      %get3A_127 = arith.constant 6 : i32
      %get3A_128 = arith.index_cast %get3A_127 : i32 to index
      %get3A_129 = arith.index_cast %scan3A_92 : i32 to index
      %get3A_130 = arith.constant 0 : index
      %get3A_131 = tpu.vector_load %arg13[%get3A_128, %get3A_129, %get3A_130] {strides = array<i32>} : memref<16x4x128xf32, #tpu.memory_space<vmem>>, vector<16xf32>,
      %add3A_132 = arith.addf %add3A_126, %get3A_131 : vector<16xf32>
      %get3A_133 = arith.constant 7 : i32
      %get3A_134 = arith.index_cast %get3A_133 : i32 to index
      %get3A_135 = arith.index_cast %scan3A_92 : i32 to index
      %get3A_136 = arith.constant 0 : index
      %get3A_137 = tpu.vector_load %arg13[%get3A_134, %get3A_135, %get3A_136] {strides = array<i32>} : memref<16x4x128xf32, #tpu.memory_space<vmem>>, vector<16xf32>,
      %add3A_138 = arith.addf %add3A_132, %get3A_137 : vector<16xf32>
      %get3A_139 = arith.constant 8 : i32
      %get3A_140 = arith.index_cast %get3A_139 : i32 to index
      %get3A_141 = arith.index_cast %scan3A_92 : i32 to index
      %get3A_142 = arith.constant 0 : index
      %get3A_143 = tpu.vector_load %arg13[%get3A_140, %get3A_141, %get3A_142] {strides = array<i32>} : memref<16x4x128xf32, #tpu.memory_space<vmem>>, vector<16xf32>,
      %add3A_144 = arith.addf %add3A_138, %get3A_143 : vector<16xf32>
      %get3A_145 = arith.constant 9 : i32
      %get3A_146 = arith.index_cast %get3A_145 : i32 to index
      %get3A_147 = arith.index_cast %scan3A_92 : i32 to index
      %get3A_148 = arith.constant 0 : index
      %get3A_149 = tpu.vector_load %arg13[%get3A_146, %get3A_147, %get3A_148] {strides = array<i32>} : memref<16x4x128xf32, #tpu.memory_space<vmem>>, vector<16xf32>,
      %add3A_150 = arith.addf %add3A_144, %get3A_149 : vector<16xf32>
      %get3A_151 = arith.constant 10 : i32
      %get3A_152 = arith.index_cast %get3A_151 : i32 to index
      %get3A_153 = arith.index_cast %scan3A_92 : i32 to index
      %get3A_154 = arith.constant 0 : index
      %get3A_155 = tpu.vector_load %arg13[%get3A_152, %get3A_153, %get3A_154] {strides = array<i32>} : memref<16x4x128xf32, #tpu.memory_space<vmem>>, vector<16xf32>,
      %add3A_156 = arith.addf %add3A_150, %get3A_155 : vector<16xf32>
      %get3A_157 = arith.constant 11 : i32
      %get3A_158 = arith.index_cast %get3A_157 : i32 to index
      %get3A_159 = arith.index_cast %scan3A_92 : i32 to index
      %get3A_160 = arith.constant 0 : index
      %get3A_161 = tpu.vector_load %arg13[%get3A_158, %get3A_159, %get3A_160] {strides = array<i32>} : memref<16x4x128xf32, #tpu.memory_space<vmem>>, vector<16xf32>,
      %add3A_162 = arith.addf %add3A_156, %get3A_161 : vector<16xf32>
      %get3A_163 = arith.constant 12 : i32
      %get3A_164 = arith.index_cast %get3A_163 : i32 to index
      %get3A_165 = arith.index_cast %scan3A_92 : i32 to index
      %get3A_166 = arith.constant 0 : index
      %get3A_167 = tpu.vector_load %arg13[%get3A_164, %get3A_165, %get3A_166] {strides = array<i32>} : memref<16x4x128xf32, #tpu.memory_space<vmem>>, vector<16xf32>,
      %add3A_168 = arith.addf %add3A_162, %get3A_167 : vector<16xf32>
      %get3A_169 = arith.constant 13 : i32
      %get3A_170 = arith.index_cast %get3A_169 : i32 to index
      %get3A_171 = arith.index_cast %scan3A_92 : i32 to index
      %get3A_172 = arith.constant 0 : index
      %get3A_173 = tpu.vector_load %arg13[%get3A_170, %get3A_171, %get3A_172] {strides = array<i32>} : memref<16x4x128xf32, #tpu.memory_space<vmem>>, vector<16xf32>,
      %add3A_174 = arith.addf %add3A_168, %get3A_173 : vector<16xf32>
      %get3A_175 = arith.constant 14 : i32
      %get3A_176 = arith.index_cast %get3A_175 : i32 to index
      %get3A_177 = arith.index_cast %scan3A_92 : i32 to index
      %get3A_178 = arith.constant 0 : index
      %get3A_179 = tpu.vector_load %arg13[%get3A_176, %get3A_177, %get3A_178] {strides = array<i32>} : memref<16x4x128xf32, #tpu.memory_space<vmem>>, vector<16xf32>,
      %add3A_180 = arith.addf %add3A_174, %get3A_179 : vector<16xf32>
      %get3A_181 = arith.constant 15 : i32
      %get3A_182 = arith.index_cast %get3A_181 : i32 to index
      %get3A_183 = arith.index_cast %scan3A_92 : i32 to index
      %get3A_184 = arith.constant 0 : index
      %get3A_185 = tpu.vector_load %arg13[%get3A_182, %get3A_183, %get3A_184] {strides = array<i32>} : memref<16x4x128xf32, #tpu.memory_space<vmem>>, vector<16xf32>,
      %add3A_186 = arith.addf %add3A_180, %get3A_185 : vector<16xf32>
      %swap3A = arith.index_cast %scan3A_92 : i32 to index
      %swap3A_187 = arith.constant 0 : index
      %swap3A_188 = tpu.vector_load %arg12[%swap3A, %swap3A_187] {strides = array<i32>} : memref<64x128xf32, #tpu.memory_space<vmem>>, vector<16xf32>,
      tpu.vector_store %arg12[%swap3A, %swap3A_187], %add3A_186 {strides = array<i32>} : memref<64x128xf32, #tpu.memory_space<vmem>>, vector<16xf32>,
      %get3A_189 = arith.constant 0 : i32
      %get3A_190 = arith.index_cast %get3A_189 : i32 to index
      %get3A_191 = arith.index_cast %scan3A_92 : i32 to index
      %get3A_192 = arith.constant 16 : index
      %get3A_193 = tpu.vector_load %arg13[%get3A_190, %get3A_191, %get3A_192] {strides = array<i32>} : memref<16x4x128xf32, #tpu.memory_space<vmem>>, vector<16xf32>,
      %get3A_194 = arith.constant 1 : i32
      %get3A_195 = arith.index_cast %get3A_194 : i32 to index
      %get3A_196 = arith.index_cast %scan3A_92 : i32 to index
      %get3A_197 = arith.constant 16 : index
      %get3A_198 = tpu.vector_load %arg13[%get3A_195, %get3A_196, %get3A_197] {strides = array<i32>} : memref<16x4x128xf32, #tpu.memory_space<vmem>>, vector<16xf32>,
      %add3A_199 = arith.addf %get3A_193, %get3A_198 : vector<16xf32>
      %get3A_200 = arith.constant 2 : i32
      %get3A_201 = arith.index_cast %get3A_200 : i32 to index
      %get3A_202 = arith.index_cast %scan3A_92 : i32 to index
      %get3A_203 = arith.constant 16 : index
      %get3A_204 = tpu.vector_load %arg13[%get3A_201, %get3A_202, %get3A_203] {strides = array<i32>} : memref<16x4x128xf32, #tpu.memory_space<vmem>>, vector<16xf32>,
      %add3A_205 = arith.addf %add3A_199, %get3A_204 : vector<16xf32>
      %get3A_206 = arith.constant 3 : i32
      %get3A_207 = arith.index_cast %get3A_206 : i32 to index
      %get3A_208 = arith.index_cast %scan3A_92 : i32 to index
      %get3A_209 = arith.constant 16 : index
      %get3A_210 = tpu.vector_load %arg13[%get3A_207, %get3A_208, %get3A_209] {strides = array<i32>} : memref<16x4x128xf32, #tpu.memory_space<vmem>>, vector<16xf32>,
      %add3A_211 = arith.addf %add3A_205, %get3A_210 : vector<16xf32>
      %get3A_212 = arith.constant 4 : i32
      %get3A_213 = arith.index_cast %get3A_212 : i32 to index
      %get3A_214 = arith.index_cast %scan3A_92 : i32 to index
      %get3A_215 = arith.constant 16 : index
      %get3A_216 = tpu.vector_load %arg13[%get3A_213, %get3A_214, %get3A_215] {strides = array<i32>} : memref<16x4x128xf32, #tpu.memory_space<vmem>>, vector<16xf32>,
      %add3A_217 = arith.addf %add3A_211, %get3A_216 : vector<16xf32>
      %get3A_218 = arith.constant 5 : i32
      %get3A_219 = arith.index_cast %get3A_218 : i32 to index
      %get3A_220 = arith.index_cast %scan3A_92 : i32 to index
      %get3A_221 = arith.constant 16 : index
      %get3A_222 = tpu.vector_load %arg13[%get3A_219, %get3A_220, %get3A_221] {strides = array<i32>} : memref<16x4x128xf32, #tpu.memory_space<vmem>>, vector<16xf32>,
      %add3A_223 = arith.addf %add3A_217, %get3A_222 : vector<16xf32>
      %get3A_224 = arith.constant 6 : i32
      %get3A_225 = arith.index_cast %get3A_224 : i32 to index
      %get3A_226 = arith.index_cast %scan3A_92 : i32 to index
      %get3A_227 = arith.constant 16 : index
      %get3A_228 = tpu.vector_load %arg13[%get3A_225, %get3A_226, %get3A_227] {strides = array<i32>} : memref<16x4x128xf32, #tpu.memory_space<vmem>>, vector<16xf32>,
      %add3A_229 = arith.addf %add3A_223, %get3A_228 : vector<16xf32>
      %get3A_230 = arith.constant 7 : i32
      %get3A_231 = arith.index_cast %get3A_230 : i32 to index
      %get3A_232 = arith.index_cast %scan3A_92 : i32 to index
      %get3A_233 = arith.constant 16 : index
      %get3A_234 = tpu.vector_load %arg13[%get3A_231, %get3A_232, %get3A_233] {strides = array<i32>} : memref<16x4x128xf32, #tpu.memory_space<vmem>>, vector<16xf32>,
      %add3A_235 = arith.addf %add3A_229, %get3A_234 : vector<16xf32>
      %get3A_236 = arith.constant 8 : i32
      %get3A_237 = arith.index_cast %get3A_236 : i32 to index
      %get3A_238 = arith.index_cast %scan3A_92 : i32 to index
      %get3A_239 = arith.constant 16 : index
      %get3A_240 = tpu.vector_load %arg13[%get3A_237, %get3A_238, %get3A_239] {strides = array<i32>} : memref<16x4x128xf32, #tpu.memory_space<vmem>>, vector<16xf32>,
      %add3A_241 = arith.addf %add3A_235, %get3A_240 : vector<16xf32>
      %get3A_242 = arith.constant 9 : i32
      %get3A_243 = arith.index_cast %get3A_242 : i32 to index
      %get3A_244 = arith.index_cast %scan3A_92 : i32 to index
      %get3A_245 = arith.constant 16 : index
      %get3A_246 = tpu.vector_load %arg13[%get3A_243, %get3A_244, %get3A_245] {strides = array<i32>} : memref<16x4x128xf32, #tpu.memory_space<vmem>>, vector<16xf32>,
      %add3A_247 = arith.addf %add3A_241, %get3A_246 : vector<16xf32>
      %get3A_248 = arith.constant 10 : i32
      %get3A_249 = arith.index_cast %get3A_248 : i32 to index
      %get3A_250 = arith.index_cast %scan3A_92 : i32 to index
      %get3A_251 = arith.constant 16 : index
      %get3A_252 = tpu.vector_load %arg13[%get3A_249, %get3A_250, %get3A_251] {strides = array<i32>} : memref<16x4x128xf32, #tpu.memory_space<vmem>>, vector<16xf32>,
      %add3A_253 = arith.addf %add3A_247, %get3A_252 : vector<16xf32>
      %get3A_254 = arith.constant 11 : i32
      %get3A_255 = arith.index_cast %get3A_254 : i32 to index
      %get3A_256 = arith.index_cast %scan3A_92 : i32 to index
      %get3A_257 = arith.constant 16 : index
      %get3A_258 = tpu.vector_load %arg13[%get3A_255, %get3A_256, %get3A_257] {strides = array<i32>} : memref<16x4x128xf32, #tpu.memory_space<vmem>>, vector<16xf32>,
      %add3A_259 = arith.addf %add3A_253, %get3A_258 : vector<16xf32>
      %get3A_260 = arith.constant 12 : i32
      %get3A_261 = arith.index_cast %get3A_260 : i32 to index
      %get3A_262 = arith.index_cast %scan3A_92 : i32 to index
      %get3A_263 = arith.constant 16 : index
      %get3A_264 = tpu.vector_load %arg13[%get3A_261, %get3A_262, %get3A_263] {strides = array<i32>} : memref<16x4x128xf32, #tpu.memory_space<vmem>>, vector<16xf32>,
      %add3A_265 = arith.addf %add3A_259, %get3A_264 : vector<16xf32>
      %get3A_266 = arith.constant 13 : i32
      %get3A_267 = arith.index_cast %get3A_266 : i32 to index
      %get3A_268 = arith.index_cast %scan3A_92 : i32 to index
      %get3A_269 = arith.constant 16 : index
      %get3A_270 = tpu.vector_load %arg13[%get3A_267, %get3A_268, %get3A_269] {strides = array<i32>} : memref<16x4x128xf32, #tpu.memory_space<vmem>>, vector<16xf32>,
      %add3A_271 = arith.addf %add3A_265, %get3A_270 : vector<16xf32>
      %get3A_272 = arith.constant 14 : i32
      %get3A_273 = arith.index_cast %get3A_272 : i32 to index
      %get3A_274 = arith.index_cast %scan3A_92 : i32 to index
      %get3A_275 = arith.constant 16 : index
      %get3A_276 = tpu.vector_load %arg13[%get3A_273, %get3A_274, %get3A_275] {strides = array<i32>} : memref<16x4x128xf32, #tpu.memory_space<vmem>>, vector<16xf32>,
      %add3A_277 = arith.addf %add3A_271, %get3A_276 : vector<16xf32>
      %get3A_278 = arith.constant 15 : i32
      %get3A_279 = arith.index_cast %get3A_278 : i32 to index
      %get3A_280 = arith.index_cast %scan3A_92 : i32 to index
      %get3A_281 = arith.constant 16 : index
      %get3A_282 = tpu.vector_load %arg13[%get3A_279, %get3A_280, %get3A_281] {strides = array<i32>} : memref<16x4x128xf32, #tpu.memory_space<vmem>>, vector<16xf32>,
      %add3A_283 = arith.addf %add3A_277, %get3A_282 : vector<16xf32>
      %swap3A_284 = arith.index_cast %scan3A_92 : i32 to index
      %swap3A_285 = arith.constant 16 : index
      %swap3A_286 = tpu.vector_load %arg12[%swap3A_284, %swap3A_285] {strides = array<i32>} : memref<64x128xf32, #tpu.memory_space<vmem>>, vector<16xf32>,
      tpu.vector_store %arg12[%swap3A_284, %swap3A_285], %add3A_283 {strides = array<i32>} : memref<64x128xf32, #tpu.memory_space<vmem>>, vector<16xf32>,
      %get3A_287 = arith.constant 0 : i32
      %get3A_288 = arith.index_cast %get3A_287 : i32 to index
      %get3A_289 = arith.index_cast %scan3A_92 : i32 to index
      %get3A_290 = arith.constant 32 : index
      %get3A_291 = tpu.vector_load %arg13[%get3A_288, %get3A_289, %get3A_290] {strides = array<i32>} : memref<16x4x128xf32, #tpu.memory_space<vmem>>, vector<16xf32>,
      %get3A_292 = arith.constant 1 : i32
      %get3A_293 = arith.index_cast %get3A_292 : i32 to index
      %get3A_294 = arith.index_cast %scan3A_92 : i32 to index
      %get3A_295 = arith.constant 32 : index
      %get3A_296 = tpu.vector_load %arg13[%get3A_293, %get3A_294, %get3A_295] {strides = array<i32>} : memref<16x4x128xf32, #tpu.memory_space<vmem>>, vector<16xf32>,
      %add3A_297 = arith.addf %get3A_291, %get3A_296 : vector<16xf32>
      %get3A_298 = arith.constant 2 : i32
      %get3A_299 = arith.index_cast %get3A_298 : i32 to index
      %get3A_300 = arith.index_cast %scan3A_92 : i32 to index
      %get3A_301 = arith.constant 32 : index
      %get3A_302 = tpu.vector_load %arg13[%get3A_299, %get3A_300, %get3A_301] {strides = array<i32>} : memref<16x4x128xf32, #tpu.memory_space<vmem>>, vector<16xf32>,
      %add3A_303 = arith.addf %add3A_297, %get3A_302 : vector<16xf32>
      %get3A_304 = arith.constant 3 : i32
      %get3A_305 = arith.index_cast %get3A_304 : i32 to index
      %get3A_306 = arith.index_cast %scan3A_92 : i32 to index
      %get3A_307 = arith.constant 32 : index
      %get3A_308 = tpu.vector_load %arg13[%get3A_305, %get3A_306, %get3A_307] {strides = array<i32>} : memref<16x4x128xf32, #tpu.memory_space<vmem>>, vector<16xf32>,
      %add3A_309 = arith.addf %add3A_303, %get3A_308 : vector<16xf32>
      %get3A_310 = arith.constant 4 : i32
      %get3A_311 = arith.index_cast %get3A_310 : i32 to index
      %get3A_312 = arith.index_cast %scan3A_92 : i32 to index
      %get3A_313 = arith.constant 32 : index
      %get3A_314 = tpu.vector_load %arg13[%get3A_311, %get3A_312, %get3A_313] {strides = array<i32>} : memref<16x4x128xf32, #tpu.memory_space<vmem>>, vector<16xf32>,
      %add3A_315 = arith.addf %add3A_309, %get3A_314 : vector<16xf32>
      %get3A_316 = arith.constant 5 : i32
      %get3A_317 = arith.index_cast %get3A_316 : i32 to index
      %get3A_318 = arith.index_cast %scan3A_92 : i32 to index
      %get3A_319 = arith.constant 32 : index
      %get3A_320 = tpu.vector_load %arg13[%get3A_317, %get3A_318, %get3A_319] {strides = array<i32>} : memref<16x4x128xf32, #tpu.memory_space<vmem>>, vector<16xf32>,
      %add3A_321 = arith.addf %add3A_315, %get3A_320 : vector<16xf32>
      %get3A_322 = arith.constant 6 : i32
      %get3A_323 = arith.index_cast %get3A_322 : i32 to index
      %get3A_324 = arith.index_cast %scan3A_92 : i32 to index
      %get3A_325 = arith.constant 32 : index
      %get3A_326 = tpu.vector_load %arg13[%get3A_323, %get3A_324, %get3A_325] {strides = array<i32>} : memref<16x4x128xf32, #tpu.memory_space<vmem>>, vector<16xf32>,
      %add3A_327 = arith.addf %add3A_321, %get3A_326 : vector<16xf32>
      %get3A_328 = arith.constant 7 : i32
      %get3A_329 = arith.index_cast %get3A_328 : i32 to index
      %get3A_330 = arith.index_cast %scan3A_92 : i32 to index
      %get3A_331 = arith.constant 32 : index
      %get3A_332 = tpu.vector_load %arg13[%get3A_329, %get3A_330, %get3A_331] {strides = array<i32>} : memref<16x4x128xf32, #tpu.memory_space<vmem>>, vector<16xf32>,
      %add3A_333 = arith.addf %add3A_327, %get3A_332 : vector<16xf32>
      %get3A_334 = arith.constant 8 : i32
      %get3A_335 = arith.index_cast %get3A_334 : i32 to index
      %get3A_336 = arith.index_cast %scan3A_92 : i32 to index
      %get3A_337 = arith.constant 32 : index
      %get3A_338 = tpu.vector_load %arg13[%get3A_335, %get3A_336, %get3A_337] {strides = array<i32>} : memref<16x4x128xf32, #tpu.memory_space<vmem>>, vector<16xf32>,
      %add3A_339 = arith.addf %add3A_333, %get3A_338 : vector<16xf32>
      %get3A_340 = arith.constant 9 : i32
      %get3A_341 = arith.index_cast %get3A_340 : i32 to index
      %get3A_342 = arith.index_cast %scan3A_92 : i32 to index
      %get3A_343 = arith.constant 32 : index
      %get3A_344 = tpu.vector_load %arg13[%get3A_341, %get3A_342, %get3A_343] {strides = array<i32>} : memref<16x4x128xf32, #tpu.memory_space<vmem>>, vector<16xf32>,
      %add3A_345 = arith.addf %add3A_339, %get3A_344 : vector<16xf32>
      %get3A_346 = arith.constant 10 : i32
      %get3A_347 = arith.index_cast %get3A_346 : i32 to index
      %get3A_348 = arith.index_cast %scan3A_92 : i32 to index
      %get3A_349 = arith.constant 32 : index
      %get3A_350 = tpu.vector_load %arg13[%get3A_347, %get3A_348, %get3A_349] {strides = array<i32>} : memref<16x4x128xf32, #tpu.memory_space<vmem>>, vector<16xf32>,
      %add3A_351 = arith.addf %add3A_345, %get3A_350 : vector<16xf32>
      %get3A_352 = arith.constant 11 : i32
      %get3A_353 = arith.index_cast %get3A_352 : i32 to index
      %get3A_354 = arith.index_cast %scan3A_92 : i32 to index
      %get3A_355 = arith.constant 32 : index
      %get3A_356 = tpu.vector_load %arg13[%get3A_353, %get3A_354, %get3A_355] {strides = array<i32>} : memref<16x4x128xf32, #tpu.memory_space<vmem>>, vector<16xf32>,
      %add3A_357 = arith.addf %add3A_351, %get3A_356 : vector<16xf32>
      %get3A_358 = arith.constant 12 : i32
      %get3A_359 = arith.index_cast %get3A_358 : i32 to index
      %get3A_360 = arith.index_cast %scan3A_92 : i32 to index
      %get3A_361 = arith.constant 32 : index
      %get3A_362 = tpu.vector_load %arg13[%get3A_359, %get3A_360, %get3A_361] {strides = array<i32>} : memref<16x4x128xf32, #tpu.memory_space<vmem>>, vector<16xf32>,
      %add3A_363 = arith.addf %add3A_357, %get3A_362 : vector<16xf32>
      %get3A_364 = arith.constant 13 : i32
      %get3A_365 = arith.index_cast %get3A_364 : i32 to index
      %get3A_366 = arith.index_cast %scan3A_92 : i32 to index
      %get3A_367 = arith.constant 32 : index
      %get3A_368 = tpu.vector_load %arg13[%get3A_365, %get3A_366, %get3A_367] {strides = array<i32>} : memref<16x4x128xf32, #tpu.memory_space<vmem>>, vector<16xf32>,
      %add3A_369 = arith.addf %add3A_363, %get3A_368 : vector<16xf32>
      %get3A_370 = arith.constant 14 : i32
      %get3A_371 = arith.index_cast %get3A_370 : i32 to index
      %get3A_372 = arith.index_cast %scan3A_92 : i32 to index
      %get3A_373 = arith.constant 32 : index
      %get3A_374 = tpu.vector_load %arg13[%get3A_371, %get3A_372, %get3A_373] {strides = array<i32>} : memref<16x4x128xf32, #tpu.memory_space<vmem>>, vector<16xf32>,
      %add3A_375 = arith.addf %add3A_369, %get3A_374 : vector<16xf32>
      %get3A_376 = arith.constant 15 : i32
      %get3A_377 = arith.index_cast %get3A_376 : i32 to index
      %get3A_378 = arith.index_cast %scan3A_92 : i32 to index
      %get3A_379 = arith.constant 32 : index
      %get3A_380 = tpu.vector_load %arg13[%get3A_377, %get3A_378, %get3A_379] {strides = array<i32>} : memref<16x4x128xf32, #tpu.memory_space<vmem>>, vector<16xf32>,
      %add3A_381 = arith.addf %add3A_375, %get3A_380 : vector<16xf32>
      %swap3A_382 = arith.index_cast %scan3A_92 : i32 to index
      %swap3A_383 = arith.constant 32 : index
      %swap3A_384 = tpu.vector_load %arg12[%swap3A_382, %swap3A_383] {strides = array<i32>} : memref<64x128xf32, #tpu.memory_space<vmem>>, vector<16xf32>,
      tpu.vector_store %arg12[%swap3A_382, %swap3A_383], %add3A_381 {strides = array<i32>} : memref<64x128xf32, #tpu.memory_space<vmem>>, vector<16xf32>,
      %get3A_385 = arith.constant 0 : i32
      %get3A_386 = arith.index_cast %get3A_385 : i32 to index
      %get3A_387 = arith.index_cast %scan3A_92 : i32 to index
      %get3A_388 = arith.constant 48 : index
      %get3A_389 = tpu.vector_load %arg13[%get3A_386, %get3A_387, %get3A_388] {strides = array<i32>} : memref<16x4x128xf32, #tpu.memory_space<vmem>>, vector<16xf32>,
      %get3A_390 = arith.constant 1 : i32
      %get3A_391 = arith.index_cast %get3A_390 : i32 to index
      %get3A_392 = arith.index_cast %scan3A_92 : i32 to index
      %get3A_393 = arith.constant 48 : index
      %get3A_394 = tpu.vector_load %arg13[%get3A_391, %get3A_392, %get3A_393] {strides = array<i32>} : memref<16x4x128xf32, #tpu.memory_space<vmem>>, vector<16xf32>,
      %add3A_395 = arith.addf %get3A_389, %get3A_394 : vector<16xf32>
      %get3A_396 = arith.constant 2 : i32
      %get3A_397 = arith.index_cast %get3A_396 : i32 to index
      %get3A_398 = arith.index_cast %scan3A_92 : i32 to index
      %get3A_399 = arith.constant 48 : index
      %get3A_400 = tpu.vector_load %arg13[%get3A_397, %get3A_398, %get3A_399] {strides = array<i32>} : memref<16x4x128xf32, #tpu.memory_space<vmem>>, vector<16xf32>,
      %add3A_401 = arith.addf %add3A_395, %get3A_400 : vector<16xf32>
      %get3A_402 = arith.constant 3 : i32
      %get3A_403 = arith.index_cast %get3A_402 : i32 to index
      %get3A_404 = arith.index_cast %scan3A_92 : i32 to index
      %get3A_405 = arith.constant 48 : index
      %get3A_406 = tpu.vector_load %arg13[%get3A_403, %get3A_404, %get3A_405] {strides = array<i32>} : memref<16x4x128xf32, #tpu.memory_space<vmem>>, vector<16xf32>,
      %add3A_407 = arith.addf %add3A_401, %get3A_406 : vector<16xf32>
      %get3A_408 = arith.constant 4 : i32
      %get3A_409 = arith.index_cast %get3A_408 : i32 to index
      %get3A_410 = arith.index_cast %scan3A_92 : i32 to index
      %get3A_411 = arith.constant 48 : index
      %get3A_412 = tpu.vector_load %arg13[%get3A_409, %get3A_410, %get3A_411] {strides = array<i32>} : memref<16x4x128xf32, #tpu.memory_space<vmem>>, vector<16xf32>,
      %add3A_413 = arith.addf %add3A_407, %get3A_412 : vector<16xf32>
      %get3A_414 = arith.constant 5 : i32
      %get3A_415 = arith.index_cast %get3A_414 : i32 to index
      %get3A_416 = arith.index_cast %scan3A_92 : i32 to index
      %get3A_417 = arith.constant 48 : index
      %get3A_418 = tpu.vector_load %arg13[%get3A_415, %get3A_416, %get3A_417] {strides = array<i32>} : memref<16x4x128xf32, #tpu.memory_space<vmem>>, vector<16xf32>,
      %add3A_419 = arith.addf %add3A_413, %get3A_418 : vector<16xf32>
      %get3A_420 = arith.constant 6 : i32
      %get3A_421 = arith.index_cast %get3A_420 : i32 to index
      %get3A_422 = arith.index_cast %scan3A_92 : i32 to index
      %get3A_423 = arith.constant 48 : index
      %get3A_424 = tpu.vector_load %arg13[%get3A_421, %get3A_422, %get3A_423] {strides = array<i32>} : memref<16x4x128xf32, #tpu.memory_space<vmem>>, vector<16xf32>,
      %add3A_425 = arith.addf %add3A_419, %get3A_424 : vector<16xf32>
      %get3A_426 = arith.constant 7 : i32
      %get3A_427 = arith.index_cast %get3A_426 : i32 to index
      %get3A_428 = arith.index_cast %scan3A_92 : i32 to index
      %get3A_429 = arith.constant 48 : index
      %get3A_430 = tpu.vector_load %arg13[%get3A_427, %get3A_428, %get3A_429] {strides = array<i32>} : memref<16x4x128xf32, #tpu.memory_space<vmem>>, vector<16xf32>,
      %add3A_431 = arith.addf %add3A_425, %get3A_430 : vector<16xf32>
      %get3A_432 = arith.constant 8 : i32
      %get3A_433 = arith.index_cast %get3A_432 : i32 to index
      %get3A_434 = arith.index_cast %scan3A_92 : i32 to index
      %get3A_435 = arith.constant 48 : index
      %get3A_436 = tpu.vector_load %arg13[%get3A_433, %get3A_434, %get3A_435] {strides = array<i32>} : memref<16x4x128xf32, #tpu.memory_space<vmem>>, vector<16xf32>,
      %add3A_437 = arith.addf %add3A_431, %get3A_436 : vector<16xf32>
      %get3A_438 = arith.constant 9 : i32
      %get3A_439 = arith.index_cast %get3A_438 : i32 to index
      %get3A_440 = arith.index_cast %scan3A_92 : i32 to index
      %get3A_441 = arith.constant 48 : index
      %get3A_442 = tpu.vector_load %arg13[%get3A_439, %get3A_440, %get3A_441] {strides = array<i32>} : memref<16x4x128xf32, #tpu.memory_space<vmem>>, vector<16xf32>,
      %add3A_443 = arith.addf %add3A_437, %get3A_442 : vector<16xf32>
      %get3A_444 = arith.constant 10 : i32
      %get3A_445 = arith.index_cast %get3A_444 : i32 to index
      %get3A_446 = arith.index_cast %scan3A_92 : i32 to index
      %get3A_447 = arith.constant 48 : index
      %get3A_448 = tpu.vector_load %arg13[%get3A_445, %get3A_446, %get3A_447] {strides = array<i32>} : memref<16x4x128xf32, #tpu.memory_space<vmem>>, vector<16xf32>,
      %add3A_449 = arith.addf %add3A_443, %get3A_448 : vector<16xf32>
      %get3A_450 = arith.constant 11 : i32
      %get3A_451 = arith.index_cast %get3A_450 : i32 to index
      %get3A_452 = arith.index_cast %scan3A_92 : i32 to index
      %get3A_453 = arith.constant 48 : index
      %get3A_454 = tpu.vector_load %arg13[%get3A_451, %get3A_452, %get3A_453] {strides = array<i32>} : memref<16x4x128xf32, #tpu.memory_space<vmem>>, vector<16xf32>,
      %add3A_455 = arith.addf %add3A_449, %get3A_454 : vector<16xf32>
      %get3A_456 = arith.constant 12 : i32
      %get3A_457 = arith.index_cast %get3A_456 : i32 to index
      %get3A_458 = arith.index_cast %scan3A_92 : i32 to index
      %get3A_459 = arith.constant 48 : index
      %get3A_460 = tpu.vector_load %arg13[%get3A_457, %get3A_458, %get3A_459] {strides = array<i32>} : memref<16x4x128xf32, #tpu.memory_space<vmem>>, vector<16xf32>,
      %add3A_461 = arith.addf %add3A_455, %get3A_460 : vector<16xf32>
      %get3A_462 = arith.constant 13 : i32
      %get3A_463 = arith.index_cast %get3A_462 : i32 to index
      %get3A_464 = arith.index_cast %scan3A_92 : i32 to index
      %get3A_465 = arith.constant 48 : index
      %get3A_466 = tpu.vector_load %arg13[%get3A_463, %get3A_464, %get3A_465] {strides = array<i32>} : memref<16x4x128xf32, #tpu.memory_space<vmem>>, vector<16xf32>,
      %add3A_467 = arith.addf %add3A_461, %get3A_466 : vector<16xf32>
      %get3A_468 = arith.constant 14 : i32
      %get3A_469 = arith.index_cast %get3A_468 : i32 to index
      %get3A_470 = arith.index_cast %scan3A_92 : i32 to index
      %get3A_471 = arith.constant 48 : index
      %get3A_472 = tpu.vector_load %arg13[%get3A_469, %get3A_470, %get3A_471] {strides = array<i32>} : memref<16x4x128xf32, #tpu.memory_space<vmem>>, vector<16xf32>,
      %add3A_473 = arith.addf %add3A_467, %get3A_472 : vector<16xf32>
      %get3A_474 = arith.constant 15 : i32
      %get3A_475 = arith.index_cast %get3A_474 : i32 to index
      %get3A_476 = arith.index_cast %scan3A_92 : i32 to index
      %get3A_477 = arith.constant 48 : index
      %get3A_478 = tpu.vector_load %arg13[%get3A_475, %get3A_476, %get3A_477] {strides = array<i32>} : memref<16x4x128xf32, #tpu.memory_space<vmem>>, vector<16xf32>,
      %add3A_479 = arith.addf %add3A_473, %get3A_478 : vector<16xf32>
      %swap3A_480 = arith.index_cast %scan3A_92 : i32 to index
      %swap3A_481 = arith.constant 48 : index
      %swap3A_482 = tpu.vector_load %arg12[%swap3A_480, %swap3A_481] {strides = array<i32>} : memref<64x128xf32, #tpu.memory_space<vmem>>, vector<16xf32>,
      tpu.vector_store %arg12[%swap3A_480, %swap3A_481], %add3A_479 {strides = array<i32>} : memref<64x128xf32, #tpu.memory_space<vmem>>, vector<16xf32>,
      %get3A_483 = arith.constant 0 : i32
      %get3A_484 = arith.index_cast %get3A_483 : i32 to index
      %get3A_485 = arith.index_cast %scan3A_92 : i32 to index
      %get3A_486 = arith.constant 64 : index
      %get3A_487 = tpu.vector_load %arg13[%get3A_484, %get3A_485, %get3A_486] {strides = array<i32>} : memref<16x4x128xf32, #tpu.memory_space<vmem>>, vector<16xf32>,
      %get3A_488 = arith.constant 1 : i32
      %get3A_489 = arith.index_cast %get3A_488 : i32 to index
      %get3A_490 = arith.index_cast %scan3A_92 : i32 to index
      %get3A_491 = arith.constant 64 : index
      %get3A_492 = tpu.vector_load %arg13[%get3A_489, %get3A_490, %get3A_491] {strides = array<i32>} : memref<16x4x128xf32, #tpu.memory_space<vmem>>, vector<16xf32>,
      %add3A_493 = arith.addf %get3A_487, %get3A_492 : vector<16xf32>
      %get3A_494 = arith.constant 2 : i32
      %get3A_495 = arith.index_cast %get3A_494 : i32 to index
      %get3A_496 = arith.index_cast %scan3A_92 : i32 to index
      %get3A_497 = arith.constant 64 : index
      %get3A_498 = tpu.vector_load %arg13[%get3A_495, %get3A_496, %get3A_497] {strides = array<i32>} : memref<16x4x128xf32, #tpu.memory_space<vmem>>, vector<16xf32>,
      %add3A_499 = arith.addf %add3A_493, %get3A_498 : vector<16xf32>
      %get3A_500 = arith.constant 3 : i32
      %get3A_501 = arith.index_cast %get3A_500 : i32 to index
      %get3A_502 = arith.index_cast %scan3A_92 : i32 to index
      %get3A_503 = arith.constant 64 : index
      %get3A_504 = tpu.vector_load %arg13[%get3A_501, %get3A_502, %get3A_503] {strides = array<i32>} : memref<16x4x128xf32, #tpu.memory_space<vmem>>, vector<16xf32>,
      %add3A_505 = arith.addf %add3A_499, %get3A_504 : vector<16xf32>
      %get3A_506 = arith.constant 4 : i32
      %get3A_507 = arith.index_cast %get3A_506 : i32 to index
      %get3A_508 = arith.index_cast %scan3A_92 : i32 to index
      %get3A_509 = arith.constant 64 : index
      %get3A_510 = tpu.vector_load %arg13[%get3A_507, %get3A_508, %get3A_509] {strides = array<i32>} : memref<16x4x128xf32, #tpu.memory_space<vmem>>, vector<16xf32>,
      %add3A_511 = arith.addf %add3A_505, %get3A_510 : vector<16xf32>
      %get3A_512 = arith.constant 5 : i32
      %get3A_513 = arith.index_cast %get3A_512 : i32 to index
      %get3A_514 = arith.index_cast %scan3A_92 : i32 to index
      %get3A_515 = arith.constant 64 : index
      %get3A_516 = tpu.vector_load %arg13[%get3A_513, %get3A_514, %get3A_515] {strides = array<i32>} : memref<16x4x128xf32, #tpu.memory_space<vmem>>, vector<16xf32>,
      %add3A_517 = arith.addf %add3A_511, %get3A_516 : vector<16xf32>
      %get3A_518 = arith.constant 6 : i32
      %get3A_519 = arith.index_cast %get3A_518 : i32 to index
      %get3A_520 = arith.index_cast %scan3A_92 : i32 to index
      %get3A_521 = arith.constant 64 : index
      %get3A_522 = tpu.vector_load %arg13[%get3A_519, %get3A_520, %get3A_521] {strides = array<i32>} : memref<16x4x128xf32, #tpu.memory_space<vmem>>, vector<16xf32>,
      %add3A_523 = arith.addf %add3A_517, %get3A_522 : vector<16xf32>
      %get3A_524 = arith.constant 7 : i32
      %get3A_525 = arith.index_cast %get3A_524 : i32 to index
      %get3A_526 = arith.index_cast %scan3A_92 : i32 to index
      %get3A_527 = arith.constant 64 : index
      %get3A_528 = tpu.vector_load %arg13[%get3A_525, %get3A_526, %get3A_527] {strides = array<i32>} : memref<16x4x128xf32, #tpu.memory_space<vmem>>, vector<16xf32>,
      %add3A_529 = arith.addf %add3A_523, %get3A_528 : vector<16xf32>
      %get3A_530 = arith.constant 8 : i32
      %get3A_531 = arith.index_cast %get3A_530 : i32 to index
      %get3A_532 = arith.index_cast %scan3A_92 : i32 to index
      %get3A_533 = arith.constant 64 : index
      %get3A_534 = tpu.vector_load %arg13[%get3A_531, %get3A_532, %get3A_533] {strides = array<i32>} : memref<16x4x128xf32, #tpu.memory_space<vmem>>, vector<16xf32>,
      %add3A_535 = arith.addf %add3A_529, %get3A_534 : vector<16xf32>
      %get3A_536 = arith.constant 9 : i32
      %get3A_537 = arith.index_cast %get3A_536 : i32 to index
      %get3A_538 = arith.index_cast %scan3A_92 : i32 to index
      %get3A_539 = arith.constant 64 : index
      %get3A_540 = tpu.vector_load %arg13[%get3A_537, %get3A_538, %get3A_539] {strides = array<i32>} : memref<16x4x128xf32, #tpu.memory_space<vmem>>, vector<16xf32>,
      %add3A_541 = arith.addf %add3A_535, %get3A_540 : vector<16xf32>
      %get3A_542 = arith.constant 10 : i32
      %get3A_543 = arith.index_cast %get3A_542 : i32 to index
      %get3A_544 = arith.index_cast %scan3A_92 : i32 to index
      %get3A_545 = arith.constant 64 : index
      %get3A_546 = tpu.vector_load %arg13[%get3A_543, %get3A_544, %get3A_545] {strides = array<i32>} : memref<16x4x128xf32, #tpu.memory_space<vmem>>, vector<16xf32>,
      %add3A_547 = arith.addf %add3A_541, %get3A_546 : vector<16xf32>
      %get3A_548 = arith.constant 11 : i32
      %get3A_549 = arith.index_cast %get3A_548 : i32 to index
      %get3A_550 = arith.index_cast %scan3A_92 : i32 to index
      %get3A_551 = arith.constant 64 : index
      %get3A_552 = tpu.vector_load %arg13[%get3A_549, %get3A_550, %get3A_551] {strides = array<i32>} : memref<16x4x128xf32, #tpu.memory_space<vmem>>, vector<16xf32>,
      %add3A_553 = arith.addf %add3A_547, %get3A_552 : vector<16xf32>
      %get3A_554 = arith.constant 12 : i32
      %get3A_555 = arith.index_cast %get3A_554 : i32 to index
      %get3A_556 = arith.index_cast %scan3A_92 : i32 to index
      %get3A_557 = arith.constant 64 : index
      %get3A_558 = tpu.vector_load %arg13[%get3A_555, %get3A_556, %get3A_557] {strides = array<i32>} : memref<16x4x128xf32, #tpu.memory_space<vmem>>, vector<16xf32>,
      %add3A_559 = arith.addf %add3A_553, %get3A_558 : vector<16xf32>
      %get3A_560 = arith.constant 13 : i32
      %get3A_561 = arith.index_cast %get3A_560 : i32 to index
      %get3A_562 = arith.index_cast %scan3A_92 : i32 to index
      %get3A_563 = arith.constant 64 : index
      %get3A_564 = tpu.vector_load %arg13[%get3A_561, %get3A_562, %get3A_563] {strides = array<i32>} : memref<16x4x128xf32, #tpu.memory_space<vmem>>, vector<16xf32>,
      %add3A_565 = arith.addf %add3A_559, %get3A_564 : vector<16xf32>
      %get3A_566 = arith.constant 14 : i32
      %get3A_567 = arith.index_cast %get3A_566 : i32 to index
      %get3A_568 = arith.index_cast %scan3A_92 : i32 to index
      %get3A_569 = arith.constant 64 : index
      %get3A_570 = tpu.vector_load %arg13[%get3A_567, %get3A_568, %get3A_569] {strides = array<i32>} : memref<16x4x128xf32, #tpu.memory_space<vmem>>, vector<16xf32>,
      %add3A_571 = arith.addf %add3A_565, %get3A_570 : vector<16xf32>
      %get3A_572 = arith.constant 15 : i32
      %get3A_573 = arith.index_cast %get3A_572 : i32 to index
      %get3A_574 = arith.index_cast %scan3A_92 : i32 to index
      %get3A_575 = arith.constant 64 : index
      %get3A_576 = tpu.vector_load %arg13[%get3A_573, %get3A_574, %get3A_575] {strides = array<i32>} : memref<16x4x128xf32, #tpu.memory_space<vmem>>, vector<16xf32>,
      %add3A_577 = arith.addf %add3A_571, %get3A_576 : vector<16xf32>
      %swap3A_578 = arith.index_cast %scan3A_92 : i32 to index
      %swap3A_579 = arith.constant 64 : index
      %swap3A_580 = tpu.vector_load %arg12[%swap3A_578, %swap3A_579] {strides = array<i32>} : memref<64x128xf32, #tpu.memory_space<vmem>>, vector<16xf32>,
      tpu.vector_store %arg12[%swap3A_578, %swap3A_579], %add3A_577 {strides = array<i32>} : memref<64x128xf32, #tpu.memory_space<vmem>>, vector<16xf32>,
      %get3A_581 = arith.constant 0 : i32
      %get3A_582 = arith.index_cast %get3A_581 : i32 to index
      %get3A_583 = arith.index_cast %scan3A_92 : i32 to index
      %get3A_584 = arith.constant 80 : index
      %get3A_585 = tpu.vector_load %arg13[%get3A_582, %get3A_583, %get3A_584] {strides = array<i32>} : memref<16x4x128xf32, #tpu.memory_space<vmem>>, vector<16xf32>,
      %get3A_586 = arith.constant 1 : i32
      %get3A_587 = arith.index_cast %get3A_586 : i32 to index
      %get3A_588 = arith.index_cast %scan3A_92 : i32 to index
      %get3A_589 = arith.constant 80 : index
      %get3A_590 = tpu.vector_load %arg13[%get3A_587, %get3A_588, %get3A_589] {strides = array<i32>} : memref<16x4x128xf32, #tpu.memory_space<vmem>>, vector<16xf32>,
      %add3A_591 = arith.addf %get3A_585, %get3A_590 : vector<16xf32>
      %get3A_592 = arith.constant 2 : i32
      %get3A_593 = arith.index_cast %get3A_592 : i32 to index
      %get3A_594 = arith.index_cast %scan3A_92 : i32 to index
      %get3A_595 = arith.constant 80 : index
      %get3A_596 = tpu.vector_load %arg13[%get3A_593, %get3A_594, %get3A_595] {strides = array<i32>} : memref<16x4x128xf32, #tpu.memory_space<vmem>>, vector<16xf32>,
      %add3A_597 = arith.addf %add3A_591, %get3A_596 : vector<16xf32>
      %get3A_598 = arith.constant 3 : i32
      %get3A_599 = arith.index_cast %get3A_598 : i32 to index
      %get3A_600 = arith.index_cast %scan3A_92 : i32 to index
      %get3A_601 = arith.constant 80 : index
      %get3A_602 = tpu.vector_load %arg13[%get3A_599, %get3A_600, %get3A_601] {strides = array<i32>} : memref<16x4x128xf32, #tpu.memory_space<vmem>>, vector<16xf32>,
      %add3A_603 = arith.addf %add3A_597, %get3A_602 : vector<16xf32>
      %get3A_604 = arith.constant 4 : i32
      %get3A_605 = arith.index_cast %get3A_604 : i32 to index
      %get3A_606 = arith.index_cast %scan3A_92 : i32 to index
      %get3A_607 = arith.constant 80 : index
      %get3A_608 = tpu.vector_load %arg13[%get3A_605, %get3A_606, %get3A_607] {strides = array<i32>} : memref<16x4x128xf32, #tpu.memory_space<vmem>>, vector<16xf32>,
      %add3A_609 = arith.addf %add3A_603, %get3A_608 : vector<16xf32>
      %get3A_610 = arith.constant 5 : i32
      %get3A_611 = arith.index_cast %get3A_610 : i32 to index
      %get3A_612 = arith.index_cast %scan3A_92 : i32 to index
      %get3A_613 = arith.constant 80 : index
      %get3A_614 = tpu.vector_load %arg13[%get3A_611, %get3A_612, %get3A_613] {strides = array<i32>} : memref<16x4x128xf32, #tpu.memory_space<vmem>>, vector<16xf32>,
      %add3A_615 = arith.addf %add3A_609, %get3A_614 : vector<16xf32>
      %get3A_616 = arith.constant 6 : i32
      %get3A_617 = arith.index_cast %get3A_616 : i32 to index
      %get3A_618 = arith.index_cast %scan3A_92 : i32 to index
      %get3A_619 = arith.constant 80 : index
      %get3A_620 = tpu.vector_load %arg13[%get3A_617, %get3A_618, %get3A_619] {strides = array<i32>} : memref<16x4x128xf32, #tpu.memory_space<vmem>>, vector<16xf32>,
      %add3A_621 = arith.addf %add3A_615, %get3A_620 : vector<16xf32>
      %get3A_622 = arith.constant 7 : i32
      %get3A_623 = arith.index_cast %get3A_622 : i32 to index
      %get3A_624 = arith.index_cast %scan3A_92 : i32 to index
      %get3A_625 = arith.constant 80 : index
      %get3A_626 = tpu.vector_load %arg13[%get3A_623, %get3A_624, %get3A_625] {strides = array<i32>} : memref<16x4x128xf32, #tpu.memory_space<vmem>>, vector<16xf32>,
      %add3A_627 = arith.addf %add3A_621, %get3A_626 : vector<16xf32>
      %get3A_628 = arith.constant 8 : i32
      %get3A_629 = arith.index_cast %get3A_628 : i32 to index
      %get3A_630 = arith.index_cast %scan3A_92 : i32 to index
      %get3A_631 = arith.constant 80 : index
      %get3A_632 = tpu.vector_load %arg13[%get3A_629, %get3A_630, %get3A_631] {strides = array<i32>} : memref<16x4x128xf32, #tpu.memory_space<vmem>>, vector<16xf32>,
      %add3A_633 = arith.addf %add3A_627, %get3A_632 : vector<16xf32>
      %get3A_634 = arith.constant 9 : i32
      %get3A_635 = arith.index_cast %get3A_634 : i32 to index
      %get3A_636 = arith.index_cast %scan3A_92 : i32 to index
      %get3A_637 = arith.constant 80 : index
      %get3A_638 = tpu.vector_load %arg13[%get3A_635, %get3A_636, %get3A_637] {strides = array<i32>} : memref<16x4x128xf32, #tpu.memory_space<vmem>>, vector<16xf32>,
      %add3A_639 = arith.addf %add3A_633, %get3A_638 : vector<16xf32>
      %get3A_640 = arith.constant 10 : i32
      %get3A_641 = arith.index_cast %get3A_640 : i32 to index
      %get3A_642 = arith.index_cast %scan3A_92 : i32 to index
      %get3A_643 = arith.constant 80 : index
      %get3A_644 = tpu.vector_load %arg13[%get3A_641, %get3A_642, %get3A_643] {strides = array<i32>} : memref<16x4x128xf32, #tpu.memory_space<vmem>>, vector<16xf32>,
      %add3A_645 = arith.addf %add3A_639, %get3A_644 : vector<16xf32>
      %get3A_646 = arith.constant 11 : i32
      %get3A_647 = arith.index_cast %get3A_646 : i32 to index
      %get3A_648 = arith.index_cast %scan3A_92 : i32 to index
      %get3A_649 = arith.constant 80 : index
      %get3A_650 = tpu.vector_load %arg13[%get3A_647, %get3A_648, %get3A_649] {strides = array<i32>} : memref<16x4x128xf32, #tpu.memory_space<vmem>>, vector<16xf32>,
      %add3A_651 = arith.addf %add3A_645, %get3A_650 : vector<16xf32>
      %get3A_652 = arith.constant 12 : i32
      %get3A_653 = arith.index_cast %get3A_652 : i32 to index
      %get3A_654 = arith.index_cast %scan3A_92 : i32 to index
      %get3A_655 = arith.constant 80 : index
      %get3A_656 = tpu.vector_load %arg13[%get3A_653, %get3A_654, %get3A_655] {strides = array<i32>} : memref<16x4x128xf32, #tpu.memory_space<vmem>>, vector<16xf32>,
      %add3A_657 = arith.addf %add3A_651, %get3A_656 : vector<16xf32>
      %get3A_658 = arith.constant 13 : i32
      %get3A_659 = arith.index_cast %get3A_658 : i32 to index
      %get3A_660 = arith.index_cast %scan3A_92 : i32 to index
      %get3A_661 = arith.constant 80 : index
      %get3A_662 = tpu.vector_load %arg13[%get3A_659, %get3A_660, %get3A_661] {strides = array<i32>} : memref<16x4x128xf32, #tpu.memory_space<vmem>>, vector<16xf32>,
      %add3A_663 = arith.addf %add3A_657, %get3A_662 : vector<16xf32>
      %get3A_664 = arith.constant 14 : i32
      %get3A_665 = arith.index_cast %get3A_664 : i32 to index
      %get3A_666 = arith.index_cast %scan3A_92 : i32 to index
      %get3A_667 = arith.constant 80 : index
      %get3A_668 = tpu.vector_load %arg13[%get3A_665, %get3A_666, %get3A_667] {strides = array<i32>} : memref<16x4x128xf32, #tpu.memory_space<vmem>>, vector<16xf32>,
      %add3A_669 = arith.addf %add3A_663, %get3A_668 : vector<16xf32>
      %get3A_670 = arith.constant 15 : i32
      %get3A_671 = arith.index_cast %get3A_670 : i32 to index
      %get3A_672 = arith.index_cast %scan3A_92 : i32 to index
      %get3A_673 = arith.constant 80 : index
      %get3A_674 = tpu.vector_load %arg13[%get3A_671, %get3A_672, %get3A_673] {strides = array<i32>} : memref<16x4x128xf32, #tpu.memory_space<vmem>>, vector<16xf32>,
      %add3A_675 = arith.addf %add3A_669, %get3A_674 : vector<16xf32>
      %swap3A_676 = arith.index_cast %scan3A_92 : i32 to index
      %swap3A_677 = arith.constant 80 : index
      %swap3A_678 = tpu.vector_load %arg12[%swap3A_676, %swap3A_677] {strides = array<i32>} : memref<64x128xf32, #tpu.memory_space<vmem>>, vector<16xf32>,
      tpu.vector_store %arg12[%swap3A_676, %swap3A_677], %add3A_675 {strides = array<i32>} : memref<64x128xf32, #tpu.memory_space<vmem>>, vector<16xf32>,
      %get3A_679 = arith.constant 0 : i32
      %get3A_680 = arith.index_cast %get3A_679 : i32 to index
      %get3A_681 = arith.index_cast %scan3A_92 : i32 to index
      %get3A_682 = arith.constant 96 : index
      %get3A_683 = tpu.vector_load %arg13[%get3A_680, %get3A_681, %get3A_682] {strides = array<i32>} : memref<16x4x128xf32, #tpu.memory_space<vmem>>, vector<16xf32>,
      %get3A_684 = arith.constant 1 : i32
      %get3A_685 = arith.index_cast %get3A_684 : i32 to index
      %get3A_686 = arith.index_cast %scan3A_92 : i32 to index
      %get3A_687 = arith.constant 96 : index
      %get3A_688 = tpu.vector_load %arg13[%get3A_685, %get3A_686, %get3A_687] {strides = array<i32>} : memref<16x4x128xf32, #tpu.memory_space<vmem>>, vector<16xf32>,
      %add3A_689 = arith.addf %get3A_683, %get3A_688 : vector<16xf32>
      %get3A_690 = arith.constant 2 : i32
      %get3A_691 = arith.index_cast %get3A_690 : i32 to index
      %get3A_692 = arith.index_cast %scan3A_92 : i32 to index
      %get3A_693 = arith.constant 96 : index
      %get3A_694 = tpu.vector_load %arg13[%get3A_691, %get3A_692, %get3A_693] {strides = array<i32>} : memref<16x4x128xf32, #tpu.memory_space<vmem>>, vector<16xf32>,
      %add3A_695 = arith.addf %add3A_689, %get3A_694 : vector<16xf32>
      %get3A_696 = arith.constant 3 : i32
      %get3A_697 = arith.index_cast %get3A_696 : i32 to index
      %get3A_698 = arith.index_cast %scan3A_92 : i32 to index
      %get3A_699 = arith.constant 96 : index
      %get3A_700 = tpu.vector_load %arg13[%get3A_697, %get3A_698, %get3A_699] {strides = array<i32>} : memref<16x4x128xf32, #tpu.memory_space<vmem>>, vector<16xf32>,
      %add3A_701 = arith.addf %add3A_695, %get3A_700 : vector<16xf32>
      %get3A_702 = arith.constant 4 : i32
      %get3A_703 = arith.index_cast %get3A_702 : i32 to index
      %get3A_704 = arith.index_cast %scan3A_92 : i32 to index
      %get3A_705 = arith.constant 96 : index
      %get3A_706 = tpu.vector_load %arg13[%get3A_703, %get3A_704, %get3A_705] {strides = array<i32>} : memref<16x4x128xf32, #tpu.memory_space<vmem>>, vector<16xf32>,
      %add3A_707 = arith.addf %add3A_701, %get3A_706 : vector<16xf32>
      %get3A_708 = arith.constant 5 : i32
      %get3A_709 = arith.index_cast %get3A_708 : i32 to index
      %get3A_710 = arith.index_cast %scan3A_92 : i32 to index
      %get3A_711 = arith.constant 96 : index
      %get3A_712 = tpu.vector_load %arg13[%get3A_709, %get3A_710, %get3A_711] {strides = array<i32>} : memref<16x4x128xf32, #tpu.memory_space<vmem>>, vector<16xf32>,
      %add3A_713 = arith.addf %add3A_707, %get3A_712 : vector<16xf32>
      %get3A_714 = arith.constant 6 : i32
      %get3A_715 = arith.index_cast %get3A_714 : i32 to index
      %get3A_716 = arith.index_cast %scan3A_92 : i32 to index
      %get3A_717 = arith.constant 96 : index
      %get3A_718 = tpu.vector_load %arg13[%get3A_715, %get3A_716, %get3A_717] {strides = array<i32>} : memref<16x4x128xf32, #tpu.memory_space<vmem>>, vector<16xf32>,
      %add3A_719 = arith.addf %add3A_713, %get3A_718 : vector<16xf32>
      %get3A_720 = arith.constant 7 : i32
      %get3A_721 = arith.index_cast %get3A_720 : i32 to index
      %get3A_722 = arith.index_cast %scan3A_92 : i32 to index
      %get3A_723 = arith.constant 96 : index
      %get3A_724 = tpu.vector_load %arg13[%get3A_721, %get3A_722, %get3A_723] {strides = array<i32>} : memref<16x4x128xf32, #tpu.memory_space<vmem>>, vector<16xf32>,
      %add3A_725 = arith.addf %add3A_719, %get3A_724 : vector<16xf32>
      %get3A_726 = arith.constant 8 : i32
      %get3A_727 = arith.index_cast %get3A_726 : i32 to index
      %get3A_728 = arith.index_cast %scan3A_92 : i32 to index
      %get3A_729 = arith.constant 96 : index
      %get3A_730 = tpu.vector_load %arg13[%get3A_727, %get3A_728, %get3A_729] {strides = array<i32>} : memref<16x4x128xf32, #tpu.memory_space<vmem>>, vector<16xf32>,
      %add3A_731 = arith.addf %add3A_725, %get3A_730 : vector<16xf32>
      %get3A_732 = arith.constant 9 : i32
      %get3A_733 = arith.index_cast %get3A_732 : i32 to index
      %get3A_734 = arith.index_cast %scan3A_92 : i32 to index
      %get3A_735 = arith.constant 96 : index
      %get3A_736 = tpu.vector_load %arg13[%get3A_733, %get3A_734, %get3A_735] {strides = array<i32>} : memref<16x4x128xf32, #tpu.memory_space<vmem>>, vector<16xf32>,
      %add3A_737 = arith.addf %add3A_731, %get3A_736 : vector<16xf32>
      %get3A_738 = arith.constant 10 : i32
      %get3A_739 = arith.index_cast %get3A_738 : i32 to index
      %get3A_740 = arith.index_cast %scan3A_92 : i32 to index
      %get3A_741 = arith.constant 96 : index
      %get3A_742 = tpu.vector_load %arg13[%get3A_739, %get3A_740, %get3A_741] {strides = array<i32>} : memref<16x4x128xf32, #tpu.memory_space<vmem>>, vector<16xf32>,
      %add3A_743 = arith.addf %add3A_737, %get3A_742 : vector<16xf32>
      %get3A_744 = arith.constant 11 : i32
      %get3A_745 = arith.index_cast %get3A_744 : i32 to index
      %get3A_746 = arith.index_cast %scan3A_92 : i32 to index
      %get3A_747 = arith.constant 96 : index
      %get3A_748 = tpu.vector_load %arg13[%get3A_745, %get3A_746, %get3A_747] {strides = array<i32>} : memref<16x4x128xf32, #tpu.memory_space<vmem>>, vector<16xf32>,
      %add3A_749 = arith.addf %add3A_743, %get3A_748 : vector<16xf32>
      %get3A_750 = arith.constant 12 : i32
      %get3A_751 = arith.index_cast %get3A_750 : i32 to index
      %get3A_752 = arith.index_cast %scan3A_92 : i32 to index
      %get3A_753 = arith.constant 96 : index
      %get3A_754 = tpu.vector_load %arg13[%get3A_751, %get3A_752, %get3A_753] {strides = array<i32>} : memref<16x4x128xf32, #tpu.memory_space<vmem>>, vector<16xf32>,
      %add3A_755 = arith.addf %add3A_749, %get3A_754 : vector<16xf32>
      %get3A_756 = arith.constant 13 : i32
      %get3A_757 = arith.index_cast %get3A_756 : i32 to index
      %get3A_758 = arith.index_cast %scan3A_92 : i32 to index
      %get3A_759 = arith.constant 96 : index
      %get3A_760 = tpu.vector_load %arg13[%get3A_757, %get3A_758, %get3A_759] {strides = array<i32>} : memref<16x4x128xf32, #tpu.memory_space<vmem>>, vector<16xf32>,
      %add3A_761 = arith.addf %add3A_755, %get3A_760 : vector<16xf32>
      %get3A_762 = arith.constant 14 : i32
      %get3A_763 = arith.index_cast %get3A_762 : i32 to index
      %get3A_764 = arith.index_cast %scan3A_92 : i32 to index
      %get3A_765 = arith.constant 96 : index
      %get3A_766 = tpu.vector_load %arg13[%get3A_763, %get3A_764, %get3A_765] {strides = array<i32>} : memref<16x4x128xf32, #tpu.memory_space<vmem>>, vector<16xf32>,
      %add3A_767 = arith.addf %add3A_761, %get3A_766 : vector<16xf32>
      %get3A_768 = arith.constant 15 : i32
      %get3A_769 = arith.index_cast %get3A_768 : i32 to index
      %get3A_770 = arith.index_cast %scan3A_92 : i32 to index
      %get3A_771 = arith.constant 96 : index
      %get3A_772 = tpu.vector_load %arg13[%get3A_769, %get3A_770, %get3A_771] {strides = array<i32>} : memref<16x4x128xf32, #tpu.memory_space<vmem>>, vector<16xf32>,
      %add3A_773 = arith.addf %add3A_767, %get3A_772 : vector<16xf32>
      %swap3A_774 = arith.index_cast %scan3A_92 : i32 to index
      %swap3A_775 = arith.constant 96 : index
      %swap3A_776 = tpu.vector_load %arg12[%swap3A_774, %swap3A_775] {strides = array<i32>} : memref<64x128xf32, #tpu.memory_space<vmem>>, vector<16xf32>,
      tpu.vector_store %arg12[%swap3A_774, %swap3A_775], %add3A_773 {strides = array<i32>} : memref<64x128xf32, #tpu.memory_space<vmem>>, vector<16xf32>,
      %get3A_777 = arith.constant 0 : i32
      %get3A_778 = arith.index_cast %get3A_777 : i32 to index
      %get3A_779 = arith.index_cast %scan3A_92 : i32 to index
      %get3A_780 = arith.constant 112 : index
      %get3A_781 = tpu.vector_load %arg13[%get3A_778, %get3A_779, %get3A_780] {strides = array<i32>} : memref<16x4x128xf32, #tpu.memory_space<vmem>>, vector<16xf32>,
      %get3A_782 = arith.constant 1 : i32
      %get3A_783 = arith.index_cast %get3A_782 : i32 to index
      %get3A_784 = arith.index_cast %scan3A_92 : i32 to index
      %get3A_785 = arith.constant 112 : index
      %get3A_786 = tpu.vector_load %arg13[%get3A_783, %get3A_784, %get3A_785] {strides = array<i32>} : memref<16x4x128xf32, #tpu.memory_space<vmem>>, vector<16xf32>,
      %add3A_787 = arith.addf %get3A_781, %get3A_786 : vector<16xf32>
      %get3A_788 = arith.constant 2 : i32
      %get3A_789 = arith.index_cast %get3A_788 : i32 to index
      %get3A_790 = arith.index_cast %scan3A_92 : i32 to index
      %get3A_791 = arith.constant 112 : index
      %get3A_792 = tpu.vector_load %arg13[%get3A_789, %get3A_790, %get3A_791] {strides = array<i32>} : memref<16x4x128xf32, #tpu.memory_space<vmem>>, vector<16xf32>,
      %add3A_793 = arith.addf %add3A_787, %get3A_792 : vector<16xf32>
      %get3A_794 = arith.constant 3 : i32
      %get3A_795 = arith.index_cast %get3A_794 : i32 to index
      %get3A_796 = arith.index_cast %scan3A_92 : i32 to index
      %get3A_797 = arith.constant 112 : index
      %get3A_798 = tpu.vector_load %arg13[%get3A_795, %get3A_796, %get3A_797] {strides = array<i32>} : memref<16x4x128xf32, #tpu.memory_space<vmem>>, vector<16xf32>,
      %add3A_799 = arith.addf %add3A_793, %get3A_798 : vector<16xf32>
      %get3A_800 = arith.constant 4 : i32
      %get3A_801 = arith.index_cast %get3A_800 : i32 to index
      %get3A_802 = arith.index_cast %scan3A_92 : i32 to index
      %get3A_803 = arith.constant 112 : index
      %get3A_804 = tpu.vector_load %arg13[%get3A_801, %get3A_802, %get3A_803] {strides = array<i32>} : memref<16x4x128xf32, #tpu.memory_space<vmem>>, vector<16xf32>,
      %add3A_805 = arith.addf %add3A_799, %get3A_804 : vector<16xf32>
      %get3A_806 = arith.constant 5 : i32
      %get3A_807 = arith.index_cast %get3A_806 : i32 to index
      %get3A_808 = arith.index_cast %scan3A_92 : i32 to index
      %get3A_809 = arith.constant 112 : index
      %get3A_810 = tpu.vector_load %arg13[%get3A_807, %get3A_808, %get3A_809] {strides = array<i32>} : memref<16x4x128xf32, #tpu.memory_space<vmem>>, vector<16xf32>,
      %add3A_811 = arith.addf %add3A_805, %get3A_810 : vector<16xf32>
      %get3A_812 = arith.constant 6 : i32
      %get3A_813 = arith.index_cast %get3A_812 : i32 to index
      %get3A_814 = arith.index_cast %scan3A_92 : i32 to index
      %get3A_815 = arith.constant 112 : index
      %get3A_816 = tpu.vector_load %arg13[%get3A_813, %get3A_814, %get3A_815] {strides = array<i32>} : memref<16x4x128xf32, #tpu.memory_space<vmem>>, vector<16xf32>,
      %add3A_817 = arith.addf %add3A_811, %get3A_816 : vector<16xf32>
      %get3A_818 = arith.constant 7 : i32
      %get3A_819 = arith.index_cast %get3A_818 : i32 to index
      %get3A_820 = arith.index_cast %scan3A_92 : i32 to index
      %get3A_821 = arith.constant 112 : index
      %get3A_822 = tpu.vector_load %arg13[%get3A_819, %get3A_820, %get3A_821] {strides = array<i32>} : memref<16x4x128xf32, #tpu.memory_space<vmem>>, vector<16xf32>,
      %add3A_823 = arith.addf %add3A_817, %get3A_822 : vector<16xf32>
      %get3A_824 = arith.constant 8 : i32
      %get3A_825 = arith.index_cast %get3A_824 : i32 to index
      %get3A_826 = arith.index_cast %scan3A_92 : i32 to index
      %get3A_827 = arith.constant 112 : index
      %get3A_828 = tpu.vector_load %arg13[%get3A_825, %get3A_826, %get3A_827] {strides = array<i32>} : memref<16x4x128xf32, #tpu.memory_space<vmem>>, vector<16xf32>,
      %add3A_829 = arith.addf %add3A_823, %get3A_828 : vector<16xf32>
      %get3A_830 = arith.constant 9 : i32
      %get3A_831 = arith.index_cast %get3A_830 : i32 to index
      %get3A_832 = arith.index_cast %scan3A_92 : i32 to index
      %get3A_833 = arith.constant 112 : index
      %get3A_834 = tpu.vector_load %arg13[%get3A_831, %get3A_832, %get3A_833] {strides = array<i32>} : memref<16x4x128xf32, #tpu.memory_space<vmem>>, vector<16xf32>,
      %add3A_835 = arith.addf %add3A_829, %get3A_834 : vector<16xf32>
      %get3A_836 = arith.constant 10 : i32
      %get3A_837 = arith.index_cast %get3A_836 : i32 to index
      %get3A_838 = arith.index_cast %scan3A_92 : i32 to index
      %get3A_839 = arith.constant 112 : index
      %get3A_840 = tpu.vector_load %arg13[%get3A_837, %get3A_838, %get3A_839] {strides = array<i32>} : memref<16x4x128xf32, #tpu.memory_space<vmem>>, vector<16xf32>,
      %add3A_841 = arith.addf %add3A_835, %get3A_840 : vector<16xf32>
      %get3A_842 = arith.constant 11 : i32
      %get3A_843 = arith.index_cast %get3A_842 : i32 to index
      %get3A_844 = arith.index_cast %scan3A_92 : i32 to index
      %get3A_845 = arith.constant 112 : index
      %get3A_846 = tpu.vector_load %arg13[%get3A_843, %get3A_844, %get3A_845] {strides = array<i32>} : memref<16x4x128xf32, #tpu.memory_space<vmem>>, vector<16xf32>,
      %add3A_847 = arith.addf %add3A_841, %get3A_846 : vector<16xf32>
      %get3A_848 = arith.constant 12 : i32
      %get3A_849 = arith.index_cast %get3A_848 : i32 to index
      %get3A_850 = arith.index_cast %scan3A_92 : i32 to index
      %get3A_851 = arith.constant 112 : index
      %get3A_852 = tpu.vector_load %arg13[%get3A_849, %get3A_850, %get3A_851] {strides = array<i32>} : memref<16x4x128xf32, #tpu.memory_space<vmem>>, vector<16xf32>,
      %add3A_853 = arith.addf %add3A_847, %get3A_852 : vector<16xf32>
      %get3A_854 = arith.constant 13 : i32
      %get3A_855 = arith.index_cast %get3A_854 : i32 to index
      %get3A_856 = arith.index_cast %scan3A_92 : i32 to index
      %get3A_857 = arith.constant 112 : index
      %get3A_858 = tpu.vector_load %arg13[%get3A_855, %get3A_856, %get3A_857] {strides = array<i32>} : memref<16x4x128xf32, #tpu.memory_space<vmem>>, vector<16xf32>,
      %add3A_859 = arith.addf %add3A_853, %get3A_858 : vector<16xf32>
      %get3A_860 = arith.constant 14 : i32
      %get3A_861 = arith.index_cast %get3A_860 : i32 to index
      %get3A_862 = arith.index_cast %scan3A_92 : i32 to index
      %get3A_863 = arith.constant 112 : index
      %get3A_864 = tpu.vector_load %arg13[%get3A_861, %get3A_862, %get3A_863] {strides = array<i32>} : memref<16x4x128xf32, #tpu.memory_space<vmem>>, vector<16xf32>,
      %add3A_865 = arith.addf %add3A_859, %get3A_864 : vector<16xf32>
      %get3A_866 = arith.constant 15 : i32
      %get3A_867 = arith.index_cast %get3A_866 : i32 to index
      %get3A_868 = arith.index_cast %scan3A_92 : i32 to index
      %get3A_869 = arith.constant 112 : index
      %get3A_870 = tpu.vector_load %arg13[%get3A_867, %get3A_868, %get3A_869] {strides = array<i32>} : memref<16x4x128xf32, #tpu.memory_space<vmem>>, vector<16xf32>,
      %add3A_871 = arith.addf %add3A_865, %get3A_870 : vector<16xf32>
      %swap3A_872 = arith.index_cast %scan3A_92 : i32 to index
      %swap3A_873 = arith.constant 112 : index
      %swap3A_874 = tpu.vector_load %arg12[%swap3A_872, %swap3A_873] {strides = array<i32>} : memref<64x128xf32, #tpu.memory_space<vmem>>, vector<16xf32>,
      tpu.vector_store %arg12[%swap3A_872, %swap3A_873], %add3A_871 {strides = array<i32>} : memref<64x128xf32, #tpu.memory_space<vmem>>, vector<16xf32>,
    }
    %scan3A_89 = arith.constant 4 : i32
    %mul3A_90 = arith.constant 4 : i32
    %mul3A_91 = arith.muli %arg1, %mul3A_90 : i32
    "tpu.region"() ({
      %run_scoped3A = tpu.sem_alloc : memref<!tpu.dma_semaphore, #tpu.memory_space<semaphore_mem>>
      %dma_start3A_92 = arith.constant 0 : i32
      %dma_start3A_93 = arith.constant 0 : i32
      %dma_start3A_94 = tpu.memref_slice %arg12[%dma_start3A_92, %dma_start3A_93] : memref<64x128xf32, #tpu.memory_space<vmem>> -> memref<4x128xf32, #tpu.memory_space<vmem>>
      %dma_start3A_95 = arith.constant 0 : i32
      %dma_start3A_96 = tpu.memref_slice %arg7[%arg0, %mul3A_91, %dma_start3A_95] : memref<2x64x128xf32, #tpu.memory_space<hbm>> -> memref<1x4x128xf32, #tpu.memory_space<hbm>>
      %dma_start3A_97 = tpu.memref_squeeze %dma_start3A_96 : memref<1x4x128xf32, #tpu.memory_space<hbm>> -> memref<4x128xf32, #tpu.memory_space<hbm>>
      %dma_start3A_98 = arith.constant 0 : i32
      %dma_start3A_99 = tpu.memref_slice %arg7[%arg0, %mul3A_91, %dma_start3A_98] : memref<2x64x128xf32, #tpu.memory_space<hbm>> -> memref<1x4x128xf32, #tpu.memory_space<hbm>>
      %dma_start3A_100 = tpu.memref_squeeze %dma_start3A_99 : memref<1x4x128xf32, #tpu.memory_space<hbm>> -> memref<4x128xf32, #tpu.memory_space<hbm>>
      %dma_start3A_101 = arith.constant 0 : i32
      %dma_start3A_102 = arith.constant 0 : i32
      %dma_start3A_103 = tpu.memref_slice %arg12[%dma_start3A_101, %dma_start3A_102] : memref<64x128xf32, #tpu.memory_space<vmem>> -> memref<4x128xf32, #tpu.memory_space<vmem>>
      tpu.enqueue_dma source(%dma_start3A_103 : memref<4x128xf32, #tpu.memory_space<vmem>>) target(%dma_start3A_100 : memref<4x128xf32, #tpu.memory_space<hbm>>) target_semaphore(%run_scoped3A : memref<!tpu.dma_semaphore, #tpu.memory_space<semaphore_mem>>)
      %dma_wait3A_104 = arith.constant 0 : i32
      %dma_wait3A_105 = arith.constant 0 : i32
      %dma_wait3A_106 = tpu.memref_slice %arg12[%dma_wait3A_104, %dma_wait3A_105] : memref<64x128xf32, #tpu.memory_space<vmem>> -> memref<4x128xf32, #tpu.memory_space<vmem>>
      %dma_wait3A_107 = arith.constant 0 : i32
      %dma_wait3A_108 = tpu.memref_slice %arg7[%arg0, %mul3A_91, %dma_wait3A_107] : memref<2x64x128xf32, #tpu.memory_space<hbm>> -> memref<1x4x128xf32, #tpu.memory_space<hbm>>
      %dma_wait3A_109 = tpu.memref_squeeze %dma_wait3A_108 : memref<1x4x128xf32, #tpu.memory_space<hbm>> -> memref<4x128xf32, #tpu.memory_space<hbm>>
      %dma_wait3A_110 = arith.constant 0 : i32
      %dma_wait3A_111 = tpu.memref_slice %arg7[%arg0, %mul3A_91, %dma_wait3A_110] : memref<2x64x128xf32, #tpu.memory_space<hbm>> -> memref<1x4x128xf32, #tpu.memory_space<hbm>>
      %dma_wait3A_112 = tpu.memref_squeeze %dma_wait3A_111 : memref<1x4x128xf32, #tpu.memory_space<hbm>> -> memref<4x128xf32, #tpu.memory_space<hbm>>
      %dma_wait3A_113 = arith.constant 0 : i32
      %dma_wait3A_114 = arith.constant 0 : i32
      %dma_wait3A_115 = tpu.memref_slice %arg12[%dma_wait3A_113, %dma_wait3A_114] : memref<64x128xf32, #tpu.memory_space<vmem>> -> memref<4x128xf32, #tpu.memory_space<vmem>>
      tpu.wait_dma2 semaphore(%run_scoped3A : memref<!tpu.dma_semaphore, #tpu.memory_space<semaphore_mem>>) src(%dma_wait3A_115 : memref<4x128xf32, #tpu.memory_space<vmem>>) dst(%dma_wait3A_112 : memref<4x128xf32, #tpu.memory_space<hbm>>)
      tpu.yield
    }) : () -> ()
    return
  }
}

module attributes {stable_mosaic.version = 14 : i64} {
  func.func @_combine_body(%arg0: memref<2x64x128xf32, #tpu.memory_space<vmem>>, %arg1: memref<64x128xf32, #tpu.memory_space<vmem>>, %arg2: memref<64x128xf32, #tpu.memory_space<vmem>>, %arg3: memref<64x128xf32, #tpu.memory_space<vmem>>) attributes {dimension_semantics = [], scalar_prefetch = 0 : i64, scratch_operands = 0 : i64, tpu.core_type = #tpu.core_type<tc>} {
    %get3A = arith.constant 0 : index
    %get3A_0 = arith.constant 0 : index
    %get3A_1 = arith.constant 0 : index
    %get3A_2 = vector.load %arg0[%get3A, %get3A_0, %get3A_1] : memref<2x64x128xf32, #tpu.memory_space<vmem>>, vector<1x64x128xf32>
    %get3A_3 = vector.shape_cast %get3A_2 : vector<1x64x128xf32> to vector<64x128xf32>
    %get3A_4 = arith.constant 1 : index
    %get3A_5 = arith.constant 0 : index
    %get3A_6 = arith.constant 0 : index
    %get3A_7 = vector.load %arg0[%get3A_4, %get3A_5, %get3A_6] : memref<2x64x128xf32, #tpu.memory_space<vmem>>, vector<1x64x128xf32>
    %get3A_8 = vector.shape_cast %get3A_7 : vector<1x64x128xf32> to vector<64x128xf32>
    %add3A = arith.addf %get3A_3, %get3A_8 : vector<64x128xf32>
    %get3A_9 = arith.constant 0 : index
    %get3A_10 = arith.constant 0 : index
    %get3A_11 = vector.load %arg1[%get3A_9, %get3A_10] : memref<64x128xf32, #tpu.memory_space<vmem>>, vector<64x128xf32>
    %add3A_12 = arith.addf %add3A, %get3A_11 : vector<64x128xf32>
    %get3A_13 = arith.constant 0 : index
    %get3A_14 = arith.constant 0 : index
    %get3A_15 = vector.load %arg2[%get3A_13, %get3A_14] : memref<64x128xf32, #tpu.memory_space<vmem>>, vector<64x128xf32>
    %mul3A = arith.mulf %add3A_12, %get3A_15 : vector<64x128xf32>
    %swap3A = arith.constant 0 : index
    %swap3A_16 = arith.constant 0 : index
    %swap3A_17 = vector.load %arg3[%swap3A, %swap3A_16] : memref<64x128xf32, #tpu.memory_space<vmem>>, vector<64x128xf32>
    tpu.vector_store %arg3[%swap3A, %swap3A_16], %mul3A {strides = array<i32>} : memref<64x128xf32, #tpu.memory_space<vmem>>, vector<64x128xf32>,
    return
  }
}

module attributes {stable_mosaic.version = 14 : i64} {
  func.func @_mm_body(%arg0: i32, %arg1: memref<2560x128xf32, #tpu.memory_space<vmem>>, %arg2: memref<2560x128xf32, #tpu.memory_space<vmem>>, %arg3: memref<1x1x2560xi32, #tpu.memory_space<vmem>>, %arg4: memref<1x1x2560xi32, #tpu.memory_space<vmem>>, %arg5: memref<64x128xf32, #tpu.memory_space<vmem>>) attributes {dimension_semantics = [#tpu.dimension_semantics<arbitrary>], iteration_bounds = array<i64: 62>, scalar_prefetch = 0 : i64, scratch_operands = 0 : i64, tpu.core_type = #tpu.core_type<tc>, window_params = [{transform_indices = @transform_0, window_bounds = array<i64: 2560, 128>}, {transform_indices = @transform_1, window_bounds = array<i64: 2560, 128>}, {transform_indices = @transform_2, window_bounds = array<i64: 1, 1, 2560>}, {transform_indices = @transform_3, window_bounds = array<i64: 1, 1, 2560>}, {pipeline_mode = #tpu.pipeline_mode<synchronous>, transform_indices = @transform_4, window_bounds = array<i64: 64, 128>}]} {
    %eq3A = arith.constant 0 : i32
    %eq3A_0 = arith.cmpi eq, %arg0, %eq3A : i32
    %convert_element_type3A = arith.extui %eq3A_0 : i1 to i32
    %cond3A = arith.constant 0 : i32
    %cond3A_1 = arith.cmpi ne, %convert_element_type3A, %cond3A : i32
    scf.if %cond3A_1 {
      %broadcast_in_dim3A_35 = arith.constant 0.000000e+00 : f32
      %broadcast_in_dim3A_36 = vector.broadcast %broadcast_in_dim3A_35 : f32 to vector<64x128xf32>
      %swap3A_37 = arith.constant 0 : index
      %swap3A_38 = arith.constant 0 : index
      %swap3A_39 = vector.load %arg5[%swap3A_37, %swap3A_38] : memref<64x128xf32, #tpu.memory_space<vmem>>, vector<64x128xf32>
      tpu.vector_store %arg5[%swap3A_37, %swap3A_38], %broadcast_in_dim3A_36 {strides = array<i32>} : memref<64x128xf32, #tpu.memory_space<vmem>>, vector<64x128xf32>,
    } else {
    }
    %iota3A = tpu.iota {dimensions = array<i32: 0>} : vector<64x2560xi32>
    %get3A = arith.constant 0 : index
    %get3A_2 = arith.constant 0 : index
    %get3A_3 = arith.constant 0 : index
    %get3A_4 = vector.load %arg3[%get3A, %get3A_2, %get3A_3] : memref<1x1x2560xi32, #tpu.memory_space<vmem>>, vector<1x1x2560xi32>
    %get3A_5 = vector.shape_cast %get3A_4 : vector<1x1x2560xi32> to vector<2560xi32>
    %broadcast_in_dim3A = vector.shape_cast %get3A_5 : vector<2560xi32> to vector<1x2560xi32>
    %eq3A_6 = vector.broadcast %broadcast_in_dim3A : vector<1x2560xi32> to vector<64x2560xi32>
    %eq3A_7 = arith.cmpi eq, %iota3A, %eq3A_6 : vector<64x2560xi32>
    %convert_element_type3A_8 = arith.extui %eq3A_7 : vector<64x2560xi1> to vector<64x2560xi32>
    %convert_element_type3A_9 = arith.sitofp %convert_element_type3A_8 : vector<64x2560xi32> to vector<64x2560xf32>
    %get3A_10 = arith.constant 0 : index
    %get3A_11 = arith.constant 0 : index
    %get3A_12 = arith.constant 0 : index
    %get3A_13 = vector.load %arg4[%get3A_10, %get3A_11, %get3A_12] : memref<1x1x2560xi32, #tpu.memory_space<vmem>>, vector<1x1x2560xi32>
    %get3A_14 = vector.shape_cast %get3A_13 : vector<1x1x2560xi32> to vector<2560xi32>
    %broadcast_in_dim3A_15 = vector.shape_cast %get3A_14 : vector<2560xi32> to vector<1x2560xi32>
    %eq3A_16 = vector.broadcast %broadcast_in_dim3A_15 : vector<1x2560xi32> to vector<64x2560xi32>
    %eq3A_17 = arith.cmpi eq, %iota3A, %eq3A_16 : vector<64x2560xi32>
    %convert_element_type3A_18 = arith.extui %eq3A_17 : vector<64x2560xi1> to vector<64x2560xi32>
    %convert_element_type3A_19 = arith.sitofp %convert_element_type3A_18 : vector<64x2560xi32> to vector<64x2560xf32>
    %get3A_20 = arith.constant 0 : index
    %get3A_21 = arith.constant 0 : index
    %get3A_22 = vector.load %arg1[%get3A_20, %get3A_21] : memref<2560x128xf32, #tpu.memory_space<vmem>>, vector<2560x128xf32>
    %dot_general3A = arith.constant dense<0.000000e+00> : vector<64x128xf32>
    %dot_general3A_23 = tpu.matmul %convert_element_type3A_9, %get3A_22, %dot_general3A {dimension_numbers = #tpu.dot_dimension_numbers<[1], [0], [0], [1], [0, 0, 1, 1], [], []>, transpose_lhs_hint = false} : vector<64x2560xf32>, vector<2560x128xf32>, vector<64x128xf32> -> vector<64x128xf32>
    %get3A_24 = arith.constant 0 : index
    %get3A_25 = arith.constant 0 : index
    %get3A_26 = vector.load %arg2[%get3A_24, %get3A_25] : memref<2560x128xf32, #tpu.memory_space<vmem>>, vector<2560x128xf32>
    %dot_general3A_27 = arith.constant dense<0.000000e+00> : vector<64x128xf32>
    %dot_general3A_28 = tpu.matmul %convert_element_type3A_19, %get3A_26, %dot_general3A_27 {dimension_numbers = #tpu.dot_dimension_numbers<[1], [0], [0], [1], [0, 0, 1, 1], [], []>, transpose_lhs_hint = false} : vector<64x2560xf32>, vector<2560x128xf32>, vector<64x128xf32> -> vector<64x128xf32>
    %add3A = arith.addf %dot_general3A_23, %dot_general3A_28 : vector<64x128xf32>
    %get3A_29 = arith.constant 0 : index
    %get3A_30 = arith.constant 0 : index
    %get3A_31 = vector.load %arg5[%get3A_29, %get3A_30] : memref<64x128xf32, #tpu.memory_space<vmem>>, vector<64x128xf32>
    %add3A_32 = arith.addf %get3A_31, %add3A : vector<64x128xf32>
    %swap3A = arith.constant 0 : index
    %swap3A_33 = arith.constant 0 : index
    %swap3A_34 = vector.load %arg5[%swap3A, %swap3A_33] : memref<64x128xf32, #tpu.memory_space<vmem>>, vector<64x128xf32>
    tpu.vector_store %arg5[%swap3A, %swap3A_33], %add3A_32 {strides = array<i32>} : memref<64x128xf32, #tpu.memory_space<vmem>>, vector<64x128xf32>,
    return
  }
  func.func @transform_0(%arg0: i32) -> (i32, i32) {
    %add3A = arith.constant 63 : i32
    %add3A_0 = arith.addi %add3A, %arg0 : i32
    %c0_i32 = arith.constant 0 : i32
    %c0_i32_1 = arith.constant 0 : i32
    return %add3A_0, %c0_i32 : i32, i32
  }
  func.func @transform_1(%arg0: i32) -> (i32, i32) {
    %add3A = arith.constant 63 : i32
    %add3A_0 = arith.addi %add3A, %arg0 : i32
    %c0_i32 = arith.constant 0 : i32
    %c0_i32_1 = arith.constant 0 : i32
    return %add3A_0, %c0_i32 : i32, i32
  }
  func.func @transform_2(%arg0: i32) -> (i32, i32, i32) {
    %c0_i32 = arith.constant 0 : i32
    %c0_i32_0 = arith.constant 0 : i32
    %c0_i32_1 = arith.constant 0 : i32
    return %arg0, %c0_i32, %c0_i32_0 : i32, i32, i32
  }
  func.func @transform_3(%arg0: i32) -> (i32, i32, i32) {
    %c0_i32 = arith.constant 0 : i32
    %c0_i32_0 = arith.constant 0 : i32
    %c0_i32_1 = arith.constant 0 : i32
    return %arg0, %c0_i32, %c0_i32_0 : i32, i32, i32
  }
  func.func @transform_4(%arg0: i32) -> (i32, i32) {
    %c0_i32 = arith.constant 0 : i32
    %c0_i32_0 = arith.constant 0 : i32
    %c0_i32_1 = arith.constant 0 : i32
    return %c0_i32, %c0_i32_0 : i32, i32
  }
}

</mosaic_0001>

<sc_bundles>
// kernel: kernel.6.cloned.1.call-start
scs
__scs_entry_jumppad:
0x0: {  	(pc) =	sbr.rel $0x88, $3  }
0x1: {  	(tag) =	ssettag $0x0;
	lr =	simm.s32 $0x1  }
0x2: {  	[smem:$0x3F9C] =	sst lr;
	_ =	strace $0xD0000000  }
0x3: {  	_ = 	snop  }
0x4: {  	_ = 	snop  }
0x5: {  	_ = 	snop  }
0x6: {  	_ = 	snop  }
0x7: {  	_ = 	snop  }
__scs_overlays_trampoline_lowered:
0x8: {  	[smem:$0x3FAB] =	sst s0  }
0x9: {  	[smem:$0x3FAC] =	sst s1  }
0xa: {  	[smem:$0x3FAD] =	sst s2  }
0xb: {  	[smem:$0x3FAE] =	sst s3  }
0xc: {  	[smem:$0x3FAF] =	sst s4  }
0xd: {  	[smem:$0x3FB0] =	sst s5  }
0xe: {  	[smem:$0x3FB1] =	sst s6  }
0xf: {  	[smem:$0x3FB2] =	sst s7  }
0x10: {  	[smem:$0x3FB3] =	sst s8  }
0x11: {  	[smem:$0x3FB4] =	sst s9;
	s0 =	simm.s32 @!p0 $0x0  }
0x12: {  	s1 =	sld [smem:$0x3F9A];
	s0 =	simm.s32 @p0 $0x1  }
0x13: {  	[smem:$0x3FB5] =	sst s0;
	s0 =	simm.s32 @!p1 $0x0  }
0x14: {  	s2 =	sld [smem:$0x3F99];
	s0 =	simm.s32 @p1 $0x1  }
0x15: {  	[smem:$0x3FB6] =	sst s0;
	s0 =	simm.s32 @!p2 $0x0  }
0x16: {  	s3 =	sld [smem:$0x3FDB];
	s0 =	simm.s32 @p2 $0x1  }
0x17: {  	s4 =	simm.s32 $0x1BF5;
	[smem:$0x3FB8] =	sst s0  }
0x18: {  	s0 =	sld [smem:$0x3F9B];
	_ =	swait.ge [sflag:s4], $0x0  }
0x19: {  	s7 =	sld [smem:$0x3F9C]  }
0x1a: {  	s8 =	sadd.s32 $0xFFFFE003, lr  }
0x1b: {  	s9 =	sadd.s32 $0xFFFFFEF7, lr;
	s5 =	simm.s32 $0xFFFFFFFF;
	p2 =	slt.u32 s8, $0xFFFFF086  }
0x1c: {  	p1 =	slt.u32 s9, $0xF7A;
	s5 =	simm.s32 @!p2 $0x0  }
0x1d: {  	s5 =	simm.s32 @p1 $0x1;
	p0 =	seq.s32 s7, s2  }
0x1e: {  	s7 =	smul.u32 @!p0 $0xF7A, s2;
	p2 =	seq.s32 @!p0 s5, $0x0  }
0x1f: {  	s9 =	smul.u32 $0xF7A, s1;
	s8 =	simm.s32 @!p0 $0x1BF5;
	p2 =	por !p2, p0  }
0x20: {  	[sflag:s8] =	ssyncset.s32 @!p0 $0xFFFFF086;
	s6 =	sadd.s32 @!p0 s3, s7;
	s7 =	simm.s32 @!p0 $0x108  }
0x21: {  	s3 =	sadd.s32 s3, s9;
	s6 =	sadd.s32 @!p0 $0x88, s6;
	s7 =	simm.s32 @p2 $0x1082  }
0x22: {  	[simem:s7], [sflag:s8] =	dma.local @!p0 [hbm:s6], $0xF7A  }
0x23: {  	s9 =	sor.u32 $0xD0000000, s2;
	s6 =	simm.s32 $0x108;
	_ =	swait.ge @!p0 [sflag:s8], $0x0  }
0x24: {  	s3 =	sadd.s32 $0x88, s3;
	s6 =	simm.s32 @!p1 $0x1082;
	[sflag:s4] =	ssyncset.s32 $0xFFFFF086  }
0x25: {  	[simem:s6], [sflag:s4] =	dma.local [hbm:s3], $0xF7A  }
0x26: {  	[smem:$0x3F9C] =	sst s1;
	(tag) =	ssettag s2;
	_ =	strace s9  }
0x27: {  	s1 =	sld [smem:$0x3FAC]  }
0x28: {  	s2 =	sld [smem:$0x3FAD]  }
0x29: {  	s4 =	sld [smem:$0x3FAF]  }
0x2a: {  	p0 =	seq.s32 s5, $0x0;
	s5 =	sld [smem:$0x3FB0]  }
0x2b: {  	s6 =	sld [smem:$0x3FB1]  }
0x2c: {  	s7 =	sld [smem:$0x3FB2]  }
0x2d: {  	s3 =	simm.s32 $0x108;
	s8 =	sld [smem:$0x3FB3]  }
0x2e: {  	s3 =	simm.s32 @!p0 $0x1082;
	s9 =	sld [smem:$0x3FB4]  }
0x2f: {  	lr =	sadd.s32 s0, s3;
	s0 =	sld [smem:$0x3FAB]  }
0x30: {  	s3 =	sld [smem:$0x3FAE]  }
0x31: {  	[smem:$0x3FB7] =	sst s10  }
0x32: {  	s10 =	sld [smem:$0x3FB5];
	_ =	sdelay $0x3  }
0x33: {  	p0 =	seq.s32 s10, $0x1;
	s10 =	sld [smem:$0x3FB7];
	_ =	sdelay $0x3  }
0x34: {  	[smem:$0x3FB7] =	sst s10  }
0x35: {  	s10 =	sld [smem:$0x3FB6];
	_ =	sdelay $0x3  }
0x36: {  	p1 =	seq.s32 s10, $0x1;
	s10 =	sld [smem:$0x3FB7];
	_ =	sdelay $0x3  }
0x37: {  	[smem:$0x3FB7] =	sst s10  }
0x38: {  	s10 =	sld [smem:$0x3FB8]  }
0x39: {  	_ = 	snop;
	(pc) =	sbr.ind lr, $3  }
0x3a: {  	_ = 	snop  }
0x3b: {  	_ = 	snop  }
0x3c: {  	p2 =	seq.s32 s10, $0x1;
	s10 =	sld [smem:$0x3FB7]  }
0x3d: {  	_ =	shalt  }
0x3e: {  	_ =	shalt  }
0x3f: {  	_ =	shalt  }
0x40: {  	_ =	shalt  }
0x41: {  	_ =	shalt  }
0x42: {  	_ =	shalt  }
0x43: {  	_ =	shalt  }
0x44: {  	_ =	shalt  }
0x45: {  	_ =	shalt  }
0x46: {  	_ =	shalt  }
0x47: {  	_ =	shalt  }
0x48: {  	_ =	shalt  }
0x49: {  	_ =	shalt  }
0x4a: {  	_ =	shalt  }
0x4b: {  	_ =	shalt  }
0x4c: {  	_ =	shalt  }
0x4d: {  	_ =	shalt  }
0x4e: {  	_ =	shalt  }
0x4f: {  	_ =	shalt  }
0x50: {  	_ =	shalt  }
0x51: {  	_ =	shalt  }
0x52: {  	_ =	shalt  }
0x53: {  	_ =	shalt  }
0x54: {  	_ =	shalt  }
0x55: {  	_ =	shalt  }
0x56: {  	_ =	shalt  }
0x57: {  	_ =	shalt  }
0x58: {  	_ =	shalt  }
0x59: {  	_ =	shalt  }
0x5a: {  	_ =	shalt  }
0x5b: {  	_ =	shalt  }
0x5c: {  	_ =	shalt  }
0x5d: {  	_ =	shalt  }
0x5e: {  	_ =	shalt  }
0x5f: {  	_ =	shalt  }
0x60: {  	_ =	shalt  }
0x61: {  	_ =	shalt  }
0x62: {  	_ =	shalt  }
0x63: {  	_ =	shalt  }
0x64: {  	_ =	shalt  }
0x65: {  	_ =	shalt  }
0x66: {  	_ =	shalt  }
0x67: {  	_ =	shalt  }
0x68: {  	_ =	shalt  }
0x69: {  	_ =	shalt  }
0x6a: {  	_ =	shalt  }
0x6b: {  	_ =	shalt  }
0x6c: {  	_ =	shalt  }
0x6d: {  	_ =	shalt  }
0x6e: {  	_ =	shalt  }
0x6f: {  	_ =	shalt  }
0x70: {  	_ =	shalt  }
0x71: {  	_ =	shalt  }
0x72: {  	_ =	shalt  }
0x73: {  	_ =	shalt  }
0x74: {  	_ =	shalt  }
0x75: {  	_ =	shalt  }
0x76: {  	_ =	shalt  }
0x77: {  	_ =	shalt  }
0x78: {  	_ =	shalt  }
0x79: {  	_ =	shalt  }
0x7a: {  	_ =	shalt  }
0x7b: {  	_ =	shalt  }
0x7c: {  	_ =	shalt  }
0x7d: {  	_ =	shalt  }
0x7e: {  	_ =	shalt  }
0x7f: {  	_ =	shalt  }
0x80: {  	_ =	shalt  }
0x81: {  	_ =	shalt  }
0x82: {  	_ =	shalt  }
0x83: {  	_ =	shalt  }
0x84: {  	_ =	shalt  }
0x85: {  	_ =	shalt  }
0x86: {  	_ =	shalt  }
0x87: {  	_ =	shalt  }
.Lfunc_end0:
.L_simem_size_0:
called_computation_lowered:
.L_overlay_start_0:
0x88: {  	s2 =	sld [smem:$0x3FD9]  }
0x89: {  	s3 =	sld [smem:$0x3FFE];
	_ =	sdelay $0x1  }
0x8a: {  	s1 =	srdreg.scid  }
0x8b: {  	s0 =	sand.u32 $0x1, s1  }
0x8c: {  	s17 =	sshll.u32 s0, $0xA;
	s2 =	sadd.s32 s3, s2  }
0x8d: {  	s2 =	sadd.s32 s2, s17  }
0x8e: {  	[smem:$0x3FC3] =	sst s2  }
0x8f: {  	_ = 	snop  }
0x90: {  	s2 =	sld [smem:$0x3FC5]  }
0x91: {  	s18 =	sld [smem:$0x3FD0];
	(tm) =	ssettm $0x1  }
0x92: {  	s4 =	sld [smem:$0x3FFB];
	_ =	sdelay $0x3  }
0x93: {  	_ =	strace s4  }
0x94: {  	s4 =	sld [smem:$0x3FFC];
	_ =	sdelay $0x3  }
0x95: {  	_ =	strace s4  }
0x96: {  	s4 =	sld [smem:$0x3FFD];
	_ =	sdelay $0x3  }
0x97: {  	_ =	strace s4  }
0x98: {  	_ =	strace $0x8FFFFFFF  }
0x99: {  	s19 =	sld [smem:$0x3FDB];
	_ =	sdelay $0x1  }
0x9a: {  	s5 =	simm.s32 $_scs_section_size  }
0x9b: {  	s6 =	simm.s32 $_size__tile_overlayer_lowered;
	s7 =	simm.s32 $_tile_overlayer_lowered  }
0x9c: {  	s22 =	simm.s32 $0x1BFF;
	s21 =	sshll.u32 s7, $0x1;
	s4 =	sadd.s32 s5, s19  }
0x9d: {  	s8 =	simm.s32 $0x0;
	s20 =	sshll.u32 s6, $0x1;
	s6 =	sadd.s32 s21, s4  }
0x9e: {  	[timem:s8], [sflag:s22] =	dma.local [hbm:s6], s20  }
0x9f: {  	_ =	swait.ge [sflag:s22], s20  }
0xa0: {  	s5 =	ssub.s32 $0x0, s20;
	[sflag:s22] =	ssyncset.done $0x0  }
0xa1: {  	[sflag:s22] =	ssyncadd.s32 s5;
	_ =	sdelay $0x1  }
0xa2: {  	s23 =	simm.s32 $0x1B8B  }
0xa3: {  	_ =	swait.ge [sflag:s23], $0x1  }
0xa4: {  	[sflag:s23] =	ssyncset.done $0x0  }
0xa5: {  	s25 =	simm.s32 $0x1B8E;
	s24 =	sld [smem:$0x3FFE];
	[sflag:s23] =	ssyncadd.s32 $0xFFFFFFFF  }
0xa6: {  	s26 =	simm.s32 $execute0_lowered;
	[smem:$0x3FD2] =	sst s25  }
0xa7: {  	s6 =	sshll.u32 s26, $0x1;
	_ =	strace $0x80000046;
	[dreg:$0x1] =	wrdreg $0xFFFFFFFF  }
0xa8: {  	s28 =	simm.s32 $_size_execute0_lowered;
	s4 =	sadd.s32 s4, s6;
	[dreg:$0x0] =	wrdreg $0x0  }
0xa9: {  	s6 =	sshll.u32 s28, $0x1;
	[dreg:$0x2] =	wrdreg s4  }
0xaa: {  	[dreg:$0x3] =	wrdreg s6  }
0xab: {  	[dreg:$0x4] =	wrdreg $0xC0  }
0xac: {  	_ =	task [dreg:s8], $0x5FFFF  }
0xad: {  	[dreg:$0x1] =	wrdreg $0xFFFFFFFF  }
0xae: {  	[dreg:$0x0] =	wrdreg $0x60  }
0xaf: {  	[dreg:$0x2] =	wrdreg s24  }
0xb0: {  	[dreg:$0x3] =	wrdreg s2  }
0xb1: {  	[dreg:$0x4] =	wrdreg s18  }
0xb2: {  	[dreg:$0x5] =	wrdreg $0x9  }
0xb3: {  	_ =	task.clear_ibuf [dreg:s8], $0x6FFFF;
	_ =	strace $0x90000046  }
0xb4: {  	s29 =	simm.s32 $0x9;
	_ =	strace $0x80000048  }
0xb5: {  	_ =	swait.ge [sflag:s29], $0x1  }
0xb6: {  	[sflag:s29] =	ssyncadd.s32 $0xFFFFFFFF  }
0xb7: {  	_ =	strace $0x90000048  }
0xb8: {  	_ =	sfence  }
0xb9: {  	s30 =	sld [smem:$0x0];
	_ =	sdelay $0x2  }
0xba: {  	s31 =	sshll.u32 s1, $0xD;
	s1 =	sshrl.u32 s1, $0x2  }
0xbb: {  	s3 =	sand.u32 $0x4000, s31;
	s1 =	sadd.s32 s1, s30  }
0xbc: {  	s0 =	sor.u32 s3, s0;
	s1 =	sshll.u32 s1, $0x11  }
0xbd: {  	s0 =	sor.u32 s1, s0  }
0xbe: {  	s0 =	sadd.s32 $0x8F2B, s0  }
0xbf: {  	[sflag:s0] =	ssyncadd.remote.s32 $0x1  }
0xc0: {  	_ =	sfence.sel $0xFFFF  }
0xc1: {  	[dreg:$0x0] =	wrdreg $0xFFFFFFFF;
	(pc) =	sbr.abs _section_cstart, $3  }
0xc2: {  	[dreg:$0x1] =	wrdreg $0xFFFFFFFF  }
0xc3: {  	_ =	task.clear_ibuf [dreg:s8], $0x2FFFF;
	_ =	strace $0x9FFFFFFF  }
0xc4: {  	(tm) =	ssettm $0x7FFFFFFF  }
0xc5: {  	_ =	shalt  }
tec
execute0_lowered:
.L_overlay_start_1:
0x0: {  	(tag) =	ssettag $0x1  }
0x1: {  	s4 =	rddreg [dreg:$0x0]  }
0x2: {  	s1 =	srdreg.scid;
	s2 =	rddreg [dreg:$0x1]  }
0x3: {  	s0 =	stileid.u32;
	s8 =	rddreg [dreg:$0x2]  }
0x4: {  	s3 =	simm.s32 $0x0;
	s12 =	simm.s32 $0x3AE0;
	s14 =	simm.s32 $0x61E0  }
0x5: {  	s15 =	simm.s32 $0x7580;
	s16 =	simm.s32 $0x0;
	s13 =	sand.u32 $0x1, s1  }
0x6: {  	v0 =	vimm.s32 $0x43213210;
	s30 =	sshll.u32 s0, $0x1;
	[smem:$0x7FF] =	sst s3;
	s10 =	sshll.u32 s0, $0x2  }
0x7: {  	v1 =	vimm.s32 $0x3020100;
	v0 =	vunpack.c.l.s4.s8 v0;
	s11 =	sshll.u32 s0, $0x6;
	s1 =	sor.u32 s13, s30;
	s6 =	ssub.s32 $0x2, s13  }
0x8: {  	vm0 =	vcmask $0x2F00;
	v2 =	vimm.s32 $0x0;
	v3 =	vimm.s32 $0x9C4;
	s8 =	sadd.s32 s8, s11;
	s11 =	simm.s32 $0x2780;
	s5 =	smul.u32 $0x1360, s1  }
.Ltmp0:
0x9: {  	vm1 =	vcmask $0xF14;
	vm2 =	vcmask $0x308;
	p0 =	sne.s32 s13, $0x0;
	s13 =	simm.s32 $0x4E80;
	v0 =	vunpack.c.0.s8.s32 v0;
	(pc) =	sbr.rel .LBB2_1-.Ltmp0, $4  }
0xa: {  	vm3 =	vcmask $0x1318;
	vm4 =	vcmask $0x70C;
	v1 =	vunpack.c.0.s8.s32 v1;
	s1 =	rddreg [dreg:$0x3];
	s31 =	sshrl.u32 s6, $0x1;
	s5 =	sshrl.u32 s5, $0x3  }
0xb: {  	vm5 =	vcmask $0x171C;
	_ =	strace $0x80000047;
	s9 =	ssub.s32 s6, s31;
	v0 =	vnsel vm0, $0x3, v0;
	vm0 =	vcmask $0x3F2C;
	s7 =	sadd.s32 s5, s4  }
0xc: {  	vm6 =	vcmask $0xB10;
	vm7 =	vcmask $0x1B20;
	s9 =	smax.u32 s9, $0x1;
	v0 =	vsel vm0, v1, v0;
	s4 =	sadd.s32 $0x64C0, s7;
	s5 =	sadd.s32 $0x19EC0, s7  }
0xd: {  	v1 =	vimm.s32 $0x1388;
	vm0 =	vmmov $0x1;
	s6 =	sadd.s32 $0x28A00, s7;
	s7 =	sadd.s32 $0x2D800, s7;
	v0 =	vadd.s32 s10, v0;
	s10 =	simm.s32 $0x1  }
.LBB2_5:
0xe: {  	s16 =	sadd.s32 $0x1, s16  }
0xf: {  	p1 =	sne.s32 s16, s9  }
.Ltmp1:
0x10: {  	_ = 	snop;
	(pc) =	sbr.rel @!p1 .LBB2_6-.Ltmp1, $1  }
0x11: {  	_ =	sdelay $0x3  }
.LBB2_1:
0x12: {  	[tilespmem:s3], [sflag:$0x1] =	stream.linear.gather [hbm4b:s2+s3], $0x2780, $0x38;
	[tilespmem:$0x7780] =	vst v63  }
0x13: {  	_ =	swait.ge [sflag:s10], $0x2780  }
0x14: {  	[sflag:s10] =	ssyncset.done $0x0  }
0x15: {  	[sflag:s10] =	ssyncadd.s32 $0xFFFFD880  }
0x16: {  	[tilespmem:s11], [sflag:$0x1] =	stream.linear.gather [hbm4b:s4+s3], $0x1360, $0x38;
	[tilespmem:$0x7780] =	vst v63  }
0x17: {  	_ =	swait.ge [sflag:s10], $0x1360  }
0x18: {  	[sflag:s10] =	ssyncset.done $0x0  }
0x19: {  	[sflag:s10] =	ssyncadd.s32 $0xFFFFECA0  }
0x1a: {  	[tilespmem:s12], [sflag:$0x1] =	stream.linear.gather [hbm4b:s5+s3], $0x1360, $0x38;
	[tilespmem:$0x7780] =	vst v63  }
0x1b: {  	_ =	swait.ge [sflag:s10], $0x1360  }
0x1c: {  	[sflag:s10] =	ssyncset.done $0x0  }
0x1d: {  	s17 =	simm.s32 $0x0;
	[sflag:s10] =	ssyncadd.s32 $0xFFFFECA0  }
0x1e: {  	v4 =	vld [tilespmem:s17+$0x2780];
	_ =	sdelay $0x7  }
0x1f: {  	s18 =	simm.s32 $0x10;
	s19 =	simm.s32 $0x80;
	v4 =	vld.idx.msk [tilespmem:v4+s3+$0x0], $0xffff  }
.LBB2_2:
0x20: {  	p1 =	sne.s32 s19, $0x9AC0;
	v5 =	vld [tilespmem:s18+$0x2780];
	_ =	sdelay $0x3  }
.Ltmp2:
0x21: {  	(pc) =	sbr.rel @p1 .LBB2_2-.Ltmp2, $2  }
0x22: {  	[tilespmem:s17+$0x4E80] =	vst v4;
	s17 =	smov.u32 s18;
	_ =	sdelay $0x2  }
0x23: {  	s18 =	sshra.s32 s19, $0x2;
	s19 =	sadd.s32 $0x40, s19;
	v4 =	vld.idx.msk [tilespmem:v5+s3+$0x0], $0xffff  }
0x24: {  	v5 =	vld [tilespmem:s18+$0x2780];
	_ =	sdelay $0x6  }
0x25: {  	[tilespmem:s17+$0x4E80] =	vst v4  }
0x26: {  	v4 =	vld.idx.msk [tilespmem:v5+s3+$0x0], $0xffff;
	_ =	sdelay $0x4  }
0x27: {  	[tilespmem:s18+$0x4E80] =	vst v4  }
0x28: {  	[hbm4b:s6+s3] =	stream.linear.scatter [tilespmem:s13], [sflag:$0x1], $0x1360, $0x38;
	[tilespmem:$0x7780] =	vst v63  }
0x29: {  	_ =	swait.ge [sflag:s10], $0x1360  }
0x2a: {  	[sflag:s10] =	ssyncset.done $0x0  }
.Ltmp3:
0x2b: {  	[sflag:s10] =	ssyncadd.s32 $0xFFFFECA0;
	(pc) =	sbr.rel @p0 .LBB2_5-.Ltmp3, $4  }
0x2c: {  	[hbm4b:s7+s3] =	stream.linear.scatter [tilespmem:s14], [sflag:$0x1], $0x1360, $0x38;
	[tilespmem:$0x7780] =	vst v63  }
0x2d: {  	_ =	swait.ge [sflag:s10], $0x1360  }
0x2e: {  	[sflag:s10] =	ssyncset.done $0x0  }
0x2f: {  	[sflag:s10] =	ssyncadd.s32 $0xFFFFECA0  }
0x30: {  	_ =	sdelay $0x3  }
0x31: {  	v4 =	vld.idx.msk [tilespmem:v1+s3+$0x0], $0xffff;
	_ =	sdelay $0x4  }
0x32: {  	vm8 =	vlt.s32 v4, v0  }
0x33: {  	v4 =	vsel vm8, $0x1D4C, v3;
	_ =	sdelay $0x4  }
0x34: {  	v5 =	vld.idx.msk [tilespmem:v4+s3+$0x0], $0xffff;
	_ =	sdelay $0x4  }
0x35: {  	v6 =	vsel vm8, $0x2710, v1;
	vm9 =	vlt.s32 v5, v0  }
0x36: {  	v7 =	vor.u32 $0x1, v4;
	v5 =	vsel vm8, $0x1389, v2;
	v4 =	vsel vm9, v6, v4  }
0x37: {  	v5 =	vsel vm9, v7, v5;
	v6 =	vadd.s32 $0xFFFFFFFF, v4  }
0x38: {  	v6 =	vadd.s32 v6, v5  }
0x39: {  	v6 =	vadd.s32 $0x1, v6  }
0x3a: {  	v6 =	vshrl.u32 v6, $0x1;
	_ =	sdelay $0x4  }
0x3b: {  	v38 =	vld.idx.msk [tilespmem:v6+s3+$0x0], $0xffff;
	_ =	sdelay $0x4  }
0x3c: {  	vm8 =	vlt.u32 v5, v4;
	vm12 =	vlt.s32 v38, v0  }
0x3d: {  	vm9 =	vmand vm12, vm8  }
0x3e: {  	v39 =	vor.u32 $0x1, v6;
	vm8 =	vmxor vm8, vm9  }
0x3f: {  	v5 =	vsel vm9, v39, v5;
	v4 =	vsel vm8, v6, v4  }
0x40: {  	v6 =	vadd.s32 v4, v5  }
0x41: {  	v6 =	vshrl.u32 v6, $0x1;
	_ =	sdelay $0x4  }
0x42: {  	v40 =	vld.idx.msk [tilespmem:v6+s3+$0x0], $0xffff;
	_ =	sdelay $0x4  }
0x43: {  	vm8 =	vlt.u32 v5, v4;
	vm13 =	vlt.s32 v40, v0  }
0x44: {  	vm9 =	vmand vm13, vm8  }
0x45: {  	v41 =	vadd.s32 $0x1, v6;
	vm8 =	vmxor vm8, vm9  }
0x46: {  	v5 =	vsel vm9, v41, v5;
	v4 =	vsel vm8, v6, v4  }
0x47: {  	v6 =	vadd.s32 v4, v5  }
0x48: {  	v6 =	vshrl.u32 v6, $0x1;
	_ =	sdelay $0x4  }
0x49: {  	v42 =	vld.idx.msk [tilespmem:v6+s3+$0x0], $0xffff;
	_ =	sdelay $0x4  }
0x4a: {  	vm8 =	vlt.u32 v5, v4;
	vm14 =	vlt.s32 v42, v0  }
0x4b: {  	vm9 =	vmand vm14, vm8  }
0x4c: {  	v43 =	vadd.s32 $0x1, v6;
	vm8 =	vmxor vm8, vm9  }
0x4d: {  	v5 =	vsel vm9, v43, v5;
	v4 =	vsel vm8, v6, v4  }
0x4e: {  	v6 =	vadd.s32 v4, v5  }
0x4f: {  	v6 =	vshrl.u32 v6, $0x1;
	_ =	sdelay $0x4  }
0x50: {  	v44 =	vld.idx.msk [tilespmem:v6+s3+$0x0], $0xffff;
	_ =	sdelay $0x4  }
0x51: {  	vm8 =	vlt.u32 v5, v4;
	vm15 =	vlt.s32 v44, v0  }
0x52: {  	vm9 =	vmand vm15, vm8  }
0x53: {  	v45 =	vadd.s32 $0x1, v6;
	vm8 =	vmxor vm8, vm9  }
0x54: {  	v5 =	vsel vm9, v45, v5;
	v4 =	vsel vm8, v6, v4  }
0x55: {  	v6 =	vadd.s32 v4, v5  }
0x56: {  	v6 =	vshrl.u32 v6, $0x1;
	_ =	sdelay $0x4  }
0x57: {  	v46 =	vld.idx.msk [tilespmem:v6+s3+$0x0], $0xffff;
	_ =	sdelay $0x4  }
0x58: {  	vm8 =	vlt.u32 v5, v4;
	vm12 =	vlt.s32 v46, v0  }
0x59: {  	vm9 =	vmand vm12, vm8  }
0x5a: {  	v47 =	vadd.s32 $0x1, v6;
	vm8 =	vmxor vm8, vm9  }
0x5b: {  	v5 =	vsel vm9, v47, v5;
	v4 =	vsel vm8, v6, v4  }
0x5c: {  	v6 =	vadd.s32 v4, v5  }
0x5d: {  	v6 =	vshrl.u32 v6, $0x1;
	_ =	sdelay $0x4  }
0x5e: {  	v48 =	vld.idx.msk [tilespmem:v6+s3+$0x0], $0xffff;
	_ =	sdelay $0x4  }
0x5f: {  	vm8 =	vlt.u32 v5, v4;
	vm13 =	vlt.s32 v48, v0  }
0x60: {  	vm9 =	vmand vm13, vm8  }
0x61: {  	v49 =	vadd.s32 $0x1, v6;
	vm8 =	vmxor vm8, vm9  }
0x62: {  	v5 =	vsel vm9, v49, v5;
	v4 =	vsel vm8, v6, v4  }
0x63: {  	v6 =	vadd.s32 v4, v5  }
0x64: {  	v6 =	vshrl.u32 v6, $0x1;
	_ =	sdelay $0x4  }
0x65: {  	v50 =	vld.idx.msk [tilespmem:v6+s3+$0x0], $0xffff;
	_ =	sdelay $0x4  }
0x66: {  	vm8 =	vlt.u32 v5, v4;
	vm14 =	vlt.s32 v50, v0  }
0x67: {  	vm9 =	vmand vm14, vm8  }
0x68: {  	v51 =	vadd.s32 $0x1, v6;
	vm8 =	vmxor vm8, vm9  }
0x69: {  	v5 =	vsel vm9, v51, v5;
	v4 =	vsel vm8, v6, v4  }
0x6a: {  	v6 =	vadd.s32 v4, v5  }
0x6b: {  	v6 =	vshrl.u32 v6, $0x1;
	_ =	sdelay $0x4  }
0x6c: {  	v52 =	vld.idx.msk [tilespmem:v6+s3+$0x0], $0xffff;
	_ =	sdelay $0x4  }
0x6d: {  	vm8 =	vlt.u32 v5, v4;
	vm15 =	vlt.s32 v52, v0  }
0x6e: {  	vm9 =	vmand vm15, vm8  }
0x6f: {  	v53 =	vadd.s32 $0x1, v6;
	vm8 =	vmxor vm8, vm9  }
0x70: {  	v5 =	vsel vm9, v53, v5;
	v4 =	vsel vm8, v6, v4  }
0x71: {  	v6 =	vadd.s32 v4, v5  }
0x72: {  	v6 =	vshrl.u32 v6, $0x1;
	_ =	sdelay $0x4  }
0x73: {  	v54 =	vld.idx.msk [tilespmem:v6+s3+$0x0], $0xffff;
	_ =	sdelay $0x4  }
0x74: {  	vm8 =	vlt.u32 v5, v4;
	vm12 =	vlt.s32 v54, v0  }
0x75: {  	vm9 =	vmand vm12, vm8  }
0x76: {  	v55 =	vadd.s32 $0x1, v6;
	vm8 =	vmxor vm8, vm9  }
0x77: {  	v5 =	vsel vm9, v55, v5;
	v4 =	vsel vm8, v6, v4  }
0x78: {  	v6 =	vadd.s32 v4, v5  }
0x79: {  	v6 =	vshrl.u32 v6, $0x1;
	_ =	sdelay $0x4  }
0x7a: {  	v56 =	vld.idx.msk [tilespmem:v6+s3+$0x0], $0xffff;
	_ =	sdelay $0x4  }
0x7b: {  	vm8 =	vlt.u32 v5, v4;
	vm13 =	vlt.s32 v56, v0  }
0x7c: {  	vm9 =	vmand vm13, vm8  }
0x7d: {  	v57 =	vadd.s32 $0x1, v6;
	vm8 =	vmxor vm8, vm9  }
0x7e: {  	v5 =	vsel vm9, v57, v5;
	v4 =	vsel vm8, v6, v4  }
0x7f: {  	v6 =	vadd.s32 v4, v5  }
0x80: {  	v6 =	vshrl.u32 v6, $0x1;
	_ =	sdelay $0x4  }
0x81: {  	v58 =	vld.idx.msk [tilespmem:v6+s3+$0x0], $0xffff;
	_ =	sdelay $0x4  }
0x82: {  	vm8 =	vlt.u32 v5, v4;
	vm14 =	vlt.s32 v58, v0  }
0x83: {  	vm9 =	vmand vm14, vm8  }
0x84: {  	v59 =	vadd.s32 $0x1, v6;
	vm8 =	vmxor vm8, vm9  }
0x85: {  	v5 =	vsel vm9, v59, v5;
	v4 =	vsel vm8, v6, v4  }
0x86: {  	v6 =	vadd.s32 v4, v5  }
0x87: {  	v6 =	vshrl.u32 v6, $0x1  }
0x88: {  	v60 =	vmin.u32 v6, $0x270F;
	_ =	sdelay $0x4  }
0x89: {  	v7 =	vld.idx.msk [tilespmem:v60+s3+$0x0], $0xffff;
	_ =	sdelay $0x4  }
0x8a: {  	vm8 =	vlt.u32 v5, v4;
	vm15 =	vlt.s32 v7, v0  }
0x8b: {  	v4 =	vadd.s32 $0x1, v6;
	vm8 =	vmand vm15, vm8  }
0x8c: {  	v4 =	vsel vm8, v4, v5  }
0x8d: {  	v5 =	vnsel vm0, $0x0, v4  }
0x8e: {  	(xrf0) =	vadd.scan.msk.s32 $0xffff, v5;
	v5 =	vsel vm1, $0x0, v4  }
0x8f: {  	(xrf0) =	vadd.scan.msk.s32 $0xffff, v5;
	_ =	sdelay $0x4  }
0x90: {  	v5, _, _ =	vpop (xrf0)  }
0x91: {  	(v2sf) =	vpush v5, $0xF;
	v5, _, _ =	vpop (xrf0)  }
0x92: {  	v61 =	vsel vm2, $0x0, v4;
	(v2sf) =	vpush v5, $0xF  }
0x93: {  	(xrf0) =	vadd.scan.msk.s32 $0xffff, v61;
	v5 =	vsel vm3, $0x0, v4  }
0x94: {  	(xrf0) =	vadd.scan.msk.s32 $0xffff, v5;
	_ =	sdelay $0x4  }
0x95: {  	v5, _, _ =	vpop (xrf0)  }
0x96: {  	v62 =	vsel vm4, $0x0, v4;
	(v2sf) =	vpush v5, $0xF;
	v5, _, _ =	vpop (xrf0)  }
0x97: {  	(xrf0) =	vadd.scan.msk.s32 $0xffff, v62;
	(v2sf) =	vpush v5, $0xF;
	v5 =	vsel vm5, $0x0, v4  }
0x98: {  	(xrf0) =	vadd.scan.msk.s32 $0xffff, v5;
	_ =	sdelay $0x3  }
0x99: {  	s17 =	spop (v2sf)  }
0x9a: {  	v5, _, _ =	vpop (xrf0);
	s18 =	spop (v2sf)  }
0x9b: {  	v63 =	vsel vm6, $0x0, v4;
	(v2sf) =	vpush v5, $0xF;
	v5, _, _ =	vpop (xrf0);
	s17 =	ssub.s32 s18, s17  }
0x9c: {  	v4 =	vsel vm7, $0x0, v4;
	(xrf0) =	vadd.scan.msk.s32 $0xffff, v63;
	(v2sf) =	vpush v5, $0xF;
	v5 =	vmov s17  }
0x9d: {  	(xrf0) =	vadd.scan.msk.s32 $0xffff, v4;
	v4 =	vcvt.s32.f32 v5;
	_ =	sdelay $0x1  }
0x9e: {  	v4 =	vmax.f32 v4, $1.000000000e+00  }
0x9f: {  	v4 =	vbroadcast v4, $0x0;
	_ =	sdelay $0x2  }
0xa0: {  	v5, _, _ =	vpop (xrf0);
	s25 =	spop (v2sf)  }
0xa1: {  	(v2sf) =	vpush v5, $0xF;
	(erf) = vrcp.f32 v4;
	s26 =	spop (v2sf);
	v4, _, _ =	vpop (xrf0)  }
0xa2: {  	s17 =	ssub.s32 s26, s25;
	(v2sf) =	vpush v4, $0xF  }
0xa3: {  	v4 =	vmov s17  }
0xa4: {  	v4 =	vcvt.s32.f32 v4;
	_ =	sdelay $0x1  }
0xa5: {  	v4 =	vmax.f32 v4, $1.000000000e+00  }
0xa6: {  	v4 =	vbroadcast v4, $0x0;
	_ =	sdelay $0x1  }
0xa7: {  	s28 =	spop (v2sf)  }
0xa8: {  	s29 =	spop (v2sf);
	(erf) = vrcp.f32 v4  }
0xa9: {  	s17 =	ssub.s32 s29, s28;
	v4 =	vpop (erf)  }
0xaa: {  	v5 =	vmov s17;
	[tilespmem:$0x7580] =	vst v4  }
0xab: {  	v5 =	vcvt.s32.f32 v5;
	[tilespmem:$0x7590] =	vst v4  }
0xac: {  	[tilespmem:$0x75A0] =	vst v4  }
0xad: {  	[tilespmem:$0x75B0] =	vst v4;
	v5 =	vmax.f32 v5, $1.000000000e+00  }
0xae: {  	[tilespmem:$0x75C0] =	vst v4;
	s30 =	spop (v2sf);
	v5 =	vbroadcast v5, $0x0  }
0xaf: {  	[tilespmem:$0x75D0] =	vst v4;
	s31 =	spop (v2sf)  }
0xb0: {  	[tilespmem:$0x75E0] =	vst v4;
	(erf) = vrcp.f32 v5;
	s17 =	ssub.s32 s31, s30  }
0xb1: {  	[tilespmem:$0x75F0] =	vst v4;
	v4 =	vpop (erf);
	v5 =	vmov s17  }
0xb2: {  	[tilespmem:$0x7600] =	vst v4;
	v5 =	vcvt.s32.f32 v5  }
0xb3: {  	[tilespmem:$0x7610] =	vst v4  }
0xb4: {  	[tilespmem:$0x7620] =	vst v4;
	v5 =	vmax.f32 v5, $1.000000000e+00  }
0xb5: {  	[tilespmem:$0x7630] =	vst v4;
	v5 =	vbroadcast v5, $0x0  }
0xb6: {  	[tilespmem:$0x7640] =	vst v4  }
0xb7: {  	[tilespmem:$0x7650] =	vst v4  }
0xb8: {  	[tilespmem:$0x7660] =	vst v4;
	(erf) = vrcp.f32 v5  }
0xb9: {  	[tilespmem:$0x7670] =	vst v4;
	v5 =	vpop (erf)  }
0xba: {  	[tilespmem:$0x7680] =	vst v5  }
0xbb: {  	[tilespmem:$0x7690] =	vst v5  }
0xbc: {  	[tilespmem:$0x76A0] =	vst v5  }
0xbd: {  	[tilespmem:$0x76B0] =	vst v5  }
0xbe: {  	[tilespmem:$0x76C0] =	vst v5  }
0xbf: {  	[tilespmem:$0x76D0] =	vst v5  }
0xc0: {  	[tilespmem:$0x76E0] =	vst v5  }
0xc1: {  	[tilespmem:$0x76F0] =	vst v5;
	v4 =	vpop (erf)  }
0xc2: {  	[tilespmem:$0x7700] =	vst v4  }
0xc3: {  	[tilespmem:$0x7710] =	vst v4  }
0xc4: {  	[tilespmem:$0x7720] =	vst v4  }
0xc5: {  	[tilespmem:$0x7730] =	vst v4  }
0xc6: {  	[tilespmem:$0x7740] =	vst v4  }
0xc7: {  	[tilespmem:$0x7750] =	vst v4  }
0xc8: {  	[tilespmem:$0x7760] =	vst v4  }
.Ltmp4:
0xc9: {  	[tilespmem:$0x7770] =	vst v4;
	(pc) =	sbr.rel .LBB2_5-.Ltmp4, $4  }
0xca: {  	[hbm4b:s8+s3] =	stream.linear.scatter [tilespmem:s15], [sflag:$0x1], $0x200, $0x38;
	[tilespmem:$0x7780] =	vst v63  }
0xcb: {  	_ =	swait.ge [sflag:s10], $0x200  }
0xcc: {  	[sflag:s10] =	ssyncset.done $0x0  }
0xcd: {  	[sflag:s10] =	ssyncadd.s32 $0xFFFFFE00  }
.LBB2_6:
0xce: {  	_ =	sfence.sel $0x180000  }
0xcf: {  	[bflag:$0x0] =	sbarrier.arrive $0xFFFF  }
0xd0: {  	p0 =	sne.s32 s0, $0x0;
	_ =	strace $0x90000047  }
0xd1: {  	s0 =	sadd.s32 @!p0 $0x100000, s1;
	[bflag:$0x2] =	sbarrier.arrive $0xFFFF  }
0xd2: {  	[sflag:s0] =	ssyncadd.tile.s32 @!p0 $0x1;
	_ =	shalt  }
.Lfunc_end2:
_tile_overlayer_lowered:
.L_overlay_start_2:
0xd3: {  	(tag) =	ssettag $0x2  }
0xd4: {  	s0 =	rddreg [dreg:$0x0];
	s2 =	stileid.u32  }
0xd5: {  	s1 =	rddreg [dreg:$0x1];
	p0 =	sne.s32 s2, $0x0  }
0xd6: {  	s3 =	rddreg [dreg:$0x2];
	[bflag:$0x3] =	sbarrier.arrive $0xFFFF;
	s2 =	simm.s32 @!p0 $0x1C01  }
0xd7: {  	[timem:s3], [sflag:s2] =	dma.local @!p0 [hbm:s0], s1  }
0xd8: {  	s0 =	simm.s32 @!p0 $0x1  }
0xd9: {  	_ =	swait.ge @!p0 [sflag:s0], s1  }
0xda: {  	s1 =	ssub.s32 @!p0 $0x0, s1;
	[sflag:s0] =	ssyncset.done @!p0 $0x0  }
0xdb: {  	[sflag:s0] =	ssyncadd.s32 @!p0 s1  }
0xdc: {  	[bflag:$0x3] =	sbarrier.arrive $0xFFFF  }
0xdd: {  	_ =	shalt  }

// kernel: kernel.9.cloned.1.call-start
scs
__scs_entry_jumppad:
0x0: {  	(pc) =	sbr.rel $0x88, $3  }
0x1: {  	(tag) =	ssettag $0x0;
	lr =	simm.s32 $0x1  }
0x2: {  	[smem:$0x3F9C] =	sst lr;
	_ =	strace $0xD0000000  }
0x3: {  	_ = 	snop  }
0x4: {  	_ = 	snop  }
0x5: {  	_ = 	snop  }
0x6: {  	_ = 	snop  }
0x7: {  	_ = 	snop  }
__scs_overlays_trampoline_lowered:
0x8: {  	[smem:$0x3FAB] =	sst s0  }
0x9: {  	[smem:$0x3FAC] =	sst s1  }
0xa: {  	[smem:$0x3FAD] =	sst s2  }
0xb: {  	[smem:$0x3FAE] =	sst s3  }
0xc: {  	[smem:$0x3FAF] =	sst s4  }
0xd: {  	[smem:$0x3FB0] =	sst s5  }
0xe: {  	[smem:$0x3FB1] =	sst s6  }
0xf: {  	[smem:$0x3FB2] =	sst s7  }
0x10: {  	[smem:$0x3FB3] =	sst s8  }
0x11: {  	[smem:$0x3FB4] =	sst s9;
	s0 =	simm.s32 @!p0 $0x0  }
0x12: {  	s1 =	sld [smem:$0x3F9A];
	s0 =	simm.s32 @p0 $0x1  }
0x13: {  	[smem:$0x3FB5] =	sst s0;
	s0 =	simm.s32 @!p1 $0x0  }
0x14: {  	s2 =	sld [smem:$0x3F99];
	s0 =	simm.s32 @p1 $0x1  }
0x15: {  	[smem:$0x3FB6] =	sst s0;
	s0 =	simm.s32 @!p2 $0x0  }
0x16: {  	s3 =	sld [smem:$0x3FDB];
	s0 =	simm.s32 @p2 $0x1  }
0x17: {  	s4 =	simm.s32 $0x1BF5;
	[smem:$0x3FB8] =	sst s0  }
0x18: {  	s0 =	sld [smem:$0x3F9B];
	_ =	swait.ge [sflag:s4], $0x0  }
0x19: {  	s7 =	sld [smem:$0x3F9C]  }
0x1a: {  	s8 =	sadd.s32 $0xFFFFE003, lr  }
0x1b: {  	s9 =	sadd.s32 $0xFFFFFEF7, lr;
	s5 =	simm.s32 $0xFFFFFFFF;
	p2 =	slt.u32 s8, $0xFFFFF086  }
0x1c: {  	p1 =	slt.u32 s9, $0xF7A;
	s5 =	simm.s32 @!p2 $0x0  }
0x1d: {  	s5 =	simm.s32 @p1 $0x1;
	p0 =	seq.s32 s7, s2  }
0x1e: {  	s7 =	smul.u32 @!p0 $0xF7A, s2;
	p2 =	seq.s32 @!p0 s5, $0x0  }
0x1f: {  	s9 =	smul.u32 $0xF7A, s1;
	s8 =	simm.s32 @!p0 $0x1BF5;
	p2 =	por !p2, p0  }
0x20: {  	[sflag:s8] =	ssyncset.s32 @!p0 $0xFFFFF086;
	s6 =	sadd.s32 @!p0 s3, s7;
	s7 =	simm.s32 @!p0 $0x108  }
0x21: {  	s3 =	sadd.s32 s3, s9;
	s6 =	sadd.s32 @!p0 $0x88, s6;
	s7 =	simm.s32 @p2 $0x1082  }
0x22: {  	[simem:s7], [sflag:s8] =	dma.local @!p0 [hbm:s6], $0xF7A  }
0x23: {  	s9 =	sor.u32 $0xD0000000, s2;
	s6 =	simm.s32 $0x108;
	_ =	swait.ge @!p0 [sflag:s8], $0x0  }
0x24: {  	s3 =	sadd.s32 $0x88, s3;
	s6 =	simm.s32 @!p1 $0x1082;
	[sflag:s4] =	ssyncset.s32 $0xFFFFF086  }
0x25: {  	[simem:s6], [sflag:s4] =	dma.local [hbm:s3], $0xF7A  }
0x26: {  	[smem:$0x3F9C] =	sst s1;
	(tag) =	ssettag s2;
	_ =	strace s9  }
0x27: {  	s1 =	sld [smem:$0x3FAC]  }
0x28: {  	s2 =	sld [smem:$0x3FAD]  }
0x29: {  	s4 =	sld [smem:$0x3FAF]  }
0x2a: {  	p0 =	seq.s32 s5, $0x0;
	s5 =	sld [smem:$0x3FB0]  }
0x2b: {  	s6 =	sld [smem:$0x3FB1]  }
0x2c: {  	s7 =	sld [smem:$0x3FB2]  }
0x2d: {  	s3 =	simm.s32 $0x108;
	s8 =	sld [smem:$0x3FB3]  }
0x2e: {  	s3 =	simm.s32 @!p0 $0x1082;
	s9 =	sld [smem:$0x3FB4]  }
0x2f: {  	lr =	sadd.s32 s0, s3;
	s0 =	sld [smem:$0x3FAB]  }
0x30: {  	s3 =	sld [smem:$0x3FAE]  }
0x31: {  	[smem:$0x3FB7] =	sst s10  }
0x32: {  	s10 =	sld [smem:$0x3FB5];
	_ =	sdelay $0x3  }
0x33: {  	p0 =	seq.s32 s10, $0x1;
	s10 =	sld [smem:$0x3FB7];
	_ =	sdelay $0x3  }
0x34: {  	[smem:$0x3FB7] =	sst s10  }
0x35: {  	s10 =	sld [smem:$0x3FB6];
	_ =	sdelay $0x3  }
0x36: {  	p1 =	seq.s32 s10, $0x1;
	s10 =	sld [smem:$0x3FB7];
	_ =	sdelay $0x3  }
0x37: {  	[smem:$0x3FB7] =	sst s10  }
0x38: {  	s10 =	sld [smem:$0x3FB8]  }
0x39: {  	_ = 	snop;
	(pc) =	sbr.ind lr, $3  }
0x3a: {  	_ = 	snop  }
0x3b: {  	_ = 	snop  }
0x3c: {  	p2 =	seq.s32 s10, $0x1;
	s10 =	sld [smem:$0x3FB7]  }
0x3d: {  	_ =	shalt  }
0x3e: {  	_ =	shalt  }
0x3f: {  	_ =	shalt  }
0x40: {  	_ =	shalt  }
0x41: {  	_ =	shalt  }
0x42: {  	_ =	shalt  }
0x43: {  	_ =	shalt  }
0x44: {  	_ =	shalt  }
0x45: {  	_ =	shalt  }
0x46: {  	_ =	shalt  }
0x47: {  	_ =	shalt  }
0x48: {  	_ =	shalt  }
0x49: {  	_ =	shalt  }
0x4a: {  	_ =	shalt  }
0x4b: {  	_ =	shalt  }
0x4c: {  	_ =	shalt  }
0x4d: {  	_ =	shalt  }
0x4e: {  	_ =	shalt  }
0x4f: {  	_ =	shalt  }
0x50: {  	_ =	shalt  }
0x51: {  	_ =	shalt  }
0x52: {  	_ =	shalt  }
0x53: {  	_ =	shalt  }
0x54: {  	_ =	shalt  }
0x55: {  	_ =	shalt  }
0x56: {  	_ =	shalt  }
0x57: {  	_ =	shalt  }
0x58: {  	_ =	shalt  }
0x59: {  	_ =	shalt  }
0x5a: {  	_ =	shalt  }
0x5b: {  	_ =	shalt  }
0x5c: {  	_ =	shalt  }
0x5d: {  	_ =	shalt  }
0x5e: {  	_ =	shalt  }
0x5f: {  	_ =	shalt  }
0x60: {  	_ =	shalt  }
0x61: {  	_ =	shalt  }
0x62: {  	_ =	shalt  }
0x63: {  	_ =	shalt  }
0x64: {  	_ =	shalt  }
0x65: {  	_ =	shalt  }
0x66: {  	_ =	shalt  }
0x67: {  	_ =	shalt  }
0x68: {  	_ =	shalt  }
0x69: {  	_ =	shalt  }
0x6a: {  	_ =	shalt  }
0x6b: {  	_ =	shalt  }
0x6c: {  	_ =	shalt  }
0x6d: {  	_ =	shalt  }
0x6e: {  	_ =	shalt  }
0x6f: {  	_ =	shalt  }
0x70: {  	_ =	shalt  }
0x71: {  	_ =	shalt  }
0x72: {  	_ =	shalt  }
0x73: {  	_ =	shalt  }
0x74: {  	_ =	shalt  }
0x75: {  	_ =	shalt  }
0x76: {  	_ =	shalt  }
0x77: {  	_ =	shalt  }
0x78: {  	_ =	shalt  }
0x79: {  	_ =	shalt  }
0x7a: {  	_ =	shalt  }
0x7b: {  	_ =	shalt  }
0x7c: {  	_ =	shalt  }
0x7d: {  	_ =	shalt  }
0x7e: {  	_ =	shalt  }
0x7f: {  	_ =	shalt  }
0x80: {  	_ =	shalt  }
0x81: {  	_ =	shalt  }
0x82: {  	_ =	shalt  }
0x83: {  	_ =	shalt  }
0x84: {  	_ =	shalt  }
0x85: {  	_ =	shalt  }
0x86: {  	_ =	shalt  }
0x87: {  	_ =	shalt  }
.Lfunc_end0:
.L_simem_size_0:
called_computation.1_lowered:
.L_overlay_start_0:
0x88: {  	s2 =	sld [smem:$0x3FD9]  }
0x89: {  	s3 =	sld [smem:$0x3FFE];
	_ =	sdelay $0x1  }
0x8a: {  	s1 =	srdreg.scid  }
0x8b: {  	s0 =	sand.u32 $0x1, s1  }
0x8c: {  	s17 =	sshll.u32 s0, $0xA;
	s2 =	sadd.s32 s3, s2  }
0x8d: {  	s2 =	sadd.s32 s2, s17  }
0x8e: {  	[smem:$0x3FC3] =	sst s2  }
0x8f: {  	_ = 	snop  }
0x90: {  	s4 =	sld [smem:$0x3FC9]  }
0x91: {  	s5 =	sld [smem:$0x3FC8]  }
0x92: {  	s18 =	sld [smem:$0x3FC5];
	(tm) =	ssettm $0x1  }
0x93: {  	s19 =	sld [smem:$0x3FFB];
	_ =	sdelay $0x3  }
0x94: {  	_ =	strace s19  }
0x95: {  	s2 =	sld [smem:$0x3FFC];
	_ =	sdelay $0x3  }
0x96: {  	_ =	strace s2  }
0x97: {  	s2 =	sld [smem:$0x3FFD];
	_ =	sdelay $0x3  }
0x98: {  	_ =	strace s2  }
0x99: {  	_ =	strace $0x8FFFFFFF  }
0x9a: {  	s20 =	sld [smem:$0x3FDB];
	_ =	sdelay $0x1  }
0x9b: {  	s6 =	simm.s32 $_scs_section_size  }
0x9c: {  	s7 =	simm.s32 $_size__tile_overlayer_lowered;
	s8 =	simm.s32 $_tile_overlayer_lowered  }
0x9d: {  	s9 =	simm.s32 $0x1BFF;
	s21 =	sshll.u32 s8, $0x1;
	s6 =	sadd.s32 s6, s20  }
0x9e: {  	s22 =	simm.s32 $0x0;
	s7 =	sshll.u32 s7, $0x1;
	s8 =	sadd.s32 s21, s6  }
0x9f: {  	[timem:s22], [sflag:s9] =	dma.local [hbm:s8], s7  }
0xa0: {  	_ =	swait.ge [sflag:s9], s7  }
0xa1: {  	s7 =	ssub.s32 $0x0, s7;
	[sflag:s9] =	ssyncset.done $0x0  }
0xa2: {  	[sflag:s9] =	ssyncadd.s32 s7;
	_ =	sdelay $0x1  }
0xa3: {  	s23 =	simm.s32 $0x1B8B  }
0xa4: {  	_ =	swait.ge [sflag:s23], $0x1  }
0xa5: {  	[sflag:s23] =	ssyncset.done $0x0  }
0xa6: {  	[sflag:s23] =	ssyncadd.s32 $0xFFFFFFFF  }
0xa7: {  	s7 =	sld [smem:$0x0]  }
0xa8: {  	s8 =	sand.u32 $0xFFFFFFFE, s1  }
0xa9: {  	p0 =	sne.s32 s1, s8  }
0xaa: {  	s8 =	sshll.u32 @p0 s8, $0xE  }
0xab: {  	s8 =	sadd.s32 @p0 $0x11B8D, s8;
	s9 =	sshll.u32 @p0 s7, $0x11  }
0xac: {  	s8 =	sor.u32 @p0 s9, s8  }
0xad: {  	[sflag:s8] =	ssyncadd.remote.s32 @p0 $0x1;
	_ =	sdelay $0x1  }
0xae: {  	s8 =	simm.s32 @p0 $0x1B8D  }
0xaf: {  	_ =	swait.eq @p0 [sflag:s8], $0x1  }
0xb0: {  	[sflag:s8] =	ssyncadd.s32 @p0 $0xFFFFFFFF  }
0xb1: {  	s9 =	sshll.u32 @!p0 s1, $0xE  }
0xb2: {  	s9 =	sor.u32 @!p0 $0x4000, s9;
	s8 =	simm.s32 @!p0 $0x1B8D  }
0xb3: {  	s7 =	sshll.u32 @!p0 s7, $0x11;
	s9 =	sadd.s32 @!p0 $0x11B8D, s9;
	_ =	swait.eq @!p0 [sflag:s8], $0x1  }
0xb4: {  	s7 =	sor.u32 @!p0 s7, s9;
	[sflag:s8] =	ssyncadd.s32 @!p0 $0xFFFFFFFF  }
0xb5: {  	s25 =	simm.s32 $0x1B8E;
	s24 =	sld [smem:$0x3FFE];
	[sflag:s7] =	ssyncadd.remote.s32 @!p0 $0x1  }
0xb6: {  	s26 =	simm.s32 $execute0_lowered;
	[smem:$0x3FD2] =	sst s25  }
0xb7: {  	s8 =	sshll.u32 s26, $0x1;
	_ =	strace $0x80000049;
	[dreg:$0x1] =	wrdreg $0xFFFFFFFF  }
0xb8: {  	s28 =	simm.s32 $_size_execute0_lowered;
	s6 =	sadd.s32 s6, s8;
	[dreg:$0x0] =	wrdreg $0x0  }
0xb9: {  	s8 =	sshll.u32 s28, $0x1;
	[dreg:$0x2] =	wrdreg s6  }
0xba: {  	[dreg:$0x3] =	wrdreg s8  }
0xbb: {  	[dreg:$0x4] =	wrdreg $0xC0  }
0xbc: {  	_ =	task [dreg:s22], $0x5FFFF  }
0xbd: {  	[dreg:$0x1] =	wrdreg $0xFFFFFFFF  }
0xbe: {  	[dreg:$0x0] =	wrdreg $0x60  }
0xbf: {  	[dreg:$0x2] =	wrdreg s4  }
0xc0: {  	[dreg:$0x3] =	wrdreg s5  }
0xc1: {  	[dreg:$0x4] =	wrdreg s24  }
0xc2: {  	[dreg:$0x5] =	wrdreg s18  }
0xc3: {  	[dreg:$0x6] =	wrdreg $0x167000  }
0xc4: {  	[dreg:$0x7] =	wrdreg $0xA  }
0xc5: {  	_ =	task.clear_ibuf [dreg:s22], $0x8FFFF;
	_ =	strace $0x90000049  }
0xc6: {  	s29 =	simm.s32 $0xA;
	_ =	strace $0x8000004B  }
0xc7: {  	_ =	swait.ge [sflag:s29], $0x1  }
0xc8: {  	[sflag:s29] =	ssyncadd.s32 $0xFFFFFFFF  }
0xc9: {  	_ =	strace $0x9000004B  }
0xca: {  	_ =	sfence  }
0xcb: {  	s30 =	sld [smem:$0x0];
	_ =	sdelay $0x2  }
0xcc: {  	s31 =	sshll.u32 s1, $0xD;
	s1 =	sshrl.u32 s1, $0x2  }
0xcd: {  	s4 =	sand.u32 $0x4000, s31;
	s1 =	sadd.s32 s1, s30  }
0xce: {  	s0 =	sor.u32 s4, s0;
	s1 =	sshll.u32 s1, $0x11  }
0xcf: {  	s0 =	sor.u32 s1, s0  }
0xd0: {  	s0 =	sadd.s32 $0x8F2B, s0  }
0xd1: {  	[sflag:s0] =	ssyncadd.remote.s32 $0x1  }
0xd2: {  	_ =	sfence.sel $0xFFFF  }
0xd3: {  	[dreg:$0x0] =	wrdreg $0xFFFFFFFF;
	(pc) =	sbr.abs _section_cstart, $3  }
0xd4: {  	[dreg:$0x1] =	wrdreg $0xFFFFFFFF  }
0xd5: {  	_ =	task.clear_ibuf [dreg:s22], $0x2FFFF;
	_ =	strace $0x9FFFFFFF  }
0xd6: {  	(tm) =	ssettm $0x7FFFFFFF  }
0xd7: {  	_ =	shalt  }
tec
execute0_lowered:
.L_overlay_start_1:
0x0: {  	(tag) =	ssettag $0x1  }
0x1: {  	s1 =	rddreg [dreg:$0x0]  }
0x2: {  	s0 =	rddreg [dreg:$0x1];
	s13 =	srdreg.scid  }
0x3: {  	s11 =	stileid.u32;
	s2 =	rddreg [dreg:$0x2]  }
0x4: {  	s4 =	rddreg [dreg:$0x4];
	s5 =	simm.s32 $0x0;
	s26 =	simm.s32 $0x70  }
0x5: {  	[dreg:$0x6] =	wrdreg s0;
	s0 =	sand.u32 $0x1, s13;
	s3 =	sshll.u32 s11, $0x1  }
0x6: {  	[smem:$0x7FF] =	sst s5;
	s24 =	smul.u32 $0x2760, s11;
	s3 =	sor.u32 s0, s3  }
0x7: {  	s9 =	ssub.s32 $0x2, s0;
	s19 =	sshll.u32 s0, $0xA;
	s0 =	smul.u32 $0x13B0, s0  }
0x8: {  	s14 =	sshll.u32 s11, $0x6;
	s18 =	sshll.u32 s11, $0xD;
	s6 =	smul.u32 $0x13B0, s3  }
0x9: {  	s20 =	sshll.u32 s11, $0x9;
	_ =	strace $0x8000004A;
	s8 =	smul.u32 $0x9D800, s3  }
0xa: {  	s12 =	sadd.s32 s20, s4;
	[dreg:$0x7] =	wrdreg s26;
	s3 =	smul.u32 $0x13B00, s3  }
0xb: {  	s10 =	sshrl.u32 s9, $0x1;
	s22 =	sadd.s32 $0x2000, s12;
	s23 =	sadd.s32 $0x4000, s12  }
0xc: {  	s25 =	sadd.s32 $0x8000, s12;
	s20 =	sadd.s32 $0xC000, s12;
	s26 =	sadd.s32 $0x16000, s12  }
0xd: {  	s28 =	sadd.s32 $0x18000, s12;
	s29 =	sadd.s32 $0x1A000, s12;
	[dreg:$0x10] =	wrdreg s22  }
0xe: {  	s30 =	sadd.s32 $0x1C000, s12;
	s31 =	sadd.s32 $0x1E000, s12;
	[dreg:$0x11] =	wrdreg s23  }
0xf: {  	s9 =	ssub.s32 s9, s10;
	[dreg:$0x13] =	wrdreg s25;
	s22 =	sadd.s32 $0x10000, s12  }
0x10: {  	s23 =	sadd.s32 s0, s24;
	s24 =	sadd.s32 $0x12000, s12;
	s25 =	sadd.s32 $0x14000, s12  }
0x11: {  	s0 =	simm.s32 $0x12700;
	s8 =	sshrl.u32 s8, $0x3;
	s3 =	sadd.s32 s1, s3  }
0x12: {  	s21 =	smax.u32 s9, $0x1;
	[dreg:$0x8] =	wrdreg s3;
	s15 =	sadd.s32 s1, s8  }
0x13: {  	s6 =	sshrl.u32 s6, $0x3;
	[dreg:$0xf] =	wrdreg s21;
	s8 =	sadd.s32 $0x700, s15  }
0x14: {  	s7 =	sadd.s32 s6, s2;
	s3 =	sadd.s32 $0xE00, s15;
	[dreg:$0x9] =	wrdreg s8  }
0x15: {  	s2 =	sadd.s32 s14, s2;
	s16 =	sadd.s32 $0x1600, s7;
	[dreg:$0xa] =	wrdreg s3  }
0x16: {  	s21 =	sadd.s32 $0xE000, s12;
	s17 =	sadd.s32 $0x15000, s7;
	[dreg:$0xb] =	wrdreg s16  }
0x17: {  	s2 =	sadd.s32 s19, s2;
	[dreg:$0xc] =	wrdreg s17;
	s3 =	sadd.s32 s18, s4  }
0x18: {  	s6 =	simm.s32 $0x0;
	s2 =	sadd.s32 $0x32600, s2;
	[dreg:$0xd] =	wrdreg s3  }
0x19: {  	s19 =	sadd.s32 $0xA000, s12;
	[dreg:$0xe] =	wrdreg s2;
	s3 =	sadd.s32 $0x6000, s12  }
0x1a: {  	v1 =	vimm.f32 $0.0e+00;
	v0 =	vmov s14;
	s2 =	simm.s32 $0x5;
	[dreg:$0x12] =	wrdreg s3;
	s3 =	simm.s32 $0x4  }
.LBB2_1:
0x1b: {  	s7 =	rddreg [dreg:$0x8];
	s8 =	simm.s32 $0x7F00  }
0x1c: {  	[tilespmem:s8], [sflag:$0x1] =	stream.linear.gather [hbm4b:s7+s5], $0x3800, $0x38;
	[tilespmem:$0x18700] =	vst v63  }
0x1d: {  	s9 =	rddreg [dreg:$0x9];
	s10 =	simm.s32 $0xB700  }
0x1e: {  	[tilespmem:s10], [sflag:$0x2] =	stream.linear.gather [hbm4b:s9+s5], $0x3800, $0x38;
	[tilespmem:$0x18700] =	vst v63  }
0x1f: {  	s11 =	rddreg [dreg:$0xa];
	s13 =	simm.s32 $0xEF00  }
0x20: {  	[tilespmem:s13], [sflag:$0x3] =	stream.linear.gather [hbm4b:s11+s5], $0x3800, $0x38;
	[tilespmem:$0x18700] =	vst v63  }
0x21: {  	s14 =	rddreg [dreg:$0x3]  }
0x22: {  	[tilespmem:s5], [sflag:$0x5] =	stream.linear.gather [hbm4b:s14+s5], $0x2780, $0x38;
	[tilespmem:$0x18700] =	vst v63  }
0x23: {  	_ =	swait.ge [sflag:s2], $0x2780  }
0x24: {  	[sflag:s2] =	ssyncset.done $0x0  }
0x25: {  	s16 =	simm.s32 $0x2780;
	s15 =	rddreg [dreg:$0xb];
	[sflag:s2] =	ssyncadd.s32 $0xFFFFD880  }
0x26: {  	[tilespmem:s16], [sflag:$0x5] =	stream.linear.gather [hbm4b:s15+s5], $0x13B0, $0x38;
	[tilespmem:$0x18700] =	vst v63  }
0x27: {  	_ =	swait.ge [sflag:s2], $0x13B0  }
0x28: {  	[sflag:s2] =	ssyncset.done $0x0  }
0x29: {  	s18 =	simm.s32 $0x3B30;
	s17 =	rddreg [dreg:$0xc];
	[sflag:s2] =	ssyncadd.s32 $0xFFFFEC50  }
0x2a: {  	[tilespmem:s18], [sflag:$0x5] =	stream.linear.gather [hbm4b:s17+s5], $0x13B0, $0x38;
	[tilespmem:$0x18700] =	vst v63  }
0x2b: {  	_ =	swait.ge [sflag:s2], $0x13B0  }
0x2c: {  	[sflag:s2] =	ssyncset.done $0x0  }
0x2d: {  	s7 =	simm.s32 $0x0;
	s8 =	simm.s32 $0x200;
	[sflag:s2] =	ssyncadd.s32 $0xFFFFEC50  }
.LBB2_2:
0x2e: {  	p0 =	sne.s32 s8, $0x7E00;
	[tilespmem:s7+$0x12770] =	vst v1  }
0x2f: {  	[tilespmem:s7+$0x12700] =	vst v1  }
0x30: {  	[tilespmem:s7+$0x12710] =	vst v1  }
.Ltmp0:
0x31: {  	[tilespmem:s7+$0x12720] =	vst v1;
	(pc) =	sbr.rel @p0 .LBB2_2-.Ltmp0, $4  }
0x32: {  	[tilespmem:s7+$0x12730] =	vst v1  }
0x33: {  	[tilespmem:s7+$0x12740] =	vst v1  }
0x34: {  	[tilespmem:s7+$0x12750] =	vst v1  }
0x35: {  	[tilespmem:s7+$0x12760] =	vst v1;
	s7 =	sshra.s32 s8, $0x2;
	s8 =	sadd.s32 $0x200, s8  }
0x36: {  	[tilespmem:s7+$0x12770] =	vst v1  }
0x37: {  	[tilespmem:s7+$0x12700] =	vst v1  }
0x38: {  	[tilespmem:s7+$0x12710] =	vst v1  }
0x39: {  	[tilespmem:s7+$0x12720] =	vst v1  }
0x3a: {  	[tilespmem:s7+$0x12730] =	vst v1  }
0x3b: {  	[tilespmem:s7+$0x12740] =	vst v1  }
0x3c: {  	[tilespmem:s7+$0x12750] =	vst v1  }
0x3d: {  	[tilespmem:s7+$0x12760] =	vst v1;
	s18 =	rddreg [dreg:$0xd]  }
0x3e: {  	[spmem:s18] =	stream.linear.scatter [tilespmem:s0], [sflag:$0x5], $0x2000, $0x38;
	[tilespmem:$0x18700] =	vst v63  }
0x3f: {  	_ =	swait.ge [sflag:s2], $0x2000  }
0x40: {  	[sflag:s2] =	ssyncset.done $0x0  }
0x41: {  	s7 =	simm.s32 $0x0;
	s8 =	simm.s32 $0x27B0;
	[sflag:s2] =	ssyncadd.s32 $0xFFFFE000  }
0x42: {  	s9 =	smov.u32 s23;
	s10 =	simm.s32 $0x0;
	[bflag:$0x0] =	sbarrier.arrive $0xFFFF  }
.LBB2_4:
0x43: {  	v2 =	vld [tilespmem:s8+$0xFFFFFFD0];
	_ =	sdelay $0x7  }
0x44: {  	v2 =	vld.idx.msk [tilespmem:v2+s5+$0x0], $0xffff;
	_ =	sdelay $0x4  }
0x45: {  	s11 =	sshra.s32 s7, $0x2;
	v2 =	vadd.s32 v0, v2  }
0x46: {  	[tilespmem:s11+$0x4F00] =	vst v2  }
0x47: {  	v2 =	vld [tilespmem:s8+$0xFFFFFFE0];
	_ =	sdelay $0x7  }
0x48: {  	v2 =	vld.idx.msk [tilespmem:v2+s5+$0x0], $0xffff;
	_ =	sdelay $0x4  }
0x49: {  	v2 =	vadd.s32 v0, v2  }
0x4a: {  	[tilespmem:s11+$0x4F10] =	vst v2  }
0x4b: {  	v2 =	vld [tilespmem:s8+$0xFFFFFFF0];
	_ =	sdelay $0x7  }
0x4c: {  	v2 =	vld.idx.msk [tilespmem:v2+s5+$0x0], $0xffff;
	_ =	sdelay $0x4  }
0x4d: {  	v2 =	vadd.s32 v0, v2  }
0x4e: {  	[tilespmem:s11+$0x4F20] =	vst v2  }
0x4f: {  	v2 =	vld [tilespmem:s8+$0x0];
	_ =	sdelay $0x7  }
0x50: {  	v2 =	vld.idx.msk [tilespmem:v2+s5+$0x0], $0xffff;
	_ =	sdelay $0x4  }
0x51: {  	v2 =	vadd.s32 v0, v2  }
0x52: {  	[tilespmem:s11+$0x4F30] =	vst v2  }
0x53: {  	v2 =	vld [tilespmem:s8+$0x10];
	_ =	sdelay $0x7  }
0x54: {  	v2 =	vld.idx.msk [tilespmem:v2+s5+$0x0], $0xffff;
	_ =	sdelay $0x4  }
0x55: {  	v2 =	vadd.s32 v0, v2  }
0x56: {  	[tilespmem:s11+$0x4F40] =	vst v2  }
0x57: {  	v2 =	vld [tilespmem:s8+$0x20];
	_ =	sdelay $0x7  }
0x58: {  	v2 =	vld.idx.msk [tilespmem:v2+s5+$0x0], $0xffff;
	_ =	sdelay $0x4  }
0x59: {  	v2 =	vadd.s32 v0, v2  }
0x5a: {  	[tilespmem:s11+$0x4F50] =	vst v2  }
0x5b: {  	v2 =	vld [tilespmem:s8+$0x30];
	_ =	sdelay $0x3  }
0x5c: {  	p1 =	seq.s32 s7, $0x0  }
0x5d: {  	p2 =	sgt.u32 @!p1 s10, $0x57  }
0x5e: {  	p0 =	por p2, p1  }
0x5f: {  	s15 =	smul.u32 $0xAB, s10;
	s13 =	sadd.s32 @!p0 $0xFFFFFFFF, s10  }
0x60: {  	s14 =	sand.u32 @!p0 $0xFF, s13;
	v2 =	vld.idx.msk [tilespmem:v2+s5+$0x0], $0xffff  }
0x61: {  	s15 =	sshrl.u32 s15, $0x9;
	s14 =	smul.u32 @!p0 $0xAB, s14  }
0x62: {  	s15 =	sand.u32 $0x7F, s15  }
0x63: {  	p3 =	slt.u32 @!p0 s10, $0x2B;
	s15 =	smul.u32 $0x3, s15;
	s14 =	sshrl.u32 @!p0 s14, $0x9  }
0x64: {  	s7 =	sadd.s32 $0x200, s7;
	p2 =	por @!p1 !p3, p2;
	s14 =	smul.u32 @!p0 $0x3, s14  }
0x65: {  	s16 =	simm.s32 @!p1 $0x4;
	s17 =	simm.s32 @!p0 $0xE0;
	p2 =	por !p2, p1;
	v2 =	vadd.s32 v0, v2  }
0x66: {  	s15 =	ssub.s32 s10, s15;
	s17 =	simm.s32 @!p2 $0xFFFFED30;
	s13 =	ssub.s32 @!p0 s13, s14;
	[tilespmem:s11+$0x4F60] =	vst v2  }
0x67: {  	s15 =	sand.u32 $0xFF, s15;
	s13 =	sand.u32 @!p0 $0xFF, s13;
	_ =	swait.ge @!p1 [sflag:s16], $0x3800  }
0x68: {  	s14 =	smul.u32 @!p0 $0xE000, s13;
	s13 =	sadd.s32 @!p0 $0x1, s13;
	[sflag:s16] =	ssyncset.done @!p1 $0x0  }
0x69: {  	s18 =	rddreg [dreg:$0x6];
	[sflag:s16] =	ssyncadd.s32 @!p1 $0xFFFFC800;
	s16 =	sadd.s32 @!p0 s9, s17  }
0x6a: {  	s14 =	sshrl.u32 @!p0 s14, $0x2;
	s18 =	smov.u32 @p2 s1;
	s16 =	sshll.u32 @!p0 s16, $0x4  }
0x6b: {  	s14 =	sadd.s32 @!p0 $0x7F00, s14;
	s17 =	simm.s32 @!p0 $0x0;
	s16 =	sadd.s32 @!p0 s18, s16  }
0x6c: {  	[tilespmem:s14], [sflag:s13] =	stream.linear.gather @!p0 [hbm4b:s16+s17], $0x3800, $0x38;
	[tilespmem:$0x18700] =	vst v63  }
0x6d: {  	s17 =	smul.u32 $0xE000, s15;
	p0 =	sne.s32 s7, $0xB400  }
.Ltmp1:
0x6e: {  	s10 =	sadd.s32 $0x1, s10;
	s16 =	sadd.s32 $0x1, s15;
	(pc) =	sbr.rel @p0 .LBB2_4-.Ltmp1, $4  }
0x6f: {  	s8 =	sadd.s32 $0x70, s8;
	s11 =	sadd.s32 $0x4F00, s11;
	_ =	swait.ge [sflag:s16], $0x3800  }
0x70: {  	s9 =	sadd.s32 $0x70, s9;
	s14 =	sshrl.u32 s17, $0x2;
	[sflag:s16] =	ssyncset.done $0x0  }
0x71: {  	s18 =	rddreg [dreg:$0x7];
	s14 =	sadd.s32 $0x7F00, s14;
	[sflag:s16] =	ssyncadd.s32 $0xFFFFC800  }
0x72: {  	[spmem:s4] =	stream.indirect.scatter.add.f32 [tilespmem:s14], [sflag:$0x4], $0x80, s11, s18, $0xb8;
	[tilespmem:$0x18700] =	vst v63  }
0x73: {  	_ =	swait.ge [sflag:s3], $0x3800  }
0x74: {  	[sflag:s3] =	ssyncset.done $0x0  }
0x75: {  	[sflag:s3] =	ssyncadd.s32 $0xFFFFC800  }
0x76: {  	s7 =	simm.s32 $0x14700;
	[bflag:$0x0] =	sbarrier.arrive $0xFFFF  }
0x77: {  	[tilespmem:s7], [sflag:$0x5] =	stream.linear.gather [spmem:s12], $0x200, $0x38;
	[tilespmem:$0x18700] =	vst v63  }
0x78: {  	_ =	swait.ge [sflag:s2], $0x200  }
0x79: {  	[sflag:s2] =	ssyncset.done $0x0  }
0x7a: {  	s8 =	simm.s32 $0x14900;
	s10 =	rddreg [dreg:$0x10];
	[sflag:s2] =	ssyncadd.s32 $0xFFFFFE00  }
0x7b: {  	[tilespmem:s8], [sflag:$0x5] =	stream.linear.gather [spmem:s10], $0x200, $0x38;
	[tilespmem:$0x18700] =	vst v63  }
0x7c: {  	_ =	swait.ge [sflag:s2], $0x200  }
0x7d: {  	[sflag:s2] =	ssyncset.done $0x0  }
0x7e: {  	s13 =	simm.s32 $0x14B00;
	s11 =	rddreg [dreg:$0x11];
	[sflag:s2] =	ssyncadd.s32 $0xFFFFFE00  }
0x7f: {  	[tilespmem:s13], [sflag:$0x5] =	stream.linear.gather [spmem:s11], $0x200, $0x38;
	[tilespmem:$0x18700] =	vst v63  }
0x80: {  	_ =	swait.ge [sflag:s2], $0x200  }
0x81: {  	[sflag:s2] =	ssyncset.done $0x0  }
0x82: {  	s15 =	simm.s32 $0x14D00;
	s14 =	rddreg [dreg:$0x12];
	[sflag:s2] =	ssyncadd.s32 $0xFFFFFE00  }
0x83: {  	[tilespmem:s15], [sflag:$0x5] =	stream.linear.gather [spmem:s14], $0x200, $0x38;
	[tilespmem:$0x18700] =	vst v63  }
0x84: {  	_ =	swait.ge [sflag:s2], $0x200  }
0x85: {  	[sflag:s2] =	ssyncset.done $0x0  }
0x86: {  	s17 =	simm.s32 $0x14F00;
	s16 =	rddreg [dreg:$0x13];
	[sflag:s2] =	ssyncadd.s32 $0xFFFFFE00  }
0x87: {  	[tilespmem:s17], [sflag:$0x5] =	stream.linear.gather [spmem:s16], $0x200, $0x38;
	[tilespmem:$0x18700] =	vst v63  }
0x88: {  	_ =	swait.ge [sflag:s2], $0x200  }
0x89: {  	[sflag:s2] =	ssyncset.done $0x0  }
0x8a: {  	s18 =	simm.s32 $0x15100;
	[sflag:s2] =	ssyncadd.s32 $0xFFFFFE00  }
0x8b: {  	[tilespmem:s18], [sflag:$0x5] =	stream.linear.gather [spmem:s19], $0x200, $0x38;
	[tilespmem:$0x18700] =	vst v63  }
0x8c: {  	_ =	swait.ge [sflag:s2], $0x200  }
0x8d: {  	[sflag:s2] =	ssyncset.done $0x0  }
0x8e: {  	s8 =	simm.s32 $0x15300;
	[sflag:s2] =	ssyncadd.s32 $0xFFFFFE00  }
0x8f: {  	[tilespmem:s8], [sflag:$0x5] =	stream.linear.gather [spmem:s20], $0x200, $0x38;
	[tilespmem:$0x18700] =	vst v63  }
0x90: {  	_ =	swait.ge [sflag:s2], $0x200  }
0x91: {  	[sflag:s2] =	ssyncset.done $0x0  }
0x92: {  	s9 =	simm.s32 $0x15500;
	[sflag:s2] =	ssyncadd.s32 $0xFFFFFE00  }
0x93: {  	[tilespmem:s9], [sflag:$0x5] =	stream.linear.gather [spmem:s21], $0x200, $0x38;
	[tilespmem:$0x18700] =	vst v63  }
0x94: {  	_ =	swait.ge [sflag:s2], $0x200  }
0x95: {  	[sflag:s2] =	ssyncset.done $0x0  }
0x96: {  	s10 =	simm.s32 $0x15700;
	[sflag:s2] =	ssyncadd.s32 $0xFFFFFE00  }
0x97: {  	[tilespmem:s10], [sflag:$0x5] =	stream.linear.gather [spmem:s22], $0x200, $0x38;
	[tilespmem:$0x18700] =	vst v63  }
0x98: {  	_ =	swait.ge [sflag:s2], $0x200  }
0x99: {  	[sflag:s2] =	ssyncset.done $0x0  }
0x9a: {  	s11 =	simm.s32 $0x15900;
	[sflag:s2] =	ssyncadd.s32 $0xFFFFFE00  }
0x9b: {  	[tilespmem:s11], [sflag:$0x5] =	stream.linear.gather [spmem:s24], $0x200, $0x38;
	[tilespmem:$0x18700] =	vst v63  }
0x9c: {  	_ =	swait.ge [sflag:s2], $0x200  }
0x9d: {  	[sflag:s2] =	ssyncset.done $0x0  }
0x9e: {  	s13 =	simm.s32 $0x15B00;
	[sflag:s2] =	ssyncadd.s32 $0xFFFFFE00  }
0x9f: {  	[tilespmem:s13], [sflag:$0x5] =	stream.linear.gather [spmem:s25], $0x200, $0x38;
	[tilespmem:$0x18700] =	vst v63  }
0xa0: {  	_ =	swait.ge [sflag:s2], $0x200  }
0xa1: {  	[sflag:s2] =	ssyncset.done $0x0  }
0xa2: {  	s14 =	simm.s32 $0x15D00;
	[sflag:s2] =	ssyncadd.s32 $0xFFFFFE00  }
0xa3: {  	[tilespmem:s14], [sflag:$0x5] =	stream.linear.gather [spmem:s26], $0x200, $0x38;
	[tilespmem:$0x18700] =	vst v63  }
0xa4: {  	_ =	swait.ge [sflag:s2], $0x200  }
0xa5: {  	[sflag:s2] =	ssyncset.done $0x0  }
0xa6: {  	s15 =	simm.s32 $0x15F00;
	[sflag:s2] =	ssyncadd.s32 $0xFFFFFE00  }
0xa7: {  	[tilespmem:s15], [sflag:$0x5] =	stream.linear.gather [spmem:s28], $0x200, $0x38;
	[tilespmem:$0x18700] =	vst v63  }
0xa8: {  	_ =	swait.ge [sflag:s2], $0x200  }
0xa9: {  	[sflag:s2] =	ssyncset.done $0x0  }
0xaa: {  	s16 =	simm.s32 $0x16100;
	[sflag:s2] =	ssyncadd.s32 $0xFFFFFE00  }
0xab: {  	[tilespmem:s16], [sflag:$0x5] =	stream.linear.gather [spmem:s29], $0x200, $0x38;
	[tilespmem:$0x18700] =	vst v63  }
0xac: {  	_ =	swait.ge [sflag:s2], $0x200  }
0xad: {  	[sflag:s2] =	ssyncset.done $0x0  }
0xae: {  	s17 =	simm.s32 $0x16300;
	[sflag:s2] =	ssyncadd.s32 $0xFFFFFE00  }
0xaf: {  	[tilespmem:s17], [sflag:$0x5] =	stream.linear.gather [spmem:s30], $0x200, $0x38;
	[tilespmem:$0x18700] =	vst v63  }
0xb0: {  	_ =	swait.ge [sflag:s2], $0x200  }
0xb1: {  	[sflag:s2] =	ssyncset.done $0x0  }
0xb2: {  	s18 =	simm.s32 $0x16500;
	[sflag:s2] =	ssyncadd.s32 $0xFFFFFE00  }
0xb3: {  	[tilespmem:s18], [sflag:$0x5] =	stream.linear.gather [spmem:s31], $0x200, $0x38;
	[tilespmem:$0x18700] =	vst v63  }
0xb4: {  	_ =	swait.ge [sflag:s2], $0x200  }
0xb5: {  	[sflag:s2] =	ssyncset.done $0x0  }
0xb6: {  	s7 =	simm.s32 $0x0;
	[sflag:s2] =	ssyncadd.s32 $0xFFFFFE00  }
0xb7: {  	v2 =	vld [tilespmem:s7+$0x14770]  }
0xb8: {  	v3 =	vld [tilespmem:s7+$0x14970]  }
0xb9: {  	v4 =	vld [tilespmem:s7+$0x14700]  }
0xba: {  	v5 =	vld [tilespmem:s7+$0x14B70]  }
0xbb: {  	v6 =	vld [tilespmem:s7+$0x14900]  }
0xbc: {  	v7 =	vld [tilespmem:s7+$0x14D70]  }
0xbd: {  	v8 =	vld [tilespmem:s7+$0x14710]  }
0xbe: {  	v11 =	vld [tilespmem:s7+$0x14920]  }
0xbf: {  	v12 =	vld [tilespmem:s7+$0x14730]  }
0xc0: {  	v13 =	vld [tilespmem:s7+$0x14930]  }
0xc1: {  	v14 =	vld [tilespmem:s7+$0x14740]  }
0xc2: {  	v15 =	vld [tilespmem:s7+$0x14940]  }
0xc3: {  	v16 =	vld [tilespmem:s7+$0x14750]  }
0xc4: {  	v17 =	vld [tilespmem:s7+$0x14950]  }
0xc5: {  	v18 =	vld [tilespmem:s7+$0x14760]  }
0xc6: {  	v19 =	vld [tilespmem:s7+$0x14960]  }
0xc7: {  	v20 =	vld [tilespmem:s7+$0x14B00]  }
0xc8: {  	v21 =	vld [tilespmem:s7+$0x14B20]  }
0xc9: {  	v22 =	vld [tilespmem:s7+$0x14B40]  }
0xca: {  	v23 =	vld [tilespmem:s7+$0x14B60]  }
0xcb: {  	v24 =	vld [tilespmem:s7+$0x14D10]  }
0xcc: {  	v25 =	vld [tilespmem:s7+$0x14D20]  }
0xcd: {  	v26 =	vld [tilespmem:s7+$0x14D30]  }
0xce: {  	v27 =	vld [tilespmem:s7+$0x14D40]  }
0xcf: {  	v28 =	vld [tilespmem:s7+$0x14D50]  }
0xd0: {  	v29 =	vld [tilespmem:s7+$0x14D60]  }
0xd1: {  	v30 =	vld [tilespmem:s7+$0x14F00]  }
0xd2: {  	v31 =	vld [tilespmem:s7+$0x14F10]  }
0xd3: {  	v32 =	vld [tilespmem:s7+$0x14F20]  }
0xd4: {  	v33 =	vld [tilespmem:s7+$0x14F30]  }
0xd5: {  	v34 =	vld [tilespmem:s7+$0x14F40]  }
0xd6: {  	v35 =	vld [tilespmem:s7+$0x14F50]  }
0xd7: {  	v36 =	vld [tilespmem:s7+$0x14F60]  }
0xd8: {  	v37 =	vld [tilespmem:s7+$0x15100]  }
0xd9: {  	v38 =	vld [tilespmem:s7+$0x15110]  }
0xda: {  	v39 =	vld [tilespmem:s7+$0x15120]  }
0xdb: {  	v40 =	vld [tilespmem:s7+$0x15130]  }
0xdc: {  	v41 =	vld [tilespmem:s7+$0x15140]  }
0xdd: {  	v42 =	vld [tilespmem:s7+$0x15150]  }
0xde: {  	v43 =	vld [tilespmem:s7+$0x15160]  }
0xdf: {  	v44 =	vld [tilespmem:s7+$0x15300]  }
0xe0: {  	v45 =	vld [tilespmem:s7+$0x15310]  }
0xe1: {  	v46 =	vld [tilespmem:s7+$0x15320]  }
0xe2: {  	v47 =	vld [tilespmem:s7+$0x15330]  }
0xe3: {  	v48 =	vld [tilespmem:s7+$0x15340]  }
0xe4: {  	v49 =	vld [tilespmem:s7+$0x15350]  }
0xe5: {  	v50 =	vld [tilespmem:s7+$0x15360]  }
0xe6: {  	v51 =	vld [tilespmem:s7+$0x15500]  }
0xe7: {  	v52 =	vld [tilespmem:s7+$0x15510]  }
0xe8: {  	v53 =	vld [tilespmem:s7+$0x15520]  }
0xe9: {  	v54 =	vld [tilespmem:s7+$0x15530]  }
0xea: {  	v55 =	vld [tilespmem:s7+$0x15540]  }
0xeb: {  	v56 =	vld [tilespmem:s7+$0x15550]  }
0xec: {  	v57 =	vld [tilespmem:s7+$0x15560]  }
0xed: {  	v58 =	vld [tilespmem:s7+$0x15700]  }
0xee: {  	v59 =	vld [tilespmem:s7+$0x15710]  }
0xef: {  	v60 =	vld [tilespmem:s7+$0x15720]  }
0xf0: {  	v61 =	vld [tilespmem:s7+$0x15730]  }
0xf1: {  	v62 =	vld [tilespmem:s7+$0x15740]  }
0xf2: {  	v63 =	vld [tilespmem:s7+$0x15750]  }
0xf3: {  	v2 =	vadd.f32 v3, v2;
	v3 =	vld [tilespmem:s7+$0x14F70]  }
0xf4: {  	[tilespmem:$0x1FFD0] =	vst v8;
	v8 =	vld [tilespmem:s7+$0x14910]  }
0xf5: {  	v6 =	vadd.f32 v6, v4;
	v4 =	vld [tilespmem:s7+$0x15900]  }
0xf6: {  	v12 =	vadd.f32 v13, v12;
	v13 =	vadd.f32 v15, v14;
	v14 =	vld [tilespmem:s7+$0x15920]  }
0xf7: {  	v15 =	vadd.f32 v17, v16;
	v17 =	vld [tilespmem:s7+$0x15930]  }
0xf8: {  	v16 =	vadd.f32 v19, v18;
	v18 =	vld [tilespmem:s7+$0x15B10]  }
0xf9: {  	v19 =	vld [tilespmem:s7+$0x15B20]  }
0xfa: {  	v9 =	vld [tilespmem:$0x1FFD0];
	v2 =	vadd.f32 v5, v2  }
0xfb: {  	v5 =	vld [tilespmem:s7+$0x15170]  }
0xfc: {  	v2 =	vadd.f32 v7, v2;
	v7 =	vld [tilespmem:s7+$0x15370]  }
0xfd: {  	[tilespmem:$0x1FFE0] =	vst v8;
	v8 =	vld [tilespmem:s7+$0x14720]  }
0xfe: {  	v2 =	vadd.f32 v3, v2;
	v10 =	vld [tilespmem:$0x1FFE0]  }
0xff: {  	v3 =	vld [tilespmem:s7+$0x15570]  }
0x100: {  	v6 =	vadd.f32 v20, v6;
	v20 =	vld [tilespmem:s7+$0x15B30];
	v2 =	vadd.f32 v5, v2  }
0x101: {  	v13 =	vadd.f32 v22, v13;
	v5 =	vld [tilespmem:s7+$0x15770]  }
0x102: {  	v16 =	vadd.f32 v23, v16;
	[tilespmem:$0x1FFF0] =	vst v8;
	v2 =	vadd.f32 v7, v2;
	v7 =	vld [tilespmem:s7+$0x15970]  }
0x103: {  	v13 =	vadd.f32 v27, v13;
	v9 =	vadd.f32 v10, v9;
	v10 =	vld [tilespmem:$0x1FFF0]  }
0x104: {  	v22 =	vld [tilespmem:s7+$0x15B50];
	v2 =	vadd.f32 v3, v2  }
0x105: {  	v16 =	vadd.f32 v29, v16;
	v13 =	vadd.f32 v34, v13;
	v3 =	vld [tilespmem:s7+$0x15B70]  }
0x106: {  	v23 =	vld [tilespmem:s7+$0x15B60];
	v2 =	vadd.f32 v5, v2  }
0x107: {  	v16 =	vadd.f32 v36, v16;
	v13 =	vadd.f32 v41, v13;
	v5 =	vld [tilespmem:s7+$0x15D70]  }
0x108: {  	v41 =	vld [tilespmem:s7+$0x15D20];
	v2 =	vadd.f32 v7, v2;
	v10 =	vadd.f32 v11, v10  }
0x109: {  	v16 =	vadd.f32 v43, v16;
	v7 =	vld [tilespmem:s7+$0x15F70]  }
0x10a: {  	v43 =	vld [tilespmem:s7+$0x15D30];
	v2 =	vadd.f32 v3, v2;
	v10 =	vadd.f32 v21, v10  }
0x10b: {  	v3 =	vld [tilespmem:s7+$0x16170]  }
0x10c: {  	v8 =	vld [tilespmem:s7+$0x15760];
	v2 =	vadd.f32 v5, v2;
	v10 =	vadd.f32 v25, v10  }
0x10d: {  	v13 =	vadd.f32 v48, v13;
	v5 =	vld [tilespmem:s7+$0x16370]  }
0x10e: {  	v48 =	vld [tilespmem:s7+$0x15F10];
	v2 =	vadd.f32 v7, v2;
	v10 =	vadd.f32 v32, v10  }
0x10f: {  	v7 =	vld [tilespmem:s7+$0x16570]  }
0x110: {  	v2 =	vadd.f32 v3, v2;
	v3 =	vld [tilespmem:s7+$0x14B10];
	v10 =	vadd.f32 v39, v10  }
0x111: {  	v16 =	vadd.f32 v50, v16;
	v50 =	vld [tilespmem:s7+$0x15F30]  }
0x112: {  	v2 =	vadd.f32 v5, v2;
	v5 =	vld [tilespmem:s7+$0x14B30];
	v10 =	vadd.f32 v46, v10  }
0x113: {  	v13 =	vadd.f32 v55, v13;
	v55 =	vld [tilespmem:s7+$0x16310]  }
0x114: {  	v2 =	vadd.f32 v7, v2;
	v7 =	vld [tilespmem:s7+$0x14B50];
	v10 =	vadd.f32 v53, v10  }
0x115: {  	v16 =	vadd.f32 v57, v16;
	v3 =	vadd.f32 v3, v9;
	v9 =	vld [tilespmem:s7+$0x15940]  }
0x116: {  	v13 =	vadd.f32 v62, v13;
	[tilespmem:s7+$0x12770] =	vst v2;
	v2 =	vld [tilespmem:s7+$0x14D00];
	v10 =	vadd.f32 v60, v10  }
0x117: {  	v57 =	vld [tilespmem:s7+$0x16330];
	v8 =	vadd.f32 v8, v16;
	v5 =	vadd.f32 v5, v12  }
0x118: {  	v21 =	vld [tilespmem:s7+$0x15B40];
	v3 =	vadd.f32 v24, v3;
	v10 =	vadd.f32 v14, v10  }
0x119: {  	v11 =	vld [tilespmem:s7+$0x15910];
	v7 =	vadd.f32 v7, v15;
	v5 =	vadd.f32 v26, v5  }
0x11a: {  	v25 =	vld [tilespmem:s7+$0x15D10];
	v3 =	vadd.f32 v31, v3;
	v9 =	vadd.f32 v9, v13  }
0x11b: {  	v15 =	vld [tilespmem:s7+$0x15960];
	v10 =	vadd.f32 v19, v10;
	v2 =	vadd.f32 v2, v6  }
0x11c: {  	v46 =	vld [tilespmem:s7+$0x15D60];
	v7 =	vadd.f32 v28, v7;
	v5 =	vadd.f32 v33, v5  }
0x11d: {  	v53 =	vld [tilespmem:s7+$0x15F60];
	v3 =	vadd.f32 v38, v3;
	v9 =	vadd.f32 v21, v9  }
0x11e: {  	v60 =	vld [tilespmem:s7+$0x16360];
	v10 =	vadd.f32 v41, v10;
	v2 =	vadd.f32 v30, v2  }
0x11f: {  	v12 =	vld [tilespmem:s7+$0x15950];
	v7 =	vadd.f32 v35, v7;
	v5 =	vadd.f32 v40, v5  }
0x120: {  	v24 =	vld [tilespmem:s7+$0x15D00];
	v3 =	vadd.f32 v45, v3;
	v8 =	vadd.f32 v15, v8  }
0x121: {  	v14 =	vld [tilespmem:s7+$0x16150];
	v2 =	vadd.f32 v37, v2;
	v7 =	vadd.f32 v42, v7  }
0x122: {  	v13 =	vld [tilespmem:s7+$0x16120];
	v5 =	vadd.f32 v47, v5;
	v3 =	vadd.f32 v52, v3  }
0x123: {  	v6 =	vld [tilespmem:s7+$0x15B00];
	v8 =	vadd.f32 v23, v8;
	v2 =	vadd.f32 v44, v2  }
0x124: {  	v45 =	vld [tilespmem:s7+$0x15D50];
	v7 =	vadd.f32 v49, v7;
	v5 =	vadd.f32 v54, v5  }
0x125: {  	v44 =	vld [tilespmem:s7+$0x15D40];
	v3 =	vadd.f32 v59, v3;
	v8 =	vadd.f32 v46, v8  }
0x126: {  	v49 =	vld [tilespmem:s7+$0x15F20];
	v2 =	vadd.f32 v51, v2;
	v7 =	vadd.f32 v56, v7  }
0x127: {  	v15 =	vld [tilespmem:s7+$0x16160];
	v5 =	vadd.f32 v61, v5;
	v3 =	vadd.f32 v11, v3  }
0x128: {  	v47 =	vld [tilespmem:s7+$0x15F00];
	v8 =	vadd.f32 v53, v8;
	v2 =	vadd.f32 v58, v2  }
0x129: {  	v51 =	vld [tilespmem:s7+$0x15F40];
	v7 =	vadd.f32 v63, v7;
	v5 =	vadd.f32 v17, v5  }
0x12a: {  	v52 =	vld [tilespmem:s7+$0x15F50];
	v3 =	vadd.f32 v18, v3;
	v9 =	vadd.f32 v44, v9  }
0x12b: {  	v54 =	vld [tilespmem:s7+$0x16300];
	v10 =	vadd.f32 v49, v10;
	v2 =	vadd.f32 v4, v2  }
0x12c: {  	v11 =	vld [tilespmem:s7+$0x16110];
	v7 =	vadd.f32 v12, v7;
	v5 =	vadd.f32 v20, v5  }
0x12d: {  	v4 =	vld [tilespmem:s7+$0x16100];
	v3 =	vadd.f32 v25, v3;
	v2 =	vadd.f32 v6, v2  }
0x12e: {  	v12 =	vld [tilespmem:s7+$0x16130];
	v9 =	vadd.f32 v51, v9;
	v7 =	vadd.f32 v22, v7  }
0x12f: {  	v6 =	vld [tilespmem:s7+$0x16140];
	v5 =	vadd.f32 v43, v5;
	v2 =	vadd.f32 v24, v2  }
0x130: {  	v59 =	vld [tilespmem:s7+$0x16350];
	v3 =	vadd.f32 v48, v3;
	v7 =	vadd.f32 v45, v7  }
0x131: {  	v56 =	vld [tilespmem:s7+$0x16320];
	v5 =	vadd.f32 v50, v5;
	v2 =	vadd.f32 v47, v2  }
0x132: {  	v61 =	vld [tilespmem:s7+$0x16500];
	v3 =	vadd.f32 v11, v3;
	v7 =	vadd.f32 v52, v7  }
0x133: {  	v58 =	vld [tilespmem:s7+$0x16340];
	v5 =	vadd.f32 v12, v5;
	v2 =	vadd.f32 v4, v2  }
0x134: {  	v11 =	vld [tilespmem:s7+$0x16510];
	v4 =	vadd.f32 v13, v10;
	v10 =	vadd.f32 v6, v9  }
0x135: {  	v12 =	vld [tilespmem:s7+$0x16520];
	v13 =	vadd.f32 v14, v7;
	v14 =	vadd.f32 v15, v8  }
0x136: {  	v9 =	vld [tilespmem:s7+$0x16530];
	v15 =	vadd.f32 v55, v3;
	v2 =	vadd.f32 v54, v2  }
0x137: {  	v6 =	vld [tilespmem:s7+$0x16540];
	v8 =	vadd.f32 v57, v5;
	v62 =	vadd.f32 v56, v4  }
0x138: {  	v7 =	vld [tilespmem:s7+$0x16550];
	v4 =	vadd.f32 v58, v10;
	v63 =	vadd.f32 v61, v2  }
0x139: {  	s9 =	simm.s32 $0x80;
	v10 =	vld [tilespmem:s7+$0x16560];
	v5 =	vadd.f32 v59, v13;
	v11 =	vadd.f32 v11, v15  }
0x13a: {  	s8 =	simm.s32 $0x400;
	v3 =	vld [tilespmem:s9+$0x14770];
	v2 =	vadd.f32 v60, v14;
	v12 =	vadd.f32 v12, v62;
	[tilespmem:s7+$0x12700] =	vst v63  }
.LBB2_6:
0x13b: {  	p0 =	sne.s32 s8, $0x600;
	v13 =	vld [tilespmem:s9+$0x14970];
	[tilespmem:s7+$0x12710] =	vst v11;
	v8 =	vadd.f32 v9, v8  }
0x13c: {  	v9 =	vld [tilespmem:s9+$0x14700];
	[tilespmem:s7+$0x12720] =	vst v12;
	v4 =	vadd.f32 v6, v4  }
0x13d: {  	v6 =	vld [tilespmem:s9+$0x14B70];
	[tilespmem:s7+$0x12730] =	vst v8;
	v5 =	vadd.f32 v7, v5  }
0x13e: {  	v7 =	vld [tilespmem:s9+$0x14900];
	[tilespmem:s7+$0x12740] =	vst v4;
	v2 =	vadd.f32 v10, v2  }
0x13f: {  	v4 =	vld [tilespmem:s9+$0x14D70];
	[tilespmem:s7+$0x12750] =	vst v5  }
0x140: {  	v5 =	vld [tilespmem:s9+$0x14710];
	v3 =	vadd.f32 v13, v3;
	[tilespmem:s7+$0x12760] =	vst v2;
	s7 =	smov.u32 s9  }
0x141: {  	v2 =	vld [tilespmem:s7+$0x14F70]  }
0x142: {  	v8 =	vld [tilespmem:s7+$0x14910];
	v3 =	vadd.f32 v6, v3  }
0x143: {  	v6 =	vadd.f32 v7, v9;
	v7 =	vld [tilespmem:s7+$0x15170]  }
0x144: {  	v9 =	vld [tilespmem:s7+$0x14720];
	v3 =	vadd.f32 v4, v3  }
0x145: {  	v4 =	vld [tilespmem:s7+$0x15370]  }
0x146: {  	v10 =	vld [tilespmem:s7+$0x14920];
	v2 =	vadd.f32 v2, v3  }
0x147: {  	v3 =	vadd.f32 v8, v5;
	v5 =	vld [tilespmem:s7+$0x15570]  }
0x148: {  	v8 =	vld [tilespmem:s7+$0x14730];
	v2 =	vadd.f32 v7, v2  }
0x149: {  	v7 =	vld [tilespmem:s7+$0x15770]  }
0x14a: {  	v11 =	vld [tilespmem:s7+$0x14930];
	v2 =	vadd.f32 v4, v2  }
0x14b: {  	v4 =	vadd.f32 v10, v9;
	v9 =	vld [tilespmem:s7+$0x15970]  }
0x14c: {  	v10 =	vld [tilespmem:s7+$0x14740];
	v2 =	vadd.f32 v5, v2  }
0x14d: {  	v5 =	vld [tilespmem:s7+$0x15B70]  }
0x14e: {  	v12 =	vld [tilespmem:s7+$0x14940];
	v2 =	vadd.f32 v7, v2  }
0x14f: {  	v7 =	vadd.f32 v11, v8;
	v8 =	vld [tilespmem:s7+$0x15D70]  }
0x150: {  	v11 =	vld [tilespmem:s7+$0x14750];
	v2 =	vadd.f32 v9, v2  }
0x151: {  	v9 =	vld [tilespmem:s7+$0x15F70]  }
0x152: {  	v13 =	vld [tilespmem:s7+$0x14950];
	v2 =	vadd.f32 v5, v2  }
0x153: {  	v5 =	vadd.f32 v12, v10;
	v10 =	vld [tilespmem:s7+$0x16170]  }
0x154: {  	v12 =	vld [tilespmem:s7+$0x14760];
	v2 =	vadd.f32 v8, v2  }
0x155: {  	v8 =	vld [tilespmem:s7+$0x16370]  }
0x156: {  	v14 =	vld [tilespmem:s7+$0x14960];
	v2 =	vadd.f32 v9, v2  }
0x157: {  	v9 =	vadd.f32 v13, v11;
	v11 =	vld [tilespmem:s7+$0x16570]  }
0x158: {  	v13 =	vld [tilespmem:s7+$0x14B00];
	v2 =	vadd.f32 v10, v2  }
0x159: {  	v10 =	vld [tilespmem:s7+$0x14B10]  }
0x15a: {  	v15 =	vld [tilespmem:s7+$0x14B20];
	v2 =	vadd.f32 v8, v2  }
0x15b: {  	v8 =	vld [tilespmem:s7+$0x14B30];
	v12 =	vadd.f32 v14, v12  }
0x15c: {  	v14 =	vld [tilespmem:s7+$0x14B40];
	v2 =	vadd.f32 v11, v2  }
0x15d: {  	v6 =	vadd.f32 v13, v6;
	v11 =	vld [tilespmem:s7+$0x14B50]  }
0x15e: {  	v3 =	vadd.f32 v10, v3;
	v10 =	vld [tilespmem:s7+$0x14B60];
	[tilespmem:s7+$0x12770] =	vst v2  }
0x15f: {  	v2 =	vld [tilespmem:s7+$0x14D00];
	v4 =	vadd.f32 v15, v4  }
0x160: {  	v13 =	vld [tilespmem:s7+$0x14D10];
	v7 =	vadd.f32 v8, v7  }
0x161: {  	v8 =	vld [tilespmem:s7+$0x14D20];
	v5 =	vadd.f32 v14, v5  }
0x162: {  	v14 =	vld [tilespmem:s7+$0x14D30];
	v9 =	vadd.f32 v11, v9  }
0x163: {  	v11 =	vld [tilespmem:s7+$0x14D40];
	v10 =	vadd.f32 v10, v12  }
0x164: {  	v2 =	vadd.f32 v2, v6;
	v6 =	vld [tilespmem:s7+$0x14D50]  }
0x165: {  	v3 =	vadd.f32 v13, v3;
	v12 =	vld [tilespmem:s7+$0x14D60]  }
0x166: {  	v13 =	vld [tilespmem:s7+$0x14F00];
	v4 =	vadd.f32 v8, v4  }
0x167: {  	v8 =	vld [tilespmem:s7+$0x14F10];
	v7 =	vadd.f32 v14, v7  }
0x168: {  	v14 =	vld [tilespmem:s7+$0x14F20];
	v5 =	vadd.f32 v11, v5  }
0x169: {  	v11 =	vld [tilespmem:s7+$0x14F30];
	v6 =	vadd.f32 v6, v9  }
0x16a: {  	v9 =	vld [tilespmem:s7+$0x14F40];
	v10 =	vadd.f32 v12, v10  }
0x16b: {  	v2 =	vadd.f32 v13, v2;
	v12 =	vld [tilespmem:s7+$0x14F50]  }
0x16c: {  	v3 =	vadd.f32 v8, v3;
	v8 =	vld [tilespmem:s7+$0x14F60]  }
0x16d: {  	v13 =	vld [tilespmem:s7+$0x15100];
	v4 =	vadd.f32 v14, v4  }
0x16e: {  	v14 =	vld [tilespmem:s7+$0x15110];
	v7 =	vadd.f32 v11, v7  }
0x16f: {  	v11 =	vld [tilespmem:s7+$0x15120];
	v5 =	vadd.f32 v9, v5  }
0x170: {  	v9 =	vld [tilespmem:s7+$0x15130];
	v6 =	vadd.f32 v12, v6  }
0x171: {  	v12 =	vld [tilespmem:s7+$0x15140];
	v8 =	vadd.f32 v8, v10  }
0x172: {  	v2 =	vadd.f32 v13, v2;
	v10 =	vld [tilespmem:s7+$0x15150]  }
0x173: {  	v3 =	vadd.f32 v14, v3;
	v13 =	vld [tilespmem:s7+$0x15160]  }
0x174: {  	v14 =	vld [tilespmem:s7+$0x15300];
	v4 =	vadd.f32 v11, v4  }
0x175: {  	v11 =	vld [tilespmem:s7+$0x15310];
	v7 =	vadd.f32 v9, v7  }
0x176: {  	v9 =	vld [tilespmem:s7+$0x15320];
	v5 =	vadd.f32 v12, v5  }
0x177: {  	v12 =	vld [tilespmem:s7+$0x15330];
	v6 =	vadd.f32 v10, v6  }
0x178: {  	v10 =	vld [tilespmem:s7+$0x15340];
	v8 =	vadd.f32 v13, v8  }
0x179: {  	v2 =	vadd.f32 v14, v2;
	v13 =	vld [tilespmem:s7+$0x15350]  }
0x17a: {  	v3 =	vadd.f32 v11, v3;
	v11 =	vld [tilespmem:s7+$0x15360]  }
0x17b: {  	v14 =	vld [tilespmem:s7+$0x15500];
	v4 =	vadd.f32 v9, v4  }
0x17c: {  	v9 =	vld [tilespmem:s7+$0x15510];
	v7 =	vadd.f32 v12, v7  }
0x17d: {  	v12 =	vld [tilespmem:s7+$0x15520];
	v5 =	vadd.f32 v10, v5  }
0x17e: {  	v10 =	vld [tilespmem:s7+$0x15530];
	v6 =	vadd.f32 v13, v6  }
0x17f: {  	v13 =	vld [tilespmem:s7+$0x15540];
	v8 =	vadd.f32 v11, v8  }
0x180: {  	v2 =	vadd.f32 v14, v2;
	v11 =	vld [tilespmem:s7+$0x15550]  }
0x181: {  	v3 =	vadd.f32 v9, v3;
	v9 =	vld [tilespmem:s7+$0x15560]  }
0x182: {  	v14 =	vld [tilespmem:s7+$0x15700];
	v4 =	vadd.f32 v12, v4  }
0x183: {  	v12 =	vld [tilespmem:s7+$0x15710];
	v7 =	vadd.f32 v10, v7  }
0x184: {  	v10 =	vld [tilespmem:s7+$0x15720];
	v5 =	vadd.f32 v13, v5  }
0x185: {  	v13 =	vld [tilespmem:s7+$0x15730];
	v6 =	vadd.f32 v11, v6  }
0x186: {  	v11 =	vld [tilespmem:s7+$0x15740];
	v8 =	vadd.f32 v9, v8  }
0x187: {  	v2 =	vadd.f32 v14, v2;
	v9 =	vld [tilespmem:s7+$0x15750]  }
0x188: {  	v3 =	vadd.f32 v12, v3;
	v12 =	vld [tilespmem:s7+$0x15760]  }
0x189: {  	v14 =	vld [tilespmem:s7+$0x15900];
	v4 =	vadd.f32 v10, v4  }
0x18a: {  	v10 =	vld [tilespmem:s7+$0x15910];
	v7 =	vadd.f32 v13, v7  }
0x18b: {  	v13 =	vld [tilespmem:s7+$0x15920];
	v5 =	vadd.f32 v11, v5  }
0x18c: {  	v11 =	vld [tilespmem:s7+$0x15930];
	v6 =	vadd.f32 v9, v6  }
0x18d: {  	v9 =	vld [tilespmem:s7+$0x15940];
	v8 =	vadd.f32 v12, v8  }
0x18e: {  	v2 =	vadd.f32 v14, v2;
	v12 =	vld [tilespmem:s7+$0x15950]  }
0x18f: {  	v3 =	vadd.f32 v10, v3;
	v10 =	vld [tilespmem:s7+$0x15960]  }
0x190: {  	v14 =	vld [tilespmem:s7+$0x15B00];
	v4 =	vadd.f32 v13, v4  }
0x191: {  	v13 =	vld [tilespmem:s7+$0x15B10];
	v7 =	vadd.f32 v11, v7  }
0x192: {  	v11 =	vld [tilespmem:s7+$0x15B20];
	v5 =	vadd.f32 v9, v5  }
0x193: {  	v9 =	vld [tilespmem:s7+$0x15B30];
	v6 =	vadd.f32 v12, v6  }
0x194: {  	v12 =	vld [tilespmem:s7+$0x15B40];
	v8 =	vadd.f32 v10, v8  }
0x195: {  	v2 =	vadd.f32 v14, v2;
	v10 =	vld [tilespmem:s7+$0x15B50]  }
0x196: {  	v3 =	vadd.f32 v13, v3;
	v13 =	vld [tilespmem:s7+$0x15B60]  }
0x197: {  	v14 =	vld [tilespmem:s7+$0x15D00];
	v4 =	vadd.f32 v11, v4  }
0x198: {  	v11 =	vld [tilespmem:s7+$0x15D10];
	v7 =	vadd.f32 v9, v7  }
0x199: {  	v9 =	vld [tilespmem:s7+$0x15D20];
	v5 =	vadd.f32 v12, v5  }
0x19a: {  	v12 =	vld [tilespmem:s7+$0x15D30];
	v6 =	vadd.f32 v10, v6  }
0x19b: {  	v10 =	vld [tilespmem:s7+$0x15D40];
	v8 =	vadd.f32 v13, v8  }
0x19c: {  	v2 =	vadd.f32 v14, v2;
	v13 =	vld [tilespmem:s7+$0x15D50]  }
0x19d: {  	v3 =	vadd.f32 v11, v3;
	v11 =	vld [tilespmem:s7+$0x15D60]  }
0x19e: {  	v14 =	vld [tilespmem:s7+$0x15F00];
	v4 =	vadd.f32 v9, v4  }
0x19f: {  	v9 =	vld [tilespmem:s7+$0x15F10];
	v7 =	vadd.f32 v12, v7  }
0x1a0: {  	v12 =	vld [tilespmem:s7+$0x15F20];
	v5 =	vadd.f32 v10, v5  }
0x1a1: {  	v10 =	vld [tilespmem:s7+$0x15F30];
	v6 =	vadd.f32 v13, v6  }
0x1a2: {  	v13 =	vld [tilespmem:s7+$0x15F40];
	v8 =	vadd.f32 v11, v8  }
0x1a3: {  	v2 =	vadd.f32 v14, v2;
	v11 =	vld [tilespmem:s7+$0x15F50]  }
0x1a4: {  	v3 =	vadd.f32 v9, v3;
	v9 =	vld [tilespmem:s7+$0x15F60]  }
0x1a5: {  	v14 =	vld [tilespmem:s7+$0x16100];
	v4 =	vadd.f32 v12, v4  }
0x1a6: {  	v12 =	vld [tilespmem:s7+$0x16110];
	v7 =	vadd.f32 v10, v7  }
0x1a7: {  	v10 =	vld [tilespmem:s7+$0x16120];
	v5 =	vadd.f32 v13, v5  }
0x1a8: {  	v13 =	vld [tilespmem:s7+$0x16130];
	v6 =	vadd.f32 v11, v6  }
0x1a9: {  	v11 =	vld [tilespmem:s7+$0x16140];
	v8 =	vadd.f32 v9, v8  }
0x1aa: {  	v2 =	vadd.f32 v14, v2;
	v9 =	vld [tilespmem:s7+$0x16150]  }
0x1ab: {  	v3 =	vadd.f32 v12, v3;
	v12 =	vld [tilespmem:s7+$0x16160]  }
0x1ac: {  	v14 =	vld [tilespmem:s7+$0x16300];
	v4 =	vadd.f32 v10, v4  }
0x1ad: {  	v10 =	vld [tilespmem:s7+$0x16310];
	v7 =	vadd.f32 v13, v7  }
0x1ae: {  	v13 =	vld [tilespmem:s7+$0x16320];
	v5 =	vadd.f32 v11, v5  }
0x1af: {  	v11 =	vld [tilespmem:s7+$0x16330];
	v6 =	vadd.f32 v9, v6  }
0x1b0: {  	v9 =	vld [tilespmem:s7+$0x16340];
	v12 =	vadd.f32 v12, v8  }
0x1b1: {  	v14 =	vadd.f32 v14, v2;
	v2 =	vld [tilespmem:s7+$0x16350]  }
0x1b2: {  	v3 =	vadd.f32 v10, v3;
	v10 =	vld [tilespmem:s7+$0x16360]  }
0x1b3: {  	v15 =	vld [tilespmem:s7+$0x16500];
	v13 =	vadd.f32 v13, v4  }
0x1b4: {  	v16 =	vld [tilespmem:s7+$0x16510];
	v8 =	vadd.f32 v11, v7  }
0x1b5: {  	v17 =	vld [tilespmem:s7+$0x16520];
	v4 =	vadd.f32 v9, v5  }
.Ltmp2:
0x1b6: {  	v9 =	vld [tilespmem:s7+$0x16530];
	v5 =	vadd.f32 v2, v6;
	(pc) =	sbr.rel @p0 .LBB2_6-.Ltmp2, $4  }
0x1b7: {  	v6 =	vld [tilespmem:s7+$0x16540];
	v2 =	vadd.f32 v10, v12  }
0x1b8: {  	v12 =	vadd.f32 v15, v14;
	v7 =	vld [tilespmem:s7+$0x16550]  }
0x1b9: {  	s9 =	sshra.s32 s8, $0x2;
	v11 =	vadd.f32 v16, v3;
	v10 =	vld [tilespmem:s7+$0x16560]  }
0x1ba: {  	s8 =	sadd.s32 $0x200, s8;
	v3 =	vld [tilespmem:s9+$0x14770];
	[tilespmem:s7+$0x12700] =	vst v12;
	v12 =	vadd.f32 v17, v13  }
0x1bb: {  	v13 =	vld [tilespmem:s9+$0x14970];
	[tilespmem:s7+$0x12710] =	vst v11  }
0x1bc: {  	v11 =	vld [tilespmem:s9+$0x14700];
	_ =	sdelay $0x1  }
0x1bd: {  	v8 =	vadd.f32 v9, v8  }
0x1be: {  	[tilespmem:s7+$0x12720] =	vst v12  }
0x1bf: {  	v4 =	vadd.f32 v6, v4;
	v54 =	vld [tilespmem:s9+$0x14B70];
	[tilespmem:s7+$0x12730] =	vst v8  }
0x1c0: {  	[tilespmem:$0x1FF90] =	vst v11  }
0x1c1: {  	v5 =	vadd.f32 v7, v5;
	v11 =	vld [tilespmem:s9+$0x14900];
	[tilespmem:s7+$0x12740] =	vst v4  }
0x1c2: {  	v2 =	vadd.f32 v10, v2;
	v4 =	vld [tilespmem:s9+$0x14D70]  }
0x1c3: {  	[tilespmem:s7+$0x12750] =	vst v5;
	v9 =	vld [tilespmem:$0x1FF90]  }
0x1c4: {  	v5 =	vld [tilespmem:s9+$0x14710];
	[tilespmem:s7+$0x12760] =	vst v2  }
0x1c5: {  	v2 =	vadd.f32 v13, v3;
	v3 =	vld [tilespmem:s9+$0x14F70]  }
0x1c6: {  	v55 =	vld [tilespmem:s9+$0x14910]  }
0x1c7: {  	v8 =	vld [tilespmem:s9+$0x15170]  }
0x1c8: {  	v56 =	vld [tilespmem:s9+$0x14720]  }
0x1c9: {  	v57 =	vld [tilespmem:s9+$0x15370]  }
0x1ca: {  	v10 =	vld [tilespmem:s9+$0x14920]  }
0x1cb: {  	v12 =	vld [tilespmem:s9+$0x14730]  }
0x1cc: {  	v58 =	vld [tilespmem:s9+$0x15770]  }
0x1cd: {  	v13 =	vld [tilespmem:s9+$0x14930]  }
0x1ce: {  	v59 =	vld [tilespmem:s9+$0x15970]  }
0x1cf: {  	v14 =	vld [tilespmem:s9+$0x14740]  }
0x1d0: {  	v15 =	vld [tilespmem:s9+$0x14940]  }
0x1d1: {  	v60 =	vld [tilespmem:s9+$0x15D70]  }
0x1d2: {  	v16 =	vld [tilespmem:s9+$0x14750]  }
0x1d3: {  	v61 =	vld [tilespmem:s9+$0x15F70]  }
0x1d4: {  	v17 =	vld [tilespmem:s9+$0x14950]  }
0x1d5: {  	v18 =	vld [tilespmem:s9+$0x14760]  }
0x1d6: {  	v62 =	vld [tilespmem:s9+$0x16370]  }
0x1d7: {  	v19 =	vld [tilespmem:s9+$0x14960]  }
0x1d8: {  	v63 =	vld [tilespmem:s9+$0x16570]  }
0x1d9: {  	v20 =	vld [tilespmem:s9+$0x14B00]  }
0x1da: {  	v21 =	vld [tilespmem:s9+$0x14B20]  }
0x1db: {  	v22 =	vld [tilespmem:s9+$0x14B40]  }
0x1dc: {  	v23 =	vld [tilespmem:s9+$0x14B60]  }
0x1dd: {  	v24 =	vld [tilespmem:s9+$0x14D10]  }
0x1de: {  	v25 =	vld [tilespmem:s9+$0x14D20]  }
0x1df: {  	v26 =	vld [tilespmem:s9+$0x14D30]  }
0x1e0: {  	v27 =	vld [tilespmem:s9+$0x14D40]  }
0x1e1: {  	v28 =	vld [tilespmem:s9+$0x14D50]  }
0x1e2: {  	v29 =	vld [tilespmem:s9+$0x14D60]  }
0x1e3: {  	v30 =	vld [tilespmem:s9+$0x14F00]  }
0x1e4: {  	v31 =	vld [tilespmem:s9+$0x14F10]  }
0x1e5: {  	v32 =	vld [tilespmem:s9+$0x14F20]  }
0x1e6: {  	v33 =	vld [tilespmem:s9+$0x14F30]  }
0x1e7: {  	v34 =	vld [tilespmem:s9+$0x14F40]  }
0x1e8: {  	v35 =	vld [tilespmem:s9+$0x14F50]  }
0x1e9: {  	v36 =	vld [tilespmem:s9+$0x14F60]  }
0x1ea: {  	v37 =	vld [tilespmem:s9+$0x15100]  }
0x1eb: {  	v38 =	vld [tilespmem:s9+$0x15110]  }
0x1ec: {  	v39 =	vld [tilespmem:s9+$0x15120]  }
0x1ed: {  	v40 =	vld [tilespmem:s9+$0x15130]  }
0x1ee: {  	v41 =	vld [tilespmem:s9+$0x15140]  }
0x1ef: {  	v42 =	vld [tilespmem:s9+$0x15150]  }
0x1f0: {  	v43 =	vld [tilespmem:s9+$0x15160]  }
0x1f1: {  	v44 =	vld [tilespmem:s9+$0x15300]  }
0x1f2: {  	v45 =	vld [tilespmem:s9+$0x15310]  }
0x1f3: {  	v46 =	vld [tilespmem:s9+$0x15320]  }
0x1f4: {  	v47 =	vld [tilespmem:s9+$0x15330]  }
0x1f5: {  	v48 =	vld [tilespmem:s9+$0x15340]  }
0x1f6: {  	v49 =	vld [tilespmem:s9+$0x15350]  }
0x1f7: {  	v50 =	vld [tilespmem:s9+$0x15360]  }
0x1f8: {  	v51 =	vld [tilespmem:s9+$0x15500]  }
0x1f9: {  	v52 =	vld [tilespmem:s9+$0x15510]  }
0x1fa: {  	v53 =	vld [tilespmem:s9+$0x15520]  }
0x1fb: {  	v6 =	vld [tilespmem:s9+$0x15760];
	v2 =	vadd.f32 v54, v2  }
0x1fc: {  	v54 =	vld [tilespmem:s9+$0x15530]  }
0x1fd: {  	v2 =	vadd.f32 v4, v2;
	v4 =	vld [tilespmem:s9+$0x14B50]  }
0x1fe: {  	[tilespmem:$0x1FFA0] =	vst v5;
	v5 =	vld [tilespmem:s9+$0x15900]  }
0x1ff: {  	v2 =	vadd.f32 v3, v2;
	v3 =	vld [tilespmem:s9+$0x15570]  }
0x200: {  	[tilespmem:$0x1FFB0] =	vst v55;
	v55 =	vld [tilespmem:s9+$0x15540]  }
0x201: {  	[tilespmem:$0x1FFC0] =	vst v56;
	v56 =	vld [tilespmem:s9+$0x15550]  }
0x202: {  	v7 =	vld [tilespmem:$0x1FFA0]  }
0x203: {  	v12 =	vadd.f32 v13, v12;
	v13 =	vadd.f32 v15, v14;
	v14 =	vld [tilespmem:s9+$0x15920]  }
0x204: {  	v15 =	vadd.f32 v17, v16;
	v17 =	vld [tilespmem:s9+$0x15930]  }
0x205: {  	v11 =	vadd.f32 v11, v9;
	v16 =	vadd.f32 v19, v18;
	v18 =	vld [tilespmem:s9+$0x15B10]  }
0x206: {  	v19 =	vld [tilespmem:s9+$0x15B20]  }
0x207: {  	v11 =	vadd.f32 v20, v11;
	v20 =	vld [tilespmem:s9+$0x15B30]  }
0x208: {  	v9 =	vld [tilespmem:$0x1FFB0]  }
0x209: {  	v2 =	vadd.f32 v8, v2;
	v8 =	vld [tilespmem:s9+$0x14B30]  }
0x20a: {  	v13 =	vadd.f32 v22, v13;
	v22 =	vld [tilespmem:s9+$0x15B50]  }
0x20b: {  	v16 =	vadd.f32 v23, v16;
	v23 =	vld [tilespmem:s9+$0x15B60]  }
0x20c: {  	v4 =	vadd.f32 v4, v15;
	v15 =	vld [tilespmem:s9+$0x15960]  }
0x20d: {  	v2 =	vadd.f32 v57, v2;
	v57 =	vld [tilespmem:s9+$0x15560]  }
0x20e: {  	v13 =	vadd.f32 v27, v13;
	v27 =	vld [tilespmem:s9+$0x15D30]  }
0x20f: {  	v16 =	vadd.f32 v29, v16;
	v29 =	vld [tilespmem:s9+$0x15D50]  }
0x210: {  	v4 =	vadd.f32 v28, v4;
	v28 =	vld [tilespmem:s9+$0x15D40];
	v2 =	vadd.f32 v3, v2  }
0x211: {  	v3 =	vld [tilespmem:s9+$0x15B70]  }
0x212: {  	v7 =	vadd.f32 v9, v7;
	v9 =	vld [tilespmem:$0x1FFC0];
	v2 =	vadd.f32 v58, v2  }
0x213: {  	v13 =	vadd.f32 v34, v13;
	v8 =	vadd.f32 v8, v12;
	v12 =	vld [tilespmem:s9+$0x15950]  }
0x214: {  	v16 =	vadd.f32 v36, v16;
	v58 =	vld [tilespmem:s9+$0x15700];
	v2 =	vadd.f32 v59, v2  }
0x215: {  	v4 =	vadd.f32 v35, v4;
	v13 =	vadd.f32 v41, v13;
	v41 =	vld [tilespmem:s9+$0x15F50]  }
0x216: {  	v16 =	vadd.f32 v43, v16;
	v43 =	vld [tilespmem:s9+$0x16100];
	v2 =	vadd.f32 v3, v2  }
0x217: {  	v8 =	vadd.f32 v26, v8;
	v3 =	vld [tilespmem:s9+$0x16170]  }
0x218: {  	v26 =	vld [tilespmem:s9+$0x15D20];
	v4 =	vadd.f32 v42, v4;
	v2 =	vadd.f32 v60, v2  }
0x219: {  	v42 =	vld [tilespmem:s9+$0x15F60];
	v13 =	vadd.f32 v48, v13;
	v9 =	vadd.f32 v10, v9  }
0x21a: {  	v59 =	vld [tilespmem:s9+$0x15710];
	v16 =	vadd.f32 v50, v16;
	v2 =	vadd.f32 v61, v2  }
0x21b: {  	v48 =	vld [tilespmem:s9+$0x16150];
	v8 =	vadd.f32 v33, v8;
	v9 =	vadd.f32 v21, v9  }
0x21c: {  	v50 =	vld [tilespmem:s9+$0x16300];
	v4 =	vadd.f32 v49, v4;
	v2 =	vadd.f32 v3, v2  }
0x21d: {  	v10 =	vld [tilespmem:s9+$0x15910];
	v13 =	vadd.f32 v55, v13;
	v9 =	vadd.f32 v25, v9  }
0x21e: {  	v8 =	vadd.f32 v40, v8;
	v61 =	vld [tilespmem:s9+$0x15730];
	v2 =	vadd.f32 v62, v2  }
0x21f: {  	v16 =	vadd.f32 v57, v16;
	v9 =	vadd.f32 v32, v9;
	v3 =	vld [tilespmem:s9+$0x14B10]  }
0x220: {  	v49 =	vld [tilespmem:s9+$0x16160];
	v8 =	vadd.f32 v47, v8;
	v2 =	vadd.f32 v63, v2  }
0x221: {  	v60 =	vld [tilespmem:s9+$0x15720];
	v6 =	vadd.f32 v6, v16;
	v9 =	vadd.f32 v39, v9  }
0x222: {  	v4 =	vadd.f32 v56, v4;
	v8 =	vadd.f32 v54, v8;
	[tilespmem:s9+$0x12770] =	vst v2;
	v2 =	vld [tilespmem:s9+$0x14D00]  }
0x223: {  	v6 =	vadd.f32 v15, v6;
	v62 =	vld [tilespmem:s9+$0x15740];
	v9 =	vadd.f32 v46, v9  }
0x224: {  	v55 =	vld [tilespmem:s9+$0x15F20];
	v8 =	vadd.f32 v61, v8;
	v3 =	vadd.f32 v3, v7  }
0x225: {  	v6 =	vadd.f32 v23, v6;
	v63 =	vld [tilespmem:s9+$0x15750];
	v9 =	vadd.f32 v53, v9  }
0x226: {  	v57 =	vld [tilespmem:s9+$0x15F30];
	v8 =	vadd.f32 v17, v8;
	v3 =	vadd.f32 v24, v3  }
0x227: {  	v7 =	vld [tilespmem:s9+$0x15940];
	v9 =	vadd.f32 v60, v9;
	v2 =	vadd.f32 v2, v11  }
0x228: {  	v21 =	vld [tilespmem:s9+$0x15B40];
	v13 =	vadd.f32 v62, v13;
	v8 =	vadd.f32 v20, v8  }
0x229: {  	v40 =	vld [tilespmem:s9+$0x15F40];
	v3 =	vadd.f32 v31, v3;
	v2 =	vadd.f32 v30, v2  }
0x22a: {  	v56 =	vld [tilespmem:s9+$0x16360];
	v4 =	vadd.f32 v63, v4;
	v9 =	vadd.f32 v14, v9  }
0x22b: {  	v25 =	vld [tilespmem:s9+$0x15D10];
	v8 =	vadd.f32 v27, v8;
	v2 =	vadd.f32 v37, v2  }
0x22c: {  	v47 =	vld [tilespmem:s9+$0x16140];
	v7 =	vadd.f32 v7, v13;
	v3 =	vadd.f32 v38, v3  }
0x22d: {  	v32 =	vld [tilespmem:s9+$0x15F10];
	v4 =	vadd.f32 v12, v4;
	v2 =	vadd.f32 v44, v2  }
0x22e: {  	v46 =	vld [tilespmem:s9+$0x16130];
	v9 =	vadd.f32 v19, v9;
	v3 =	vadd.f32 v45, v3  }
0x22f: {  	v54 =	vld [tilespmem:s9+$0x16340];
	v8 =	vadd.f32 v57, v8;
	v2 =	vadd.f32 v51, v2  }
0x230: {  	v11 =	vld [tilespmem:s9+$0x15B00];
	v7 =	vadd.f32 v21, v7;
	v3 =	vadd.f32 v52, v3  }
0x231: {  	v53 =	vld [tilespmem:s9+$0x16330];
	v4 =	vadd.f32 v22, v4;
	v2 =	vadd.f32 v58, v2  }
0x232: {  	v24 =	vld [tilespmem:s9+$0x15D00];
	v9 =	vadd.f32 v26, v9;
	v3 =	vadd.f32 v59, v3  }
0x233: {  	v60 =	vld [tilespmem:s9+$0x16530];
	v8 =	vadd.f32 v46, v8;
	v2 =	vadd.f32 v5, v2  }
0x234: {  	v31 =	vld [tilespmem:s9+$0x15F00];
	v7 =	vadd.f32 v28, v7;
	v3 =	vadd.f32 v10, v3  }
0x235: {  	v30 =	vld [tilespmem:s9+$0x15D60];
	v4 =	vadd.f32 v29, v4;
	v2 =	vadd.f32 v11, v2  }
0x236: {  	v45 =	vld [tilespmem:s9+$0x16120];
	v9 =	vadd.f32 v55, v9;
	v3 =	vadd.f32 v18, v3  }
0x237: {  	v8 =	vadd.f32 v53, v8;
	v44 =	vld [tilespmem:s9+$0x16110];
	v2 =	vadd.f32 v24, v2  }
0x238: {  	v57 =	vld [tilespmem:s9+$0x16500];
	v7 =	vadd.f32 v40, v7;
	v3 =	vadd.f32 v25, v3  }
0x239: {  	v4 =	vadd.f32 v41, v4;
	v51 =	vld [tilespmem:s9+$0x16310];
	v2 =	vadd.f32 v31, v2  }
0x23a: {  	v52 =	vld [tilespmem:s9+$0x16320];
	v6 =	vadd.f32 v30, v6;
	v3 =	vadd.f32 v32, v3  }
0x23b: {  	v9 =	vadd.f32 v45, v9;
	v58 =	vld [tilespmem:s9+$0x16510];
	v2 =	vadd.f32 v43, v2  }
0x23c: {  	v59 =	vld [tilespmem:s9+$0x16520];
	v7 =	vadd.f32 v47, v7;
	v3 =	vadd.f32 v44, v3  }
0x23d: {  	v55 =	vld [tilespmem:s9+$0x16350];
	v4 =	vadd.f32 v48, v4;
	v2 =	vadd.f32 v50, v2  }
0x23e: {  	v61 =	vld [tilespmem:s9+$0x16540];
	v6 =	vadd.f32 v42, v6;
	v3 =	vadd.f32 v51, v3  }
0x23f: {  	v62 =	vld [tilespmem:s9+$0x16550];
	v9 =	vadd.f32 v52, v9;
	v2 =	vadd.f32 v57, v2  }
0x240: {  	v63 =	vld [tilespmem:s9+$0x16560];
	v7 =	vadd.f32 v54, v7;
	v3 =	vadd.f32 v58, v3  }
0x241: {  	v6 =	vadd.f32 v49, v6;
	[tilespmem:s9+$0x12700] =	vst v2;
	v2 =	vadd.f32 v59, v9  }
0x242: {  	v4 =	vadd.f32 v55, v4;
	[tilespmem:s9+$0x12710] =	vst v3;
	v3 =	vadd.f32 v60, v8  }
0x243: {  	v6 =	vadd.f32 v56, v6;
	[tilespmem:s9+$0x12720] =	vst v2;
	v2 =	vadd.f32 v61, v7  }
0x244: {  	[tilespmem:s9+$0x12730] =	vst v3;
	v3 =	vadd.f32 v62, v4  }
0x245: {  	[tilespmem:s9+$0x12740] =	vst v2;
	v2 =	vadd.f32 v63, v6  }
0x246: {  	[tilespmem:s9+$0x12750] =	vst v3  }
0x247: {  	s17 =	rddreg [dreg:$0xe];
	[tilespmem:s9+$0x12760] =	vst v2  }
0x248: {  	[hbm4b:s17+s5] =	stream.linear.scatter [tilespmem:s0], [sflag:$0x5], $0x200, $0x38;
	[tilespmem:$0x18700] =	vst v63  }
0x249: {  	_ =	swait.ge [sflag:s2], $0x200  }
0x24a: {  	s6 =	sadd.s32 $0x1, s6;
	s18 =	rddreg [dreg:$0xf]  }
0x24b: {  	p0 =	sne.s32 s6, s18  }
.Ltmp3:
0x24c: {  	_ = 	snop;
	(pc) =	sbr.rel @p0 .LBB2_1-.Ltmp3, $3  }
0x24d: {  	_ =	sdelay $0x1  }
0x24e: {  	[sflag:s2] =	ssyncset.done $0x0  }
0x24f: {  	[sflag:s2] =	ssyncadd.s32 $0xFFFFFE00  }
0x250: {  	_ =	sfence.sel $0x180000  }
0x251: {  	[bflag:$0x0] =	sbarrier.arrive $0xFFFF  }
0x252: {  	_ =	strace $0x9000004A  }
0x253: {  	s0 =	stileid.u32;
	[bflag:$0x2] =	sbarrier.arrive $0xFFFF  }
0x254: {  	p0 =	sne.s32 s0, $0x0;
	s0 =	rddreg [dreg:$0x5]  }
0x255: {  	s0 =	sadd.s32 @!p0 $0x100000, s0  }
0x256: {  	[sflag:s0] =	ssyncadd.tile.s32 @!p0 $0x1;
	_ =	shalt  }
.Lfunc_end2:
_tile_overlayer_lowered:
.L_overlay_start_2:
0x257: {  	(tag) =	ssettag $0x2  }
0x258: {  	s0 =	rddreg [dreg:$0x0];
	s2 =	stileid.u32  }
0x259: {  	s1 =	rddreg [dreg:$0x1];
	p0 =	sne.s32 s2, $0x0  }
0x25a: {  	s3 =	rddreg [dreg:$0x2];
	[bflag:$0x3] =	sbarrier.arrive $0xFFFF;
	s2 =	simm.s32 @!p0 $0x1C05  }
0x25b: {  	[timem:s3], [sflag:s2] =	dma.local @!p0 [hbm:s0], s1  }
0x25c: {  	s0 =	simm.s32 @!p0 $0x5  }
0x25d: {  	_ =	swait.ge @!p0 [sflag:s0], s1  }
0x25e: {  	s1 =	ssub.s32 @!p0 $0x0, s1;
	[sflag:s0] =	ssyncset.done @!p0 $0x0  }
0x25f: {  	[sflag:s0] =	ssyncadd.s32 @!p0 s1  }
0x260: {  	[bflag:$0x3] =	sbarrier.arrive $0xFFFF  }
0x261: {  	_ =	shalt  }

</sc_bundles>
